<compile_context>
chip_gen: v7x
topology: tpu7x:2x2x1
jax: 0.10.2.dev20260603
libtpu: 0.0.44.dev20260713+nightly
codegen_flags: <defaults>
</compile_context>

<pallas_src>
import functools

import jax
import jax.numpy as jnp
from jax import lax
from jax.experimental import pallas as pl
from jax.experimental.pallas import tpu as pltpu
from jax.experimental.pallas import tpu_sc as plsc

N = 10000
D = 128
E = 320000
NC, NS = 2, 16
NW = NC * NS
CB = 125
CH = 80
ND = 10240
RPTD = ND // NS
TAILR = N - (NS - 1) * RPTD
IR = 4


def _mesh():
    return plsc.VectorSubcoreMesh(core_axis_name="c", subcore_axis_name="s")


def _make_deg():

    @functools.partial(
        pl.kernel,
        out_type=jax.ShapeDtypeStruct((NC, ND), jnp.float32),
        mesh=_mesh(),
        scratch_types=[
            pltpu.VMEM((CH, CB), jnp.int32),
            pltpu.VMEM((128,), jnp.float32),
            pltpu.VMEM((RPTD,), jnp.float32),
            pltpu.VMEM_SHARED((ND,), jnp.float32),
            pltpu.SemaphoreType.DMA,
        ],
    )
    def deg(sdw, out, idx_v, ones_v, zvec, accd, ssem):
        c = lax.axis_index("c")
        s = lax.axis_index("s")
        wid = c * NS + s

        def fill_ones(k, carry):
            ones_v[pl.ds(k * 16, 16)] = jnp.full((16,), 1.0, jnp.float32)
            return carry

        lax.fori_loop(0, 8, fill_ones, 0)

        def fill_zero(k, carry):
            zvec[pl.ds(k * 16, 16)] = jnp.zeros((16,), jnp.float32)
            return carry

        lax.fori_loop(0, RPTD // 16, fill_zero, 0)
        pltpu.sync_copy(zvec, accd.at[pl.ds(s * RPTD, RPTD)])
        pltpu.sync_copy(sdw.at[1, wid], idx_v)
        plsc.subcore_barrier()

        def chunk(j, carry):
            pltpu.async_copy(ones_v.at[pl.ds(0, CB)], accd.at[idx_v.at[j]],
                             ssem, add=True).wait()
            return carry

        lax.fori_loop(0, CH, chunk, 0)
        plsc.subcore_barrier()

        pltpu.sync_copy(accd.at[pl.ds(s * RPTD, RPTD)],
                        out.at[c, pl.ds(s * RPTD, RPTD)])

    return deg


def _make_agg():

    @functools.partial(
        pl.kernel,
        out_type=jax.ShapeDtypeStruct((NC, N, D), jnp.float32),
        mesh=_mesh(),
        scratch_types=[
            pltpu.VMEM((IR, 2, CB), jnp.int32),
            pltpu.VMEM((2, CB, D), jnp.float32),
            pltpu.VMEM_SHARED((ND, D), jnp.float32),
            pltpu.SemaphoreType.DMA,
            pltpu.SemaphoreType.DMA,
            pltpu.SemaphoreType.DMA,
            pltpu.SemaphoreType.DMA,
        ],
    )
    def agg(g_hbm, sdw, out, idx_v, rows_v, acc, isem, gsem,
            ssem0, ssem1):
        c = lax.axis_index("c")
        s = lax.axis_index("s")
        wid = c * NS + s

        def fill_zero(k, carry):
            rows_v[0, k // 8, pl.ds((k % 8) * 16, 16)] = jnp.zeros(
                (16,), jnp.float32)
            return carry

        lax.fori_loop(0, CB * (D // 16), fill_zero, 0)

        def zero_acc(j, carry):
            pltpu.sync_copy(rows_v.at[0, pl.ds(0, 120)],
                            acc.at[pl.ds(s * RPTD + j * 120, 120)])
            return carry

        lax.fori_loop(0, 5, zero_acc, 0)
        pltpu.sync_copy(rows_v.at[0, pl.ds(0, 40)],
                        acc.at[pl.ds(s * RPTD + 600, 40)])
        plsc.subcore_barrier()

        ssems = (ssem0, ssem1)

        def idx_dma(j, d):
            return pltpu.make_async_copy(sdw.at[d, wid, j],
                                         idx_v.at[lax.rem(j, IR), d], isem)

        def idx_start(j):
            idx_dma(j, 0).start()
            idx_dma(j, 1).start()

        def idx_wait(j):
            idx_dma(j, 0).wait()
            idx_dma(j, 1).wait()

        def gather(j, b):
            return pltpu.make_async_copy(
                g_hbm.at[idx_v.at[lax.rem(j, IR), 0]], rows_v.at[b], gsem)

        def scatter(j, b):
            return pltpu.make_async_copy(
                rows_v.at[b], acc.at[idx_v.at[lax.rem(j, IR), 1]], ssems[b])

        idx_start(0)
        idx_start(1)
        idx_start(2)
        idx_wait(0)
        pltpu.async_copy(g_hbm.at[idx_v.at[0, 0]], rows_v.at[0], gsem)

        def pipe(i, carry):
            for b in range(2):
                j = 2 * i + b
                gather(j, b).wait()
                pltpu.async_copy(rows_v.at[b],
                                 acc.at[idx_v.at[lax.rem(j, IR), 1]],
                                 ssems[b], add=True)

                @pl.when(j >= 1)
                def _drain_other():
                    scatter(j - 1, 1 - b).wait()

                @pl.when(j + 1 < CH)
                def _next_gather():
                    idx_wait(j + 1)
                    gather(j + 1, 1 - b).start()

                @pl.when(j + 3 < CH)
                def _next_idx():
                    idx_start(j + 3)
            return carry

        lax.fori_loop(0, CH // 2, pipe, 0)
        scatter(CH - 1, 1).wait()
        plsc.subcore_barrier()

        @pl.when(s < NS - 1)
        def _dump_full():
            pltpu.sync_copy(acc.at[pl.ds(s * RPTD, RPTD)],
                            out.at[c, pl.ds(s * RPTD, RPTD)])

        @pl.when(s == NS - 1)
        def _dump_tail():
            pltpu.sync_copy(acc.at[pl.ds((NS - 1) * RPTD, TAILR)],
                            out.at[c, pl.ds((NS - 1) * RPTD, TAILR)])

    return agg


_R = 1000


def _dinv(d0, d1):
    return lax.rsqrt(jnp.maximum(d0 + d1 + 1.0, 1.0))


def _g1_body(x_ref, w_ref, d0_ref, d1_ref, o_ref):
    h = jnp.dot(x_ref[...], w_ref[...], preferred_element_type=jnp.float32)
    o_ref[...] = h * _dinv(d0_ref[...], d1_ref[...])


def _mm_scale(xp, w, d0, d1):
    return pl.pallas_call(
        _g1_body,
        grid=(N // _R,),
        in_specs=[
            pl.BlockSpec((_R, D), lambda i: (i, 0)),
            pl.BlockSpec((D, D), lambda i: (0, 0)),
            pl.BlockSpec((_R, 1), lambda i: (i, 0)),
            pl.BlockSpec((_R, 1), lambda i: (i, 0)),
        ],
        out_specs=pl.BlockSpec((_R, D), lambda i: (i, 0)),
        out_shape=jax.ShapeDtypeStruct((N, D), jnp.float32),
    )(xp, w, d0, d1)


def _mid_body(z0_ref, z1_ref, g1_ref, d0_ref, d1_ref, b1_ref, a1_ref, w2_ref,
              o_ref):
    dinv = _dinv(d0_ref[...], d1_ref[...])
    z = z0_ref[...] + z1_ref[...] + g1_ref[...]
    out1 = z * dinv + b1_ref[...]
    h = jnp.where(out1 >= 0.0, out1, a1_ref[...] * out1)
    o_ref[...] = jnp.dot(h, w2_ref[...],
                         preferred_element_type=jnp.float32) * dinv


def _mid(zf, g1, df, b1, a1, w2):
    nb = N // _R
    return pl.pallas_call(
        _mid_body,
        grid=(nb,),
        in_specs=[
            pl.BlockSpec((_R, D), lambda i: (i, 0)),
            pl.BlockSpec((_R, D), lambda i: (i + nb, 0)),
            pl.BlockSpec((_R, D), lambda i: (i, 0)),
            pl.BlockSpec((_R, 1), lambda i: (i, 0)),
            pl.BlockSpec((_R, 1), lambda i: (i + nb, 0)),
            pl.BlockSpec((1, D), lambda i: (0, 0)),
            pl.BlockSpec((1, D), lambda i: (0, 0)),
            pl.BlockSpec((D, D), lambda i: (0, 0)),
        ],
        out_specs=pl.BlockSpec((_R, D), lambda i: (i, 0)),
        out_shape=jax.ShapeDtypeStruct((N, D), jnp.float32),
    )(zf, zf, g1, df, df, b1, a1, w2)


def _final_body(z0_ref, z1_ref, g2_ref, d0_ref, d1_ref, b2_ref, o_ref):
    dinv = _dinv(d0_ref[...], d1_ref[...])
    z = z0_ref[...] + z1_ref[...] + g2_ref[...]
    o_ref[...] = z * dinv + b2_ref[...]


def _final(zf, g2, df, b2):
    nb = N // _R
    return pl.pallas_call(
        _final_body,
        grid=(nb,),
        in_specs=[
            pl.BlockSpec((_R, D), lambda i: (i, 0)),
            pl.BlockSpec((_R, D), lambda i: (i + nb, 0)),
            pl.BlockSpec((_R, D), lambda i: (i, 0)),
            pl.BlockSpec((_R, 1), lambda i: (i, 0)),
            pl.BlockSpec((_R, 1), lambda i: (i + nb, 0)),
            pl.BlockSpec((1, D), lambda i: (0, 0)),
        ],
        out_specs=pl.BlockSpec((_R, D), lambda i: (i, 0)),
        out_shape=jax.ShapeDtypeStruct((N, D), jnp.float32),
    )(zf, zf, g2, df, df, b2)


def kernel(x, edge_index, W1, b1, a1, W2, b2):
    sdw = edge_index.astype(jnp.int32).reshape(2, NW, CH, CB)

    degs = _make_deg()(sdw)
    df = degs[:, :N].reshape(NC * N, 1)
    g1 = _mm_scale(x, W1, df[:N], df[N:])

    agg = _make_agg()
    z1 = agg(g1, sdw).reshape(NC * N, D)
    g2 = _mid(z1, g1, df, b1.reshape(1, D), a1.reshape(1, D), W2)
    z2 = agg(g2, sdw).reshape(NC * N, D)
    return _final(z2, g2, df, b2.reshape(1, D))

# --- scband reference (transcript-rebuilt; emitter-appended) ---
"""Pipeline reference for scband-encoder-24704651886797 (READ-ONLY COPY).

The authoritative reference and input builder live on the scoring server;
editing this copy changes nothing except your own understanding.
"""

import jax, jax.numpy as jnp
import numpy as np

N_NODES = 10000
D_IN = 128
D_HID = 128
D_OUT = 128
N_EDGES = 320000


def gcn_conv(x, edge_index, W, b):
    num_nodes = x.shape[0]
    h = x @ W
    src = edge_index[0]
    dst = edge_index[1]
    loop = jnp.arange(num_nodes, dtype=src.dtype)
    src = jnp.concatenate([src, loop])
    dst = jnp.concatenate([dst, loop])
    deg = jnp.zeros((num_nodes,), dtype=h.dtype).at[dst].add(1.0)
    dinv = jax.lax.rsqrt(jnp.maximum(deg, 1.0))
    norm = dinv[src] * dinv[dst]
    msg = h[src] * norm[:, None]
    out = jnp.zeros((num_nodes, h.shape[1]), dtype=h.dtype).at[dst].add(msg)
    return out + b


def prelu(x, a):
    return jnp.where(x >= 0, x, a[None, :] * x)


def setup_inputs(seed: int = 0) -> dict:
    key = jax.random.key(seed)
    k_x, k_ei, k_w1, k_b1, k_w2, k_b2 = jax.random.split(key, 6)
    x = jax.random.normal(k_x, (N_NODES, D_IN), dtype=jnp.float32)
    edge_index = jax.random.randint(k_ei, (2, N_EDGES), 0, N_NODES, dtype=jnp.int64)
    s1 = 1.0 / np.sqrt(D_IN)
    W1 = jax.random.uniform(k_w1, (D_IN, D_HID), minval=-s1, maxval=s1, dtype=jnp.float32)
    b1 = jax.random.uniform(k_b1, (D_HID,), minval=-s1, maxval=s1, dtype=jnp.float32)
    a1 = jnp.full((D_HID,), 0.25, dtype=jnp.float32)
    s2 = 1.0 / np.sqrt(D_HID)
    W2 = jax.random.uniform(k_w2, (D_HID, D_OUT), minval=-s2, maxval=s2, dtype=jnp.float32)
    b2 = jax.random.uniform(k_b2, (D_OUT,), minval=-s2, maxval=s2, dtype=jnp.float32)
    return {"x": x, "edge_index": edge_index, "W1": W1, "b1": b1, "a1": a1, "W2": W2, "b2": b2}


def reference(x, edge_index, W1, b1, a1, W2, b2):
    # dropout(p=0.5) is identity in eval mode
    h = gcn_conv(x, edge_index, W1, b1)
    h = prelu(h, a1)
    out = gcn_conv(h, edge_index, W2, b2)
    return out

if __name__ == "__main__":
    import jax
    _d = setup_inputs()
    print(jax.jit(kernel)(*tuple(_d.values())))

</pallas_src>

<mosaic_0001>
#map = affine_map<(d0, d1) -> (0, 0)>
#map1 = affine_map<(d0, d1) -> (0, 0, 0, 0)>
#map2 = affine_map<(d0, d1) -> (0, 0, 0)>
module attributes {stable_mosaic.version = 14 : i64} {
  func.func @agg(%arg0: i32, %arg1: i32, %arg2: memref<10000x128xf32, #tpu.memory_space<hbm>>, %arg3: memref<2x32x80x125xi32, #tpu.memory_space<hbm>>, %arg4: memref<2x10000x128xf32, #tpu.memory_space<hbm>>, %arg5: memref<4x2x125xi32, #tpu.memory_space<vmem>>, %arg6: memref<2x125x128xf32, #tpu.memory_space<vmem>>, %arg7: memref<10240x128xf32, #tpu.memory_space<vmem_shared>>, %arg8: memref<!tpu.dma_semaphore, #tpu.memory_space<semaphore_mem>>, %arg9: memref<!tpu.dma_semaphore, #tpu.memory_space<semaphore_mem>>, %arg10: memref<!tpu.dma_semaphore, #tpu.memory_space<semaphore_mem>>, %arg11: memref<!tpu.dma_semaphore, #tpu.memory_space<semaphore_mem>>) attributes {dimension_semantics = [#tpu.dimension_semantics<core_parallel>, #tpu.dimension_semantics<subcore_parallel>], iteration_bounds = array<i64: 2, 16>, scalar_prefetch = 0 : i64, scratch_operands = 7 : i64, tpu.core_type = #tpu.core_type<sc_vector_subcore>, window_params = [{transform_indices = #map}, {transform_indices = #map1}, {transform_indices = #map2}]} {
    %mul3A = arith.constant 16 : i32
    %mul3A_0 = arith.muli %arg0, %mul3A : i32
    %add3A = arith.addi %mul3A_0, %arg1 : i32
    %scan3A = arith.constant 0 : i32
    %scan3A_1 = arith.constant 0 : i32
    %scan3A_2 = arith.constant 1000 : i32
    %scan3A_3 = arith.addi %scan3A_1, %scan3A_2 : i32
    %scan3A_4 = arith.constant 1 : i32
    scf.for %scan3A_198 = %scan3A_1 to %scan3A_3 step %scan3A_4  : i32 {
      %broadcast_in_dim3A = arith.constant 0.000000e+00 : f32
      %broadcast_in_dim3A_199 = vector.broadcast %broadcast_in_dim3A : f32 to vector<16xf32>
      %jit3A = arith.constant 8 : i32
      %div3A = arith.divsi %scan3A_198, %jit3A : i32
      %sign3A = arith.constant 0 : i32
      %sign3A_200 = arith.cmpi sgt, %scan3A_198, %sign3A : i32
      %sign3A_201 = arith.extui %sign3A_200 : i1 to i32
      %sign3A_202 = arith.constant 0 : i32
      %sign3A_203 = arith.cmpi slt, %scan3A_198, %sign3A_202 : i32
      %sign3A_204 = arith.extui %sign3A_203 : i1 to i32
      %sign3A_205 = arith.subi %sign3A_201, %sign3A_204 : i32
      %sign3A_206 = arith.constant 0 : i32
      %sign3A_207 = arith.cmpi sgt, %jit3A, %sign3A_206 : i32
      %sign3A_208 = arith.extui %sign3A_207 : i1 to i32
      %sign3A_209 = arith.constant 0 : i32
      %sign3A_210 = arith.cmpi slt, %jit3A, %sign3A_209 : i32
      %sign3A_211 = arith.extui %sign3A_210 : i1 to i32
      %sign3A_212 = arith.subi %sign3A_208, %sign3A_211 : i32
      %ne3A = arith.cmpi ne, %sign3A_205, %sign3A_212 : i32
      %rem3A_213 = arith.remsi %scan3A_198, %jit3A : i32
      %ne3A_214 = arith.constant 0 : i32
      %ne3A_215 = arith.cmpi ne, %rem3A_213, %ne3A_214 : i32
      %and3A = arith.andi %ne3A, %ne3A_215 : i1
      %sub3A = arith.constant 1 : i32
      %sub3A_216 = arith.subi %div3A, %sub3A : i32
      %select_n3A = arith.select %and3A, %sub3A_216, %div3A : i32
      %jit3A_217 = arith.constant 8 : i32
      %eq3A_218 = arith.constant 0 : i32
      %eq3A_219 = arith.cmpi eq, %jit3A_217, %eq3A_218 : i32
      %jit3A_220 = arith.constant 1 : i32
      %select_n3A_221 = arith.select %eq3A_219, %jit3A_220, %jit3A_217 : i32
      %rem3A_222 = arith.remsi %scan3A_198, %select_n3A_221 : i32
      %ne3A_223 = arith.constant 0 : i32
      %ne3A_224 = arith.cmpi ne, %rem3A_222, %ne3A_223 : i32
      %lt3A_225 = arith.constant 0 : i32
      %lt3A_226 = arith.cmpi slt, %rem3A_222, %lt3A_225 : i32
      %lt3A_227 = arith.constant 0 : i32
      %lt3A_228 = arith.cmpi slt, %select_n3A_221, %lt3A_227 : i32
      %ne3A_229 = arith.xori %lt3A_226, %lt3A_228 : i1
      %and3A_230 = arith.andi %ne3A_229, %ne3A_224 : i1
      %add3A_231 = arith.addi %rem3A_222, %select_n3A_221 : i32
      %select_n3A_232 = arith.select %and3A_230, %add3A_231, %rem3A_222 : i32
      %mul3A_233 = arith.constant 16 : i32
      %mul3A_234 = arith.muli %select_n3A_232, %mul3A_233 : i32
      %swap3A = arith.constant 0 : i32
      %swap3A_235 = arith.index_cast %swap3A : i32 to index
      %swap3A_236 = arith.index_cast %select_n3A : i32 to index
      %swap3A_237 = arith.index_cast %mul3A_234 : i32 to index
      %swap3A_238 = tpu.vector_load %arg6[%swap3A_235, %swap3A_236, %swap3A_237] {strides = array<i32>} : memref<2x125x128xf32, #tpu.memory_space<vmem>>, vector<1x1x16xf32>,
      %swap3A_239 = vector.shape_cast %swap3A_238 : vector<1x1x16xf32> to vector<16xf32>
      %swap3A_240 = vector.shape_cast %broadcast_in_dim3A_199 : vector<16xf32> to vector<1x1x16xf32>
      tpu.vector_store %arg6[%swap3A_235, %swap3A_236, %swap3A_237], %swap3A_240 {strides = array<i32>} : memref<2x125x128xf32, #tpu.memory_space<vmem>>, vector<1x1x16xf32>,
    }
    %scan3A_5 = arith.constant 1000 : i32
    %scan3A_6 = arith.constant 0 : i32
    %scan3A_7 = arith.constant 0 : i32
    %scan3A_8 = arith.constant 5 : i32
    %scan3A_9 = arith.addi %scan3A_7, %scan3A_8 : i32
    %scan3A_10 = arith.constant 1 : i32
    scf.for %scan3A_198 = %scan3A_7 to %scan3A_9 step %scan3A_10  : i32 {
      %mul3A_199 = arith.constant 640 : i32
      %mul3A_200 = arith.muli %arg1, %mul3A_199 : i32
      %mul3A_201 = arith.constant 120 : i32
      %mul3A_202 = arith.muli %scan3A_198, %mul3A_201 : i32
      %add3A_203 = arith.addi %mul3A_200, %mul3A_202 : i32
      %run_scoped3A_204 = arith.constant 0 : i32
      "tpu.region"() ({
        %run_scoped3A_205 = tpu.sem_alloc : memref<!tpu.dma_semaphore, #tpu.memory_space<semaphore_mem>>
        %dma_start3A_206 = arith.constant 0 : i32
        %dma_start3A_207 = arith.constant 0 : i32
        %dma_start3A_208 = tpu.memref_slice %arg6[%run_scoped3A_204, %dma_start3A_206, %dma_start3A_207] : memref<2x125x128xf32, #tpu.memory_space<vmem>> -> memref<1x120x128xf32, #tpu.memory_space<vmem>>
        %dma_start3A_209 = tpu.memref_squeeze %dma_start3A_208 : memref<1x120x128xf32, #tpu.memory_space<vmem>> -> memref<120x128xf32, #tpu.memory_space<vmem>>
        %dma_start3A_210 = arith.constant 0 : i32
        %dma_start3A_211 = tpu.memref_slice %arg7[%add3A_203, %dma_start3A_210] : memref<10240x128xf32, #tpu.memory_space<vmem_shared>> -> memref<120x128xf32, #tpu.memory_space<vmem_shared>>
        %dma_start3A_212 = arith.constant 0 : i32
        %dma_start3A_213 = tpu.memref_slice %arg7[%add3A_203, %dma_start3A_212] : memref<10240x128xf32, #tpu.memory_space<vmem_shared>> -> memref<120x128xf32, #tpu.memory_space<vmem_shared>>
        %dma_start3A_214 = arith.constant 0 : i32
        %dma_start3A_215 = arith.constant 0 : i32
        %dma_start3A_216 = tpu.memref_slice %arg6[%run_scoped3A_204, %dma_start3A_214, %dma_start3A_215] : memref<2x125x128xf32, #tpu.memory_space<vmem>> -> memref<1x120x128xf32, #tpu.memory_space<vmem>>
        %dma_start3A_217 = tpu.memref_squeeze %dma_start3A_216 : memref<1x120x128xf32, #tpu.memory_space<vmem>> -> memref<120x128xf32, #tpu.memory_space<vmem>>
        tpu.enqueue_dma source(%dma_start3A_217 : memref<120x128xf32, #tpu.memory_space<vmem>>) target(%dma_start3A_213 : memref<120x128xf32, #tpu.memory_space<vmem_shared>>) target_semaphore(%run_scoped3A_205 : memref<!tpu.dma_semaphore, #tpu.memory_space<semaphore_mem>>)
        %dma_wait3A_218 = arith.constant 0 : i32
        %dma_wait3A_219 = arith.constant 0 : i32
        %dma_wait3A_220 = tpu.memref_slice %arg6[%run_scoped3A_204, %dma_wait3A_218, %dma_wait3A_219] : memref<2x125x128xf32, #tpu.memory_space<vmem>> -> memref<1x120x128xf32, #tpu.memory_space<vmem>>
        %dma_wait3A_221 = tpu.memref_squeeze %dma_wait3A_220 : memref<1x120x128xf32, #tpu.memory_space<vmem>> -> memref<120x128xf32, #tpu.memory_space<vmem>>
        %dma_wait3A_222 = arith.constant 0 : i32
        %dma_wait3A_223 = tpu.memref_slice %arg7[%add3A_203, %dma_wait3A_222] : memref<10240x128xf32, #tpu.memory_space<vmem_shared>> -> memref<120x128xf32, #tpu.memory_space<vmem_shared>>
        %dma_wait3A_224 = arith.constant 0 : i32
        %dma_wait3A_225 = tpu.memref_slice %arg7[%add3A_203, %dma_wait3A_224] : memref<10240x128xf32, #tpu.memory_space<vmem_shared>> -> memref<120x128xf32, #tpu.memory_space<vmem_shared>>
        %dma_wait3A_226 = arith.constant 0 : i32
        %dma_wait3A_227 = arith.constant 0 : i32
        %dma_wait3A_228 = tpu.memref_slice %arg6[%run_scoped3A_204, %dma_wait3A_226, %dma_wait3A_227] : memref<2x125x128xf32, #tpu.memory_space<vmem>> -> memref<1x120x128xf32, #tpu.memory_space<vmem>>
        %dma_wait3A_229 = tpu.memref_squeeze %dma_wait3A_228 : memref<1x120x128xf32, #tpu.memory_space<vmem>> -> memref<120x128xf32, #tpu.memory_space<vmem>>
        tpu.wait_dma2 semaphore(%run_scoped3A_205 : memref<!tpu.dma_semaphore, #tpu.memory_space<semaphore_mem>>) src(%dma_wait3A_229 : memref<120x128xf32, #tpu.memory_space<vmem>>) dst(%dma_wait3A_225 : memref<120x128xf32, #tpu.memory_space<vmem_shared>>)
        tpu.yield
      }) : () -> ()
    }
    %scan3A_11 = arith.constant 5 : i32
    %mul3A_12 = arith.constant 640 : i32
    %mul3A_13 = arith.muli %arg1, %mul3A_12 : i32
    %add3A_14 = arith.constant 600 : i32
    %add3A_15 = arith.addi %mul3A_13, %add3A_14 : i32
    %run_scoped3A = arith.constant 0 : i32
    "tpu.region"() ({
      %run_scoped3A_198 = tpu.sem_alloc : memref<!tpu.dma_semaphore, #tpu.memory_space<semaphore_mem>>
      %dma_start3A_199 = arith.constant 0 : i32
      %dma_start3A_200 = arith.constant 0 : i32
      %dma_start3A_201 = tpu.memref_slice %arg6[%run_scoped3A, %dma_start3A_199, %dma_start3A_200] : memref<2x125x128xf32, #tpu.memory_space<vmem>> -> memref<1x40x128xf32, #tpu.memory_space<vmem>>
      %dma_start3A_202 = tpu.memref_squeeze %dma_start3A_201 : memref<1x40x128xf32, #tpu.memory_space<vmem>> -> memref<40x128xf32, #tpu.memory_space<vmem>>
      %dma_start3A_203 = arith.constant 0 : i32
      %dma_start3A_204 = tpu.memref_slice %arg7[%add3A_15, %dma_start3A_203] : memref<10240x128xf32, #tpu.memory_space<vmem_shared>> -> memref<40x128xf32, #tpu.memory_space<vmem_shared>>
      %dma_start3A_205 = arith.constant 0 : i32
      %dma_start3A_206 = tpu.memref_slice %arg7[%add3A_15, %dma_start3A_205] : memref<10240x128xf32, #tpu.memory_space<vmem_shared>> -> memref<40x128xf32, #tpu.memory_space<vmem_shared>>
      %dma_start3A_207 = arith.constant 0 : i32
      %dma_start3A_208 = arith.constant 0 : i32
      %dma_start3A_209 = tpu.memref_slice %arg6[%run_scoped3A, %dma_start3A_207, %dma_start3A_208] : memref<2x125x128xf32, #tpu.memory_space<vmem>> -> memref<1x40x128xf32, #tpu.memory_space<vmem>>
      %dma_start3A_210 = tpu.memref_squeeze %dma_start3A_209 : memref<1x40x128xf32, #tpu.memory_space<vmem>> -> memref<40x128xf32, #tpu.memory_space<vmem>>
      tpu.enqueue_dma source(%dma_start3A_210 : memref<40x128xf32, #tpu.memory_space<vmem>>) target(%dma_start3A_206 : memref<40x128xf32, #tpu.memory_space<vmem_shared>>) target_semaphore(%run_scoped3A_198 : memref<!tpu.dma_semaphore, #tpu.memory_space<semaphore_mem>>)
      %dma_wait3A_211 = arith.constant 0 : i32
      %dma_wait3A_212 = arith.constant 0 : i32
      %dma_wait3A_213 = tpu.memref_slice %arg6[%run_scoped3A, %dma_wait3A_211, %dma_wait3A_212] : memref<2x125x128xf32, #tpu.memory_space<vmem>> -> memref<1x40x128xf32, #tpu.memory_space<vmem>>
      %dma_wait3A_214 = tpu.memref_squeeze %dma_wait3A_213 : memref<1x40x128xf32, #tpu.memory_space<vmem>> -> memref<40x128xf32, #tpu.memory_space<vmem>>
      %dma_wait3A_215 = arith.constant 0 : i32
      %dma_wait3A_216 = tpu.memref_slice %arg7[%add3A_15, %dma_wait3A_215] : memref<10240x128xf32, #tpu.memory_space<vmem_shared>> -> memref<40x128xf32, #tpu.memory_space<vmem_shared>>
      %dma_wait3A_217 = arith.constant 0 : i32
      %dma_wait3A_218 = tpu.memref_slice %arg7[%add3A_15, %dma_wait3A_217] : memref<10240x128xf32, #tpu.memory_space<vmem_shared>> -> memref<40x128xf32, #tpu.memory_space<vmem_shared>>
      %dma_wait3A_219 = arith.constant 0 : i32
      %dma_wait3A_220 = arith.constant 0 : i32
      %dma_wait3A_221 = tpu.memref_slice %arg6[%run_scoped3A, %dma_wait3A_219, %dma_wait3A_220] : memref<2x125x128xf32, #tpu.memory_space<vmem>> -> memref<1x40x128xf32, #tpu.memory_space<vmem>>
      %dma_wait3A_222 = tpu.memref_squeeze %dma_wait3A_221 : memref<1x40x128xf32, #tpu.memory_space<vmem>> -> memref<40x128xf32, #tpu.memory_space<vmem>>
      tpu.wait_dma2 semaphore(%run_scoped3A_198 : memref<!tpu.dma_semaphore, #tpu.memory_space<semaphore_mem>>) src(%dma_wait3A_222 : memref<40x128xf32, #tpu.memory_space<vmem>>) dst(%dma_wait3A_218 : memref<40x128xf32, #tpu.memory_space<vmem_shared>>)
      tpu.yield
    }) : () -> ()
    %barrier3A = arith.constant 0 : index
    tpu.barrier barrier_id(%barrier3A)
    %rem3A = arith.constant 0 : i32
    %rem3A_16 = arith.constant 4 : i32
    %rem3A_17 = arith.remsi %rem3A, %rem3A_16 : i32
    %dma_start3A = arith.constant 0 : i32
    %dma_start3A_18 = arith.constant 0 : i32
    %dma_start3A_19 = arith.constant 0 : i32
    %dma_start3A_20 = arith.constant 0 : i32
    %dma_start3A_21 = tpu.memref_slice %arg5[%rem3A_17, %dma_start3A_19, %dma_start3A_20] : memref<4x2x125xi32, #tpu.memory_space<vmem>> -> memref<1x1x125xi32, #tpu.memory_space<vmem>>
    %dma_start3A_22 = tpu.memref_squeeze %dma_start3A_21 : memref<1x1x125xi32, #tpu.memory_space<vmem>> -> memref<125xi32, #tpu.memory_space<vmem>>
    %dma_start3A_23 = arith.constant 0 : i32
    %dma_start3A_24 = tpu.memref_slice %arg3[%dma_start3A, %add3A, %dma_start3A_18, %dma_start3A_23] : memref<2x32x80x125xi32, #tpu.memory_space<hbm>> -> memref<1x1x1x125xi32, #tpu.memory_space<hbm>>
    %dma_start3A_25 = tpu.memref_squeeze %dma_start3A_24 : memref<1x1x1x125xi32, #tpu.memory_space<hbm>> -> memref<125xi32, #tpu.memory_space<hbm>>
    %dma_start3A_26 = arith.constant 0 : i32
    %dma_start3A_27 = tpu.memref_slice %arg5[%rem3A_17, %dma_start3A_19, %dma_start3A_26] : memref<4x2x125xi32, #tpu.memory_space<vmem>> -> memref<1x1x125xi32, #tpu.memory_space<vmem>>
    %dma_start3A_28 = tpu.memref_squeeze %dma_start3A_27 : memref<1x1x125xi32, #tpu.memory_space<vmem>> -> memref<125xi32, #tpu.memory_space<vmem>>
    %dma_start3A_29 = arith.constant 0 : i32
    %dma_start3A_30 = tpu.memref_slice %arg3[%dma_start3A, %add3A, %dma_start3A_18, %dma_start3A_29] : memref<2x32x80x125xi32, #tpu.memory_space<hbm>> -> memref<1x1x1x125xi32, #tpu.memory_space<hbm>>
    %dma_start3A_31 = tpu.memref_squeeze %dma_start3A_30 : memref<1x1x1x125xi32, #tpu.memory_space<hbm>> -> memref<125xi32, #tpu.memory_space<hbm>>
    tpu.enqueue_dma source(%dma_start3A_31 : memref<125xi32, #tpu.memory_space<hbm>>) target(%dma_start3A_28 : memref<125xi32, #tpu.memory_space<vmem>>) target_semaphore(%arg8 : memref<!tpu.dma_semaphore, #tpu.memory_space<semaphore_mem>>)
    %rem3A_32 = arith.constant 0 : i32
    %rem3A_33 = arith.constant 4 : i32
    %rem3A_34 = arith.remsi %rem3A_32, %rem3A_33 : i32
    %dma_start3A_35 = arith.constant 1 : i32
    %dma_start3A_36 = arith.constant 0 : i32
    %dma_start3A_37 = arith.constant 1 : i32
    %dma_start3A_38 = arith.constant 0 : i32
    %dma_start3A_39 = tpu.memref_slice %arg5[%rem3A_34, %dma_start3A_37, %dma_start3A_38] : memref<4x2x125xi32, #tpu.memory_space<vmem>> -> memref<1x1x125xi32, #tpu.memory_space<vmem>>
    %dma_start3A_40 = tpu.memref_squeeze %dma_start3A_39 : memref<1x1x125xi32, #tpu.memory_space<vmem>> -> memref<125xi32, #tpu.memory_space<vmem>>
    %dma_start3A_41 = arith.constant 0 : i32
    %dma_start3A_42 = tpu.memref_slice %arg3[%dma_start3A_35, %add3A, %dma_start3A_36, %dma_start3A_41] : memref<2x32x80x125xi32, #tpu.memory_space<hbm>> -> memref<1x1x1x125xi32, #tpu.memory_space<hbm>>
    %dma_start3A_43 = tpu.memref_squeeze %dma_start3A_42 : memref<1x1x1x125xi32, #tpu.memory_space<hbm>> -> memref<125xi32, #tpu.memory_space<hbm>>
    %dma_start3A_44 = arith.constant 0 : i32
    %dma_start3A_45 = tpu.memref_slice %arg5[%rem3A_34, %dma_start3A_37, %dma_start3A_44] : memref<4x2x125xi32, #tpu.memory_space<vmem>> -> memref<1x1x125xi32, #tpu.memory_space<vmem>>
    %dma_start3A_46 = tpu.memref_squeeze %dma_start3A_45 : memref<1x1x125xi32, #tpu.memory_space<vmem>> -> memref<125xi32, #tpu.memory_space<vmem>>
    %dma_start3A_47 = arith.constant 0 : i32
    %dma_start3A_48 = tpu.memref_slice %arg3[%dma_start3A_35, %add3A, %dma_start3A_36, %dma_start3A_47] : memref<2x32x80x125xi32, #tpu.memory_space<hbm>> -> memref<1x1x1x125xi32, #tpu.memory_space<hbm>>
    %dma_start3A_49 = tpu.memref_squeeze %dma_start3A_48 : memref<1x1x1x125xi32, #tpu.memory_space<hbm>> -> memref<125xi32, #tpu.memory_space<hbm>>
    tpu.enqueue_dma source(%dma_start3A_49 : memref<125xi32, #tpu.memory_space<hbm>>) target(%dma_start3A_46 : memref<125xi32, #tpu.memory_space<vmem>>) target_semaphore(%arg8 : memref<!tpu.dma_semaphore, #tpu.memory_space<semaphore_mem>>)
    %rem3A_50 = arith.constant 1 : i32
    %rem3A_51 = arith.constant 4 : i32
    %rem3A_52 = arith.remsi %rem3A_50, %rem3A_51 : i32
    %dma_start3A_53 = arith.constant 0 : i32
    %dma_start3A_54 = arith.constant 1 : i32
    %dma_start3A_55 = arith.constant 0 : i32
    %dma_start3A_56 = arith.constant 0 : i32
    %dma_start3A_57 = tpu.memref_slice %arg5[%rem3A_52, %dma_start3A_55, %dma_start3A_56] : memref<4x2x125xi32, #tpu.memory_space<vmem>> -> memref<1x1x125xi32, #tpu.memory_space<vmem>>
    %dma_start3A_58 = tpu.memref_squeeze %dma_start3A_57 : memref<1x1x125xi32, #tpu.memory_space<vmem>> -> memref<125xi32, #tpu.memory_space<vmem>>
    %dma_start3A_59 = arith.constant 0 : i32
    %dma_start3A_60 = tpu.memref_slice %arg3[%dma_start3A_53, %add3A, %dma_start3A_54, %dma_start3A_59] : memref<2x32x80x125xi32, #tpu.memory_space<hbm>> -> memref<1x1x1x125xi32, #tpu.memory_space<hbm>>
    %dma_start3A_61 = tpu.memref_squeeze %dma_start3A_60 : memref<1x1x1x125xi32, #tpu.memory_space<hbm>> -> memref<125xi32, #tpu.memory_space<hbm>>
    %dma_start3A_62 = arith.constant 0 : i32
    %dma_start3A_63 = tpu.memref_slice %arg5[%rem3A_52, %dma_start3A_55, %dma_start3A_62] : memref<4x2x125xi32, #tpu.memory_space<vmem>> -> memref<1x1x125xi32, #tpu.memory_space<vmem>>
    %dma_start3A_64 = tpu.memref_squeeze %dma_start3A_63 : memref<1x1x125xi32, #tpu.memory_space<vmem>> -> memref<125xi32, #tpu.memory_space<vmem>>
    %dma_start3A_65 = arith.constant 0 : i32
    %dma_start3A_66 = tpu.memref_slice %arg3[%dma_start3A_53, %add3A, %dma_start3A_54, %dma_start3A_65] : memref<2x32x80x125xi32, #tpu.memory_space<hbm>> -> memref<1x1x1x125xi32, #tpu.memory_space<hbm>>
    %dma_start3A_67 = tpu.memref_squeeze %dma_start3A_66 : memref<1x1x1x125xi32, #tpu.memory_space<hbm>> -> memref<125xi32, #tpu.memory_space<hbm>>
    tpu.enqueue_dma source(%dma_start3A_67 : memref<125xi32, #tpu.memory_space<hbm>>) target(%dma_start3A_64 : memref<125xi32, #tpu.memory_space<vmem>>) target_semaphore(%arg8 : memref<!tpu.dma_semaphore, #tpu.memory_space<semaphore_mem>>)
    %rem3A_68 = arith.constant 1 : i32
    %rem3A_69 = arith.constant 4 : i32
    %rem3A_70 = arith.remsi %rem3A_68, %rem3A_69 : i32
    %dma_start3A_71 = arith.constant 1 : i32
    %dma_start3A_72 = arith.constant 1 : i32
    %dma_start3A_73 = arith.constant 1 : i32
    %dma_start3A_74 = arith.constant 0 : i32
    %dma_start3A_75 = tpu.memref_slice %arg5[%rem3A_70, %dma_start3A_73, %dma_start3A_74] : memref<4x2x125xi32, #tpu.memory_space<vmem>> -> memref<1x1x125xi32, #tpu.memory_space<vmem>>
    %dma_start3A_76 = tpu.memref_squeeze %dma_start3A_75 : memref<1x1x125xi32, #tpu.memory_space<vmem>> -> memref<125xi32, #tpu.memory_space<vmem>>
    %dma_start3A_77 = arith.constant 0 : i32
    %dma_start3A_78 = tpu.memref_slice %arg3[%dma_start3A_71, %add3A, %dma_start3A_72, %dma_start3A_77] : memref<2x32x80x125xi32, #tpu.memory_space<hbm>> -> memref<1x1x1x125xi32, #tpu.memory_space<hbm>>
    %dma_start3A_79 = tpu.memref_squeeze %dma_start3A_78 : memref<1x1x1x125xi32, #tpu.memory_space<hbm>> -> memref<125xi32, #tpu.memory_space<hbm>>
    %dma_start3A_80 = arith.constant 0 : i32
    %dma_start3A_81 = tpu.memref_slice %arg5[%rem3A_70, %dma_start3A_73, %dma_start3A_80] : memref<4x2x125xi32, #tpu.memory_space<vmem>> -> memref<1x1x125xi32, #tpu.memory_space<vmem>>
    %dma_start3A_82 = tpu.memref_squeeze %dma_start3A_81 : memref<1x1x125xi32, #tpu.memory_space<vmem>> -> memref<125xi32, #tpu.memory_space<vmem>>
    %dma_start3A_83 = arith.constant 0 : i32
    %dma_start3A_84 = tpu.memref_slice %arg3[%dma_start3A_71, %add3A, %dma_start3A_72, %dma_start3A_83] : memref<2x32x80x125xi32, #tpu.memory_space<hbm>> -> memref<1x1x1x125xi32, #tpu.memory_space<hbm>>
    %dma_start3A_85 = tpu.memref_squeeze %dma_start3A_84 : memref<1x1x1x125xi32, #tpu.memory_space<hbm>> -> memref<125xi32, #tpu.memory_space<hbm>>
    tpu.enqueue_dma source(%dma_start3A_85 : memref<125xi32, #tpu.memory_space<hbm>>) target(%dma_start3A_82 : memref<125xi32, #tpu.memory_space<vmem>>) target_semaphore(%arg8 : memref<!tpu.dma_semaphore, #tpu.memory_space<semaphore_mem>>)
    %rem3A_86 = arith.constant 2 : i32
    %rem3A_87 = arith.constant 4 : i32
    %rem3A_88 = arith.remsi %rem3A_86, %rem3A_87 : i32
    %dma_start3A_89 = arith.constant 0 : i32
    %dma_start3A_90 = arith.constant 2 : i32
    %dma_start3A_91 = arith.constant 0 : i32
    %dma_start3A_92 = arith.constant 0 : i32
    %dma_start3A_93 = tpu.memref_slice %arg5[%rem3A_88, %dma_start3A_91, %dma_start3A_92] : memref<4x2x125xi32, #tpu.memory_space<vmem>> -> memref<1x1x125xi32, #tpu.memory_space<vmem>>
    %dma_start3A_94 = tpu.memref_squeeze %dma_start3A_93 : memref<1x1x125xi32, #tpu.memory_space<vmem>> -> memref<125xi32, #tpu.memory_space<vmem>>
    %dma_start3A_95 = arith.constant 0 : i32
    %dma_start3A_96 = tpu.memref_slice %arg3[%dma_start3A_89, %add3A, %dma_start3A_90, %dma_start3A_95] : memref<2x32x80x125xi32, #tpu.memory_space<hbm>> -> memref<1x1x1x125xi32, #tpu.memory_space<hbm>>
    %dma_start3A_97 = tpu.memref_squeeze %dma_start3A_96 : memref<1x1x1x125xi32, #tpu.memory_space<hbm>> -> memref<125xi32, #tpu.memory_space<hbm>>
    %dma_start3A_98 = arith.constant 0 : i32
    %dma_start3A_99 = tpu.memref_slice %arg5[%rem3A_88, %dma_start3A_91, %dma_start3A_98] : memref<4x2x125xi32, #tpu.memory_space<vmem>> -> memref<1x1x125xi32, #tpu.memory_space<vmem>>
    %dma_start3A_100 = tpu.memref_squeeze %dma_start3A_99 : memref<1x1x125xi32, #tpu.memory_space<vmem>> -> memref<125xi32, #tpu.memory_space<vmem>>
    %dma_start3A_101 = arith.constant 0 : i32
    %dma_start3A_102 = tpu.memref_slice %arg3[%dma_start3A_89, %add3A, %dma_start3A_90, %dma_start3A_101] : memref<2x32x80x125xi32, #tpu.memory_space<hbm>> -> memref<1x1x1x125xi32, #tpu.memory_space<hbm>>
    %dma_start3A_103 = tpu.memref_squeeze %dma_start3A_102 : memref<1x1x1x125xi32, #tpu.memory_space<hbm>> -> memref<125xi32, #tpu.memory_space<hbm>>
    tpu.enqueue_dma source(%dma_start3A_103 : memref<125xi32, #tpu.memory_space<hbm>>) target(%dma_start3A_100 : memref<125xi32, #tpu.memory_space<vmem>>) target_semaphore(%arg8 : memref<!tpu.dma_semaphore, #tpu.memory_space<semaphore_mem>>)
    %rem3A_104 = arith.constant 2 : i32
    %rem3A_105 = arith.constant 4 : i32
    %rem3A_106 = arith.remsi %rem3A_104, %rem3A_105 : i32
    %dma_start3A_107 = arith.constant 1 : i32
    %dma_start3A_108 = arith.constant 2 : i32
    %dma_start3A_109 = arith.constant 1 : i32
    %dma_start3A_110 = arith.constant 0 : i32
    %dma_start3A_111 = tpu.memref_slice %arg5[%rem3A_106, %dma_start3A_109, %dma_start3A_110] : memref<4x2x125xi32, #tpu.memory_space<vmem>> -> memref<1x1x125xi32, #tpu.memory_space<vmem>>
    %dma_start3A_112 = tpu.memref_squeeze %dma_start3A_111 : memref<1x1x125xi32, #tpu.memory_space<vmem>> -> memref<125xi32, #tpu.memory_space<vmem>>
    %dma_start3A_113 = arith.constant 0 : i32
    %dma_start3A_114 = tpu.memref_slice %arg3[%dma_start3A_107, %add3A, %dma_start3A_108, %dma_start3A_113] : memref<2x32x80x125xi32, #tpu.memory_space<hbm>> -> memref<1x1x1x125xi32, #tpu.memory_space<hbm>>
    %dma_start3A_115 = tpu.memref_squeeze %dma_start3A_114 : memref<1x1x1x125xi32, #tpu.memory_space<hbm>> -> memref<125xi32, #tpu.memory_space<hbm>>
    %dma_start3A_116 = arith.constant 0 : i32
    %dma_start3A_117 = tpu.memref_slice %arg5[%rem3A_106, %dma_start3A_109, %dma_start3A_116] : memref<4x2x125xi32, #tpu.memory_space<vmem>> -> memref<1x1x125xi32, #tpu.memory_space<vmem>>
    %dma_start3A_118 = tpu.memref_squeeze %dma_start3A_117 : memref<1x1x125xi32, #tpu.memory_space<vmem>> -> memref<125xi32, #tpu.memory_space<vmem>>
    %dma_start3A_119 = arith.constant 0 : i32
    %dma_start3A_120 = tpu.memref_slice %arg3[%dma_start3A_107, %add3A, %dma_start3A_108, %dma_start3A_119] : memref<2x32x80x125xi32, #tpu.memory_space<hbm>> -> memref<1x1x1x125xi32, #tpu.memory_space<hbm>>
    %dma_start3A_121 = tpu.memref_squeeze %dma_start3A_120 : memref<1x1x1x125xi32, #tpu.memory_space<hbm>> -> memref<125xi32, #tpu.memory_space<hbm>>
    tpu.enqueue_dma source(%dma_start3A_121 : memref<125xi32, #tpu.memory_space<hbm>>) target(%dma_start3A_118 : memref<125xi32, #tpu.memory_space<vmem>>) target_semaphore(%arg8 : memref<!tpu.dma_semaphore, #tpu.memory_space<semaphore_mem>>)
    %rem3A_122 = arith.constant 0 : i32
    %rem3A_123 = arith.constant 4 : i32
    %rem3A_124 = arith.remsi %rem3A_122, %rem3A_123 : i32
    %dma_wait3A = arith.constant 0 : i32
    %dma_wait3A_125 = arith.constant 0 : i32
    %dma_wait3A_126 = arith.constant 0 : i32
    %dma_wait3A_127 = arith.constant 0 : i32
    %dma_wait3A_128 = tpu.memref_slice %arg5[%rem3A_124, %dma_wait3A_126, %dma_wait3A_127] : memref<4x2x125xi32, #tpu.memory_space<vmem>> -> memref<1x1x125xi32, #tpu.memory_space<vmem>>
    %dma_wait3A_129 = tpu.memref_squeeze %dma_wait3A_128 : memref<1x1x125xi32, #tpu.memory_space<vmem>> -> memref<125xi32, #tpu.memory_space<vmem>>
    %dma_wait3A_130 = arith.constant 0 : i32
    %dma_wait3A_131 = tpu.memref_slice %arg3[%dma_wait3A, %add3A, %dma_wait3A_125, %dma_wait3A_130] : memref<2x32x80x125xi32, #tpu.memory_space<hbm>> -> memref<1x1x1x125xi32, #tpu.memory_space<hbm>>
    %dma_wait3A_132 = tpu.memref_squeeze %dma_wait3A_131 : memref<1x1x1x125xi32, #tpu.memory_space<hbm>> -> memref<125xi32, #tpu.memory_space<hbm>>
    %dma_wait3A_133 = arith.constant 0 : i32
    %dma_wait3A_134 = tpu.memref_slice %arg5[%rem3A_124, %dma_wait3A_126, %dma_wait3A_133] : memref<4x2x125xi32, #tpu.memory_space<vmem>> -> memref<1x1x125xi32, #tpu.memory_space<vmem>>
    %dma_wait3A_135 = tpu.memref_squeeze %dma_wait3A_134 : memref<1x1x125xi32, #tpu.memory_space<vmem>> -> memref<125xi32, #tpu.memory_space<vmem>>
    %dma_wait3A_136 = arith.constant 0 : i32
    %dma_wait3A_137 = tpu.memref_slice %arg3[%dma_wait3A, %add3A, %dma_wait3A_125, %dma_wait3A_136] : memref<2x32x80x125xi32, #tpu.memory_space<hbm>> -> memref<1x1x1x125xi32, #tpu.memory_space<hbm>>
    %dma_wait3A_138 = tpu.memref_squeeze %dma_wait3A_137 : memref<1x1x1x125xi32, #tpu.memory_space<hbm>> -> memref<125xi32, #tpu.memory_space<hbm>>
    tpu.wait_dma2 semaphore(%arg8 : memref<!tpu.dma_semaphore, #tpu.memory_space<semaphore_mem>>) src(%dma_wait3A_138 : memref<125xi32, #tpu.memory_space<hbm>>) dst(%dma_wait3A_135 : memref<125xi32, #tpu.memory_space<vmem>>)
    %rem3A_139 = arith.constant 0 : i32
    %rem3A_140 = arith.constant 4 : i32
    %rem3A_141 = arith.remsi %rem3A_139, %rem3A_140 : i32
    %dma_wait3A_142 = arith.constant 1 : i32
    %dma_wait3A_143 = arith.constant 0 : i32
    %dma_wait3A_144 = arith.constant 1 : i32
    %dma_wait3A_145 = arith.constant 0 : i32
    %dma_wait3A_146 = tpu.memref_slice %arg5[%rem3A_141, %dma_wait3A_144, %dma_wait3A_145] : memref<4x2x125xi32, #tpu.memory_space<vmem>> -> memref<1x1x125xi32, #tpu.memory_space<vmem>>
    %dma_wait3A_147 = tpu.memref_squeeze %dma_wait3A_146 : memref<1x1x125xi32, #tpu.memory_space<vmem>> -> memref<125xi32, #tpu.memory_space<vmem>>
    %dma_wait3A_148 = arith.constant 0 : i32
    %dma_wait3A_149 = tpu.memref_slice %arg3[%dma_wait3A_142, %add3A, %dma_wait3A_143, %dma_wait3A_148] : memref<2x32x80x125xi32, #tpu.memory_space<hbm>> -> memref<1x1x1x125xi32, #tpu.memory_space<hbm>>
    %dma_wait3A_150 = tpu.memref_squeeze %dma_wait3A_149 : memref<1x1x1x125xi32, #tpu.memory_space<hbm>> -> memref<125xi32, #tpu.memory_space<hbm>>
    %dma_wait3A_151 = arith.constant 0 : i32
    %dma_wait3A_152 = tpu.memref_slice %arg5[%rem3A_141, %dma_wait3A_144, %dma_wait3A_151] : memref<4x2x125xi32, #tpu.memory_space<vmem>> -> memref<1x1x125xi32, #tpu.memory_space<vmem>>
    %dma_wait3A_153 = tpu.memref_squeeze %dma_wait3A_152 : memref<1x1x125xi32, #tpu.memory_space<vmem>> -> memref<125xi32, #tpu.memory_space<vmem>>
    %dma_wait3A_154 = arith.constant 0 : i32
    %dma_wait3A_155 = tpu.memref_slice %arg3[%dma_wait3A_142, %add3A, %dma_wait3A_143, %dma_wait3A_154] : memref<2x32x80x125xi32, #tpu.memory_space<hbm>> -> memref<1x1x1x125xi32, #tpu.memory_space<hbm>>
    %dma_wait3A_156 = tpu.memref_squeeze %dma_wait3A_155 : memref<1x1x1x125xi32, #tpu.memory_space<hbm>> -> memref<125xi32, #tpu.memory_space<hbm>>
    tpu.wait_dma2 semaphore(%arg8 : memref<!tpu.dma_semaphore, #tpu.memory_space<semaphore_mem>>) src(%dma_wait3A_156 : memref<125xi32, #tpu.memory_space<hbm>>) dst(%dma_wait3A_153 : memref<125xi32, #tpu.memory_space<vmem>>)
    %dma_start3A_157 = arith.constant 0 : i32
    %dma_start3A_158 = arith.constant 0 : i32
    %dma_start3A_159 = arith.constant 0 : i32
    %dma_start3A_160 = arith.constant 0 : i32
    %dma_start3A_161 = arith.constant 0 : i32
    %dma_start3A_162 = tpu.memref_slice %arg6[%dma_start3A_159, %dma_start3A_160, %dma_start3A_161] : memref<2x125x128xf32, #tpu.memory_space<vmem>> -> memref<1x125x128xf32, #tpu.memory_space<vmem>>
    %dma_start3A_163 = tpu.memref_squeeze %dma_start3A_162 : memref<1x125x128xf32, #tpu.memory_space<vmem>> -> memref<125x128xf32, #tpu.memory_space<vmem>>
    %dma_start3A_164 = arith.constant 0 : i32
    %dma_start3A_165 = tpu.memref_slice %arg5[%dma_start3A_157, %dma_start3A_158, %dma_start3A_164] : memref<4x2x125xi32, #tpu.memory_space<vmem>> -> memref<1x1x125xi32, #tpu.memory_space<vmem>>
    %dma_start3A_166 = tpu.memref_squeeze %dma_start3A_165 : memref<1x1x125xi32, #tpu.memory_space<vmem>> -> memref<125xi32, #tpu.memory_space<vmem>>
    %dma_start3A_167 = arith.constant 0 : i32
    %dma_start3A_168 = arith.constant 0 : i32
    %dma_start3A_169 = tpu.memref_slice %arg2[%dma_start3A_167, %dma_start3A_168] : memref<10000x128xf32, #tpu.memory_space<hbm>> -> memref<10000x128xf32, #tpu.memory_space<hbm>>
    tpu.enqueue_indirect_dma source(%dma_start3A_169 : memref<10000x128xf32, #tpu.memory_space<hbm>>) target(%dma_start3A_163 : memref<125x128xf32, #tpu.memory_space<vmem>>) offsets(%dma_start3A_166 : memref<125xi32, #tpu.memory_space<vmem>>) semaphore(%arg9 : memref<!tpu.dma_semaphore, #tpu.memory_space<semaphore_mem>>)
    %scan3A_170 = arith.constant 0 : i32
    %scan3A_171 = arith.constant 0 : i32
    %scan3A_172 = arith.constant 40 : i32
    %scan3A_173 = arith.addi %scan3A_171, %scan3A_172 : i32
    %scan3A_174 = arith.constant 1 : i32
    scf.for %scan3A_198 = %scan3A_171 to %scan3A_173 step %scan3A_174  : i32 {
      %mul3A_199 = arith.constant 2 : i32
      %mul3A_200 = arith.muli %mul3A_199, %scan3A_198 : i32
      %add3A_201 = arith.constant 0 : i32
      %add3A_202 = arith.addi %mul3A_200, %add3A_201 : i32
      %rem3A_203 = arith.constant 4 : i32
      %rem3A_204 = arith.remsi %add3A_202, %rem3A_203 : i32
      %dma_wait3A_205 = arith.constant 0 : i32
      %dma_wait3A_206 = arith.constant 0 : i32
      %dma_wait3A_207 = arith.constant 0 : i32
      %dma_wait3A_208 = arith.constant 0 : i32
      %dma_wait3A_209 = tpu.memref_slice %arg6[%dma_wait3A_206, %dma_wait3A_207, %dma_wait3A_208] : memref<2x125x128xf32, #tpu.memory_space<vmem>> -> memref<1x125x128xf32, #tpu.memory_space<vmem>>
      %dma_wait3A_210 = tpu.memref_squeeze %dma_wait3A_209 : memref<1x125x128xf32, #tpu.memory_space<vmem>> -> memref<125x128xf32, #tpu.memory_space<vmem>>
      %dma_wait3A_211 = arith.constant 0 : i32
      %dma_wait3A_212 = tpu.memref_slice %arg5[%rem3A_204, %dma_wait3A_205, %dma_wait3A_211] : memref<4x2x125xi32, #tpu.memory_space<vmem>> -> memref<1x1x125xi32, #tpu.memory_space<vmem>>
      %dma_wait3A_213 = tpu.memref_squeeze %dma_wait3A_212 : memref<1x1x125xi32, #tpu.memory_space<vmem>> -> memref<125xi32, #tpu.memory_space<vmem>>
      %dma_wait3A_214 = arith.constant 0 : i32
      %dma_wait3A_215 = arith.constant 0 : i32
      %dma_wait3A_216 = tpu.memref_slice %arg2[%dma_wait3A_214, %dma_wait3A_215] : memref<10000x128xf32, #tpu.memory_space<hbm>> -> memref<10000x128xf32, #tpu.memory_space<hbm>>
      tpu.wait_indirect_dma semaphore(%arg9 : memref<!tpu.dma_semaphore, #tpu.memory_space<semaphore_mem>>) src(%dma_wait3A_216 : memref<10000x128xf32, #tpu.memory_space<hbm>>) dst(%dma_wait3A_210 : memref<125x128xf32, #tpu.memory_space<vmem>>)
      %rem3A_217 = arith.constant 4 : i32
      %rem3A_218 = arith.remsi %add3A_202, %rem3A_217 : i32
      %dma_start3A_219 = arith.constant 0 : i32
      %dma_start3A_220 = arith.constant 1 : i32
      %dma_start3A_221 = arith.constant 0 : i32
      %dma_start3A_222 = arith.constant 0 : i32
      %dma_start3A_223 = tpu.memref_slice %arg6[%dma_start3A_219, %dma_start3A_221, %dma_start3A_222] : memref<2x125x128xf32, #tpu.memory_space<vmem>> -> memref<1x125x128xf32, #tpu.memory_space<vmem>>
      %dma_start3A_224 = tpu.memref_squeeze %dma_start3A_223 : memref<1x125x128xf32, #tpu.memory_space<vmem>> -> memref<125x128xf32, #tpu.memory_space<vmem>>
      %dma_start3A_225 = arith.constant 0 : i32
      %dma_start3A_226 = tpu.memref_slice %arg5[%rem3A_218, %dma_start3A_220, %dma_start3A_225] : memref<4x2x125xi32, #tpu.memory_space<vmem>> -> memref<1x1x125xi32, #tpu.memory_space<vmem>>
      %dma_start3A_227 = tpu.memref_squeeze %dma_start3A_226 : memref<1x1x125xi32, #tpu.memory_space<vmem>> -> memref<125xi32, #tpu.memory_space<vmem>>
      %dma_start3A_228 = arith.constant 0 : i32
      %dma_start3A_229 = arith.constant 0 : i32
      %dma_start3A_230 = tpu.memref_slice %arg7[%dma_start3A_228, %dma_start3A_229] : memref<10240x128xf32, #tpu.memory_space<vmem_shared>> -> memref<10240x128xf32, #tpu.memory_space<vmem_shared>>
      tpu.enqueue_indirect_dma source(%dma_start3A_224 : memref<125x128xf32, #tpu.memory_space<vmem>>) target(%dma_start3A_230 : memref<10240x128xf32, #tpu.memory_space<vmem_shared>>) offsets(%dma_start3A_227 : memref<125xi32, #tpu.memory_space<vmem>>) semaphore(%arg10 : memref<!tpu.dma_semaphore, #tpu.memory_space<semaphore_mem>>) {add = true}
      %ge3A = arith.constant 1 : i32
      %ge3A_231 = arith.cmpi sge, %add3A_202, %ge3A : i32
      %convert_element_type3A_232 = arith.extui %ge3A_231 : i1 to i32
      %cond3A_233 = arith.constant 0 : i32
      %cond3A_234 = arith.cmpi ne, %convert_element_type3A_232, %cond3A_233 : i32
      scf.if %cond3A_234 {
        %sub3A = arith.constant 1 : i32
        %sub3A_300 = arith.subi %add3A_202, %sub3A : i32
        %rem3A_301 = arith.constant 4 : i32
        %rem3A_302 = arith.remsi %sub3A_300, %rem3A_301 : i32
        %dma_wait3A_303 = arith.constant 1 : i32
        %dma_wait3A_304 = arith.constant 1 : i32
        %dma_wait3A_305 = arith.constant 0 : i32
        %dma_wait3A_306 = arith.constant 0 : i32
        %dma_wait3A_307 = tpu.memref_slice %arg6[%dma_wait3A_303, %dma_wait3A_305, %dma_wait3A_306] : memref<2x125x128xf32, #tpu.memory_space<vmem>> -> memref<1x125x128xf32, #tpu.memory_space<vmem>>
        %dma_wait3A_308 = tpu.memref_squeeze %dma_wait3A_307 : memref<1x125x128xf32, #tpu.memory_space<vmem>> -> memref<125x128xf32, #tpu.memory_space<vmem>>
        %dma_wait3A_309 = arith.constant 0 : i32
        %dma_wait3A_310 = tpu.memref_slice %arg5[%rem3A_302, %dma_wait3A_304, %dma_wait3A_309] : memref<4x2x125xi32, #tpu.memory_space<vmem>> -> memref<1x1x125xi32, #tpu.memory_space<vmem>>
        %dma_wait3A_311 = tpu.memref_squeeze %dma_wait3A_310 : memref<1x1x125xi32, #tpu.memory_space<vmem>> -> memref<125xi32, #tpu.memory_space<vmem>>
        %dma_wait3A_312 = arith.constant 0 : i32
        %dma_wait3A_313 = arith.constant 0 : i32
        %dma_wait3A_314 = tpu.memref_slice %arg7[%dma_wait3A_312, %dma_wait3A_313] : memref<10240x128xf32, #tpu.memory_space<vmem_shared>> -> memref<10240x128xf32, #tpu.memory_space<vmem_shared>>
        tpu.wait_indirect_dma semaphore(%arg11 : memref<!tpu.dma_semaphore, #tpu.memory_space<semaphore_mem>>) src(%dma_wait3A_308 : memref<125x128xf32, #tpu.memory_space<vmem>>) dst(%dma_wait3A_314 : memref<10240x128xf32, #tpu.memory_space<vmem_shared>>)
      } else {
      }
      %add3A_235 = arith.constant 1 : i32
      %add3A_236 = arith.addi %add3A_202, %add3A_235 : i32
      %lt3A_237 = arith.constant 80 : i32
      %lt3A_238 = arith.cmpi slt, %add3A_236, %lt3A_237 : i32
      %convert_element_type3A_239 = arith.extui %lt3A_238 : i1 to i32
      %cond3A_240 = arith.constant 0 : i32
      %cond3A_241 = arith.cmpi ne, %convert_element_type3A_239, %cond3A_240 : i32
      scf.if %cond3A_241 {
        %add3A_300 = arith.constant 1 : i32
        %add3A_301 = arith.addi %add3A_202, %add3A_300 : i32
        %rem3A_302 = arith.constant 4 : i32
        %rem3A_303 = arith.remsi %add3A_301, %rem3A_302 : i32
        %dma_wait3A_304 = arith.constant 0 : i32
        %dma_wait3A_305 = arith.constant 0 : i32
        %dma_wait3A_306 = arith.constant 0 : i32
        %dma_wait3A_307 = tpu.memref_slice %arg5[%rem3A_303, %dma_wait3A_305, %dma_wait3A_306] : memref<4x2x125xi32, #tpu.memory_space<vmem>> -> memref<1x1x125xi32, #tpu.memory_space<vmem>>
        %dma_wait3A_308 = tpu.memref_squeeze %dma_wait3A_307 : memref<1x1x125xi32, #tpu.memory_space<vmem>> -> memref<125xi32, #tpu.memory_space<vmem>>
        %dma_wait3A_309 = arith.constant 0 : i32
        %dma_wait3A_310 = tpu.memref_slice %arg3[%dma_wait3A_304, %add3A, %add3A_301, %dma_wait3A_309] : memref<2x32x80x125xi32, #tpu.memory_space<hbm>> -> memref<1x1x1x125xi32, #tpu.memory_space<hbm>>
        %dma_wait3A_311 = tpu.memref_squeeze %dma_wait3A_310 : memref<1x1x1x125xi32, #tpu.memory_space<hbm>> -> memref<125xi32, #tpu.memory_space<hbm>>
        %dma_wait3A_312 = arith.constant 0 : i32
        %dma_wait3A_313 = tpu.memref_slice %arg5[%rem3A_303, %dma_wait3A_305, %dma_wait3A_312] : memref<4x2x125xi32, #tpu.memory_space<vmem>> -> memref<1x1x125xi32, #tpu.memory_space<vmem>>
        %dma_wait3A_314 = tpu.memref_squeeze %dma_wait3A_313 : memref<1x1x125xi32, #tpu.memory_space<vmem>> -> memref<125xi32, #tpu.memory_space<vmem>>
        %dma_wait3A_315 = arith.constant 0 : i32
        %dma_wait3A_316 = tpu.memref_slice %arg3[%dma_wait3A_304, %add3A, %add3A_301, %dma_wait3A_315] : memref<2x32x80x125xi32, #tpu.memory_space<hbm>> -> memref<1x1x1x125xi32, #tpu.memory_space<hbm>>
        %dma_wait3A_317 = tpu.memref_squeeze %dma_wait3A_316 : memref<1x1x1x125xi32, #tpu.memory_space<hbm>> -> memref<125xi32, #tpu.memory_space<hbm>>
        tpu.wait_dma2 semaphore(%arg8 : memref<!tpu.dma_semaphore, #tpu.memory_space<semaphore_mem>>) src(%dma_wait3A_317 : memref<125xi32, #tpu.memory_space<hbm>>) dst(%dma_wait3A_314 : memref<125xi32, #tpu.memory_space<vmem>>)
        %rem3A_318 = arith.constant 4 : i32
        %rem3A_319 = arith.remsi %add3A_301, %rem3A_318 : i32
        %dma_wait3A_320 = arith.constant 1 : i32
        %dma_wait3A_321 = arith.constant 1 : i32
        %dma_wait3A_322 = arith.constant 0 : i32
        %dma_wait3A_323 = tpu.memref_slice %arg5[%rem3A_319, %dma_wait3A_321, %dma_wait3A_322] : memref<4x2x125xi32, #tpu.memory_space<vmem>> -> memref<1x1x125xi32, #tpu.memory_space<vmem>>
        %dma_wait3A_324 = tpu.memref_squeeze %dma_wait3A_323 : memref<1x1x125xi32, #tpu.memory_space<vmem>> -> memref<125xi32, #tpu.memory_space<vmem>>
        %dma_wait3A_325 = arith.constant 0 : i32
        %dma_wait3A_326 = tpu.memref_slice %arg3[%dma_wait3A_320, %add3A, %add3A_301, %dma_wait3A_325] : memref<2x32x80x125xi32, #tpu.memory_space<hbm>> -> memref<1x1x1x125xi32, #tpu.memory_space<hbm>>
        %dma_wait3A_327 = tpu.memref_squeeze %dma_wait3A_326 : memref<1x1x1x125xi32, #tpu.memory_space<hbm>> -> memref<125xi32, #tpu.memory_space<hbm>>
        %dma_wait3A_328 = arith.constant 0 : i32
        %dma_wait3A_329 = tpu.memref_slice %arg5[%rem3A_319, %dma_wait3A_321, %dma_wait3A_328] : memref<4x2x125xi32, #tpu.memory_space<vmem>> -> memref<1x1x125xi32, #tpu.memory_space<vmem>>
        %dma_wait3A_330 = tpu.memref_squeeze %dma_wait3A_329 : memref<1x1x125xi32, #tpu.memory_space<vmem>> -> memref<125xi32, #tpu.memory_space<vmem>>
        %dma_wait3A_331 = arith.constant 0 : i32
        %dma_wait3A_332 = tpu.memref_slice %arg3[%dma_wait3A_320, %add3A, %add3A_301, %dma_wait3A_331] : memref<2x32x80x125xi32, #tpu.memory_space<hbm>> -> memref<1x1x1x125xi32, #tpu.memory_space<hbm>>
        %dma_wait3A_333 = tpu.memref_squeeze %dma_wait3A_332 : memref<1x1x1x125xi32, #tpu.memory_space<hbm>> -> memref<125xi32, #tpu.memory_space<hbm>>
        tpu.wait_dma2 semaphore(%arg8 : memref<!tpu.dma_semaphore, #tpu.memory_space<semaphore_mem>>) src(%dma_wait3A_333 : memref<125xi32, #tpu.memory_space<hbm>>) dst(%dma_wait3A_330 : memref<125xi32, #tpu.memory_space<vmem>>)
        %add3A_334 = arith.constant 1 : i32
        %add3A_335 = arith.addi %add3A_202, %add3A_334 : i32
        %rem3A_336 = arith.constant 4 : i32
        %rem3A_337 = arith.remsi %add3A_335, %rem3A_336 : i32
        %dma_start3A_338 = arith.constant 0 : i32
        %dma_start3A_339 = arith.constant 1 : i32
        %dma_start3A_340 = arith.constant 0 : i32
        %dma_start3A_341 = arith.constant 0 : i32
        %dma_start3A_342 = tpu.memref_slice %arg6[%dma_start3A_339, %dma_start3A_340, %dma_start3A_341] : memref<2x125x128xf32, #tpu.memory_space<vmem>> -> memref<1x125x128xf32, #tpu.memory_space<vmem>>
        %dma_start3A_343 = tpu.memref_squeeze %dma_start3A_342 : memref<1x125x128xf32, #tpu.memory_space<vmem>> -> memref<125x128xf32, #tpu.memory_space<vmem>>
        %dma_start3A_344 = arith.constant 0 : i32
        %dma_start3A_345 = tpu.memref_slice %arg5[%rem3A_337, %dma_start3A_338, %dma_start3A_344] : memref<4x2x125xi32, #tpu.memory_space<vmem>> -> memref<1x1x125xi32, #tpu.memory_space<vmem>>
        %dma_start3A_346 = tpu.memref_squeeze %dma_start3A_345 : memref<1x1x125xi32, #tpu.memory_space<vmem>> -> memref<125xi32, #tpu.memory_space<vmem>>
        %dma_start3A_347 = arith.constant 0 : i32
        %dma_start3A_348 = arith.constant 0 : i32
        %dma_start3A_349 = tpu.memref_slice %arg2[%dma_start3A_347, %dma_start3A_348] : memref<10000x128xf32, #tpu.memory_space<hbm>> -> memref<10000x128xf32, #tpu.memory_space<hbm>>
        tpu.enqueue_indirect_dma source(%dma_start3A_349 : memref<10000x128xf32, #tpu.memory_space<hbm>>) target(%dma_start3A_343 : memref<125x128xf32, #tpu.memory_space<vmem>>) offsets(%dma_start3A_346 : memref<125xi32, #tpu.memory_space<vmem>>) semaphore(%arg9 : memref<!tpu.dma_semaphore, #tpu.memory_space<semaphore_mem>>)
      } else {
      }
      %add3A_242 = arith.constant 3 : i32
      %add3A_243 = arith.addi %add3A_202, %add3A_242 : i32
      %lt3A_244 = arith.constant 80 : i32
      %lt3A_245 = arith.cmpi slt, %add3A_243, %lt3A_244 : i32
      %convert_element_type3A_246 = arith.extui %lt3A_245 : i1 to i32
      %cond3A_247 = arith.constant 0 : i32
      %cond3A_248 = arith.cmpi ne, %convert_element_type3A_246, %cond3A_247 : i32
      scf.if %cond3A_248 {
        %add3A_300 = arith.constant 3 : i32
        %add3A_301 = arith.addi %add3A_202, %add3A_300 : i32
        %rem3A_302 = arith.constant 4 : i32
        %rem3A_303 = arith.remsi %add3A_301, %rem3A_302 : i32
        %dma_start3A_304 = arith.constant 0 : i32
        %dma_start3A_305 = arith.constant 0 : i32
        %dma_start3A_306 = arith.constant 0 : i32
        %dma_start3A_307 = tpu.memref_slice %arg5[%rem3A_303, %dma_start3A_305, %dma_start3A_306] : memref<4x2x125xi32, #tpu.memory_space<vmem>> -> memref<1x1x125xi32, #tpu.memory_space<vmem>>
        %dma_start3A_308 = tpu.memref_squeeze %dma_start3A_307 : memref<1x1x125xi32, #tpu.memory_space<vmem>> -> memref<125xi32, #tpu.memory_space<vmem>>
        %dma_start3A_309 = arith.constant 0 : i32
        %dma_start3A_310 = tpu.memref_slice %arg3[%dma_start3A_304, %add3A, %add3A_301, %dma_start3A_309] : memref<2x32x80x125xi32, #tpu.memory_space<hbm>> -> memref<1x1x1x125xi32, #tpu.memory_space<hbm>>
        %dma_start3A_311 = tpu.memref_squeeze %dma_start3A_310 : memref<1x1x1x125xi32, #tpu.memory_space<hbm>> -> memref<125xi32, #tpu.memory_space<hbm>>
        %dma_start3A_312 = arith.constant 0 : i32
        %dma_start3A_313 = tpu.memref_slice %arg5[%rem3A_303, %dma_start3A_305, %dma_start3A_312] : memref<4x2x125xi32, #tpu.memory_space<vmem>> -> memref<1x1x125xi32, #tpu.memory_space<vmem>>
        %dma_start3A_314 = tpu.memref_squeeze %dma_start3A_313 : memref<1x1x125xi32, #tpu.memory_space<vmem>> -> memref<125xi32, #tpu.memory_space<vmem>>
        %dma_start3A_315 = arith.constant 0 : i32
        %dma_start3A_316 = tpu.memref_slice %arg3[%dma_start3A_304, %add3A, %add3A_301, %dma_start3A_315] : memref<2x32x80x125xi32, #tpu.memory_space<hbm>> -> memref<1x1x1x125xi32, #tpu.memory_space<hbm>>
        %dma_start3A_317 = tpu.memref_squeeze %dma_start3A_316 : memref<1x1x1x125xi32, #tpu.memory_space<hbm>> -> memref<125xi32, #tpu.memory_space<hbm>>
        tpu.enqueue_dma source(%dma_start3A_317 : memref<125xi32, #tpu.memory_space<hbm>>) target(%dma_start3A_314 : memref<125xi32, #tpu.memory_space<vmem>>) target_semaphore(%arg8 : memref<!tpu.dma_semaphore, #tpu.memory_space<semaphore_mem>>)
        %rem3A_318 = arith.constant 4 : i32
        %rem3A_319 = arith.remsi %add3A_301, %rem3A_318 : i32
        %dma_start3A_320 = arith.constant 1 : i32
        %dma_start3A_321 = arith.constant 1 : i32
        %dma_start3A_322 = arith.constant 0 : i32
        %dma_start3A_323 = tpu.memref_slice %arg5[%rem3A_319, %dma_start3A_321, %dma_start3A_322] : memref<4x2x125xi32, #tpu.memory_space<vmem>> -> memref<1x1x125xi32, #tpu.memory_space<vmem>>
        %dma_start3A_324 = tpu.memref_squeeze %dma_start3A_323 : memref<1x1x125xi32, #tpu.memory_space<vmem>> -> memref<125xi32, #tpu.memory_space<vmem>>
        %dma_start3A_325 = arith.constant 0 : i32
        %dma_start3A_326 = tpu.memref_slice %arg3[%dma_start3A_320, %add3A, %add3A_301, %dma_start3A_325] : memref<2x32x80x125xi32, #tpu.memory_space<hbm>> -> memref<1x1x1x125xi32, #tpu.memory_space<hbm>>
        %dma_start3A_327 = tpu.memref_squeeze %dma_start3A_326 : memref<1x1x1x125xi32, #tpu.memory_space<hbm>> -> memref<125xi32, #tpu.memory_space<hbm>>
        %dma_start3A_328 = arith.constant 0 : i32
        %dma_start3A_329 = tpu.memref_slice %arg5[%rem3A_319, %dma_start3A_321, %dma_start3A_328] : memref<4x2x125xi32, #tpu.memory_space<vmem>> -> memref<1x1x125xi32, #tpu.memory_space<vmem>>
        %dma_start3A_330 = tpu.memref_squeeze %dma_start3A_329 : memref<1x1x125xi32, #tpu.memory_space<vmem>> -> memref<125xi32, #tpu.memory_space<vmem>>
        %dma_start3A_331 = arith.constant 0 : i32
        %dma_start3A_332 = tpu.memref_slice %arg3[%dma_start3A_320, %add3A, %add3A_301, %dma_start3A_331] : memref<2x32x80x125xi32, #tpu.memory_space<hbm>> -> memref<1x1x1x125xi32, #tpu.memory_space<hbm>>
        %dma_start3A_333 = tpu.memref_squeeze %dma_start3A_332 : memref<1x1x1x125xi32, #tpu.memory_space<hbm>> -> memref<125xi32, #tpu.memory_space<hbm>>
        tpu.enqueue_dma source(%dma_start3A_333 : memref<125xi32, #tpu.memory_space<hbm>>) target(%dma_start3A_330 : memref<125xi32, #tpu.memory_space<vmem>>) target_semaphore(%arg8 : memref<!tpu.dma_semaphore, #tpu.memory_space<semaphore_mem>>)
      } else {
      }
      %mul3A_249 = arith.constant 2 : i32
      %mul3A_250 = arith.muli %mul3A_249, %scan3A_198 : i32
      %add3A_251 = arith.constant 1 : i32
      %add3A_252 = arith.addi %mul3A_250, %add3A_251 : i32
      %rem3A_253 = arith.constant 4 : i32
      %rem3A_254 = arith.remsi %add3A_252, %rem3A_253 : i32
      %dma_wait3A_255 = arith.constant 0 : i32
      %dma_wait3A_256 = arith.constant 1 : i32
      %dma_wait3A_257 = arith.constant 0 : i32
      %dma_wait3A_258 = arith.constant 0 : i32
      %dma_wait3A_259 = tpu.memref_slice %arg6[%dma_wait3A_256, %dma_wait3A_257, %dma_wait3A_258] : memref<2x125x128xf32, #tpu.memory_space<vmem>> -> memref<1x125x128xf32, #tpu.memory_space<vmem>>
      %dma_wait3A_260 = tpu.memref_squeeze %dma_wait3A_259 : memref<1x125x128xf32, #tpu.memory_space<vmem>> -> memref<125x128xf32, #tpu.memory_space<vmem>>
      %dma_wait3A_261 = arith.constant 0 : i32
      %dma_wait3A_262 = tpu.memref_slice %arg5[%rem3A_254, %dma_wait3A_255, %dma_wait3A_261] : memref<4x2x125xi32, #tpu.memory_space<vmem>> -> memref<1x1x125xi32, #tpu.memory_space<vmem>>
      %dma_wait3A_263 = tpu.memref_squeeze %dma_wait3A_262 : memref<1x1x125xi32, #tpu.memory_space<vmem>> -> memref<125xi32, #tpu.memory_space<vmem>>
      %dma_wait3A_264 = arith.constant 0 : i32
      %dma_wait3A_265 = arith.constant 0 : i32
      %dma_wait3A_266 = tpu.memref_slice %arg2[%dma_wait3A_264, %dma_wait3A_265] : memref<10000x128xf32, #tpu.memory_space<hbm>> -> memref<10000x128xf32, #tpu.memory_space<hbm>>
      tpu.wait_indirect_dma semaphore(%arg9 : memref<!tpu.dma_semaphore, #tpu.memory_space<semaphore_mem>>) src(%dma_wait3A_266 : memref<10000x128xf32, #tpu.memory_space<hbm>>) dst(%dma_wait3A_260 : memref<125x128xf32, #tpu.memory_space<vmem>>)
      %rem3A_267 = arith.constant 4 : i32
      %rem3A_268 = arith.remsi %add3A_252, %rem3A_267 : i32
      %dma_start3A_269 = arith.constant 1 : i32
      %dma_start3A_270 = arith.constant 1 : i32
      %dma_start3A_271 = arith.constant 0 : i32
      %dma_start3A_272 = arith.constant 0 : i32
      %dma_start3A_273 = tpu.memref_slice %arg6[%dma_start3A_269, %dma_start3A_271, %dma_start3A_272] : memref<2x125x128xf32, #tpu.memory_space<vmem>> -> memref<1x125x128xf32, #tpu.memory_space<vmem>>
      %dma_start3A_274 = tpu.memref_squeeze %dma_start3A_273 : memref<1x125x128xf32, #tpu.memory_space<vmem>> -> memref<125x128xf32, #tpu.memory_space<vmem>>
      %dma_start3A_275 = arith.constant 0 : i32
      %dma_start3A_276 = tpu.memref_slice %arg5[%rem3A_268, %dma_start3A_270, %dma_start3A_275] : memref<4x2x125xi32, #tpu.memory_space<vmem>> -> memref<1x1x125xi32, #tpu.memory_space<vmem>>
      %dma_start3A_277 = tpu.memref_squeeze %dma_start3A_276 : memref<1x1x125xi32, #tpu.memory_space<vmem>> -> memref<125xi32, #tpu.memory_space<vmem>>
      %dma_start3A_278 = arith.constant 0 : i32
      %dma_start3A_279 = arith.constant 0 : i32
      %dma_start3A_280 = tpu.memref_slice %arg7[%dma_start3A_278, %dma_start3A_279] : memref<10240x128xf32, #tpu.memory_space<vmem_shared>> -> memref<10240x128xf32, #tpu.memory_space<vmem_shared>>
      tpu.enqueue_indirect_dma source(%dma_start3A_274 : memref<125x128xf32, #tpu.memory_space<vmem>>) target(%dma_start3A_280 : memref<10240x128xf32, #tpu.memory_space<vmem_shared>>) offsets(%dma_start3A_277 : memref<125xi32, #tpu.memory_space<vmem>>) semaphore(%arg11 : memref<!tpu.dma_semaphore, #tpu.memory_space<semaphore_mem>>) {add = true}
      %ge3A_281 = arith.constant 1 : i32
      %ge3A_282 = arith.cmpi sge, %add3A_252, %ge3A_281 : i32
      %convert_element_type3A_283 = arith.extui %ge3A_282 : i1 to i32
      %cond3A_284 = arith.constant 0 : i32
      %cond3A_285 = arith.cmpi ne, %convert_element_type3A_283, %cond3A_284 : i32
      scf.if %cond3A_285 {
        %sub3A = arith.constant 1 : i32
        %sub3A_300 = arith.subi %add3A_252, %sub3A : i32
        %rem3A_301 = arith.constant 4 : i32
        %rem3A_302 = arith.remsi %sub3A_300, %rem3A_301 : i32
        %dma_wait3A_303 = arith.constant 0 : i32
        %dma_wait3A_304 = arith.constant 1 : i32
        %dma_wait3A_305 = arith.constant 0 : i32
        %dma_wait3A_306 = arith.constant 0 : i32
        %dma_wait3A_307 = tpu.memref_slice %arg6[%dma_wait3A_303, %dma_wait3A_305, %dma_wait3A_306] : memref<2x125x128xf32, #tpu.memory_space<vmem>> -> memref<1x125x128xf32, #tpu.memory_space<vmem>>
        %dma_wait3A_308 = tpu.memref_squeeze %dma_wait3A_307 : memref<1x125x128xf32, #tpu.memory_space<vmem>> -> memref<125x128xf32, #tpu.memory_space<vmem>>
        %dma_wait3A_309 = arith.constant 0 : i32
        %dma_wait3A_310 = tpu.memref_slice %arg5[%rem3A_302, %dma_wait3A_304, %dma_wait3A_309] : memref<4x2x125xi32, #tpu.memory_space<vmem>> -> memref<1x1x125xi32, #tpu.memory_space<vmem>>
        %dma_wait3A_311 = tpu.memref_squeeze %dma_wait3A_310 : memref<1x1x125xi32, #tpu.memory_space<vmem>> -> memref<125xi32, #tpu.memory_space<vmem>>
        %dma_wait3A_312 = arith.constant 0 : i32
        %dma_wait3A_313 = arith.constant 0 : i32
        %dma_wait3A_314 = tpu.memref_slice %arg7[%dma_wait3A_312, %dma_wait3A_313] : memref<10240x128xf32, #tpu.memory_space<vmem_shared>> -> memref<10240x128xf32, #tpu.memory_space<vmem_shared>>
        tpu.wait_indirect_dma semaphore(%arg10 : memref<!tpu.dma_semaphore, #tpu.memory_space<semaphore_mem>>) src(%dma_wait3A_308 : memref<125x128xf32, #tpu.memory_space<vmem>>) dst(%dma_wait3A_314 : memref<10240x128xf32, #tpu.memory_space<vmem_shared>>)
      } else {
      }
      %add3A_286 = arith.constant 1 : i32
      %add3A_287 = arith.addi %add3A_252, %add3A_286 : i32
      %lt3A_288 = arith.constant 80 : i32
      %lt3A_289 = arith.cmpi slt, %add3A_287, %lt3A_288 : i32
      %convert_element_type3A_290 = arith.extui %lt3A_289 : i1 to i32
      %cond3A_291 = arith.constant 0 : i32
      %cond3A_292 = arith.cmpi ne, %convert_element_type3A_290, %cond3A_291 : i32
      scf.if %cond3A_292 {
        %add3A_300 = arith.constant 1 : i32
        %add3A_301 = arith.addi %add3A_252, %add3A_300 : i32
        %rem3A_302 = arith.constant 4 : i32
        %rem3A_303 = arith.remsi %add3A_301, %rem3A_302 : i32
        %dma_wait3A_304 = arith.constant 0 : i32
        %dma_wait3A_305 = arith.constant 0 : i32
        %dma_wait3A_306 = arith.constant 0 : i32
        %dma_wait3A_307 = tpu.memref_slice %arg5[%rem3A_303, %dma_wait3A_305, %dma_wait3A_306] : memref<4x2x125xi32, #tpu.memory_space<vmem>> -> memref<1x1x125xi32, #tpu.memory_space<vmem>>
        %dma_wait3A_308 = tpu.memref_squeeze %dma_wait3A_307 : memref<1x1x125xi32, #tpu.memory_space<vmem>> -> memref<125xi32, #tpu.memory_space<vmem>>
        %dma_wait3A_309 = arith.constant 0 : i32
        %dma_wait3A_310 = tpu.memref_slice %arg3[%dma_wait3A_304, %add3A, %add3A_301, %dma_wait3A_309] : memref<2x32x80x125xi32, #tpu.memory_space<hbm>> -> memref<1x1x1x125xi32, #tpu.memory_space<hbm>>
        %dma_wait3A_311 = tpu.memref_squeeze %dma_wait3A_310 : memref<1x1x1x125xi32, #tpu.memory_space<hbm>> -> memref<125xi32, #tpu.memory_space<hbm>>
        %dma_wait3A_312 = arith.constant 0 : i32
        %dma_wait3A_313 = tpu.memref_slice %arg5[%rem3A_303, %dma_wait3A_305, %dma_wait3A_312] : memref<4x2x125xi32, #tpu.memory_space<vmem>> -> memref<1x1x125xi32, #tpu.memory_space<vmem>>
        %dma_wait3A_314 = tpu.memref_squeeze %dma_wait3A_313 : memref<1x1x125xi32, #tpu.memory_space<vmem>> -> memref<125xi32, #tpu.memory_space<vmem>>
        %dma_wait3A_315 = arith.constant 0 : i32
        %dma_wait3A_316 = tpu.memref_slice %arg3[%dma_wait3A_304, %add3A, %add3A_301, %dma_wait3A_315] : memref<2x32x80x125xi32, #tpu.memory_space<hbm>> -> memref<1x1x1x125xi32, #tpu.memory_space<hbm>>
        %dma_wait3A_317 = tpu.memref_squeeze %dma_wait3A_316 : memref<1x1x1x125xi32, #tpu.memory_space<hbm>> -> memref<125xi32, #tpu.memory_space<hbm>>
        tpu.wait_dma2 semaphore(%arg8 : memref<!tpu.dma_semaphore, #tpu.memory_space<semaphore_mem>>) src(%dma_wait3A_317 : memref<125xi32, #tpu.memory_space<hbm>>) dst(%dma_wait3A_314 : memref<125xi32, #tpu.memory_space<vmem>>)
        %rem3A_318 = arith.constant 4 : i32
        %rem3A_319 = arith.remsi %add3A_301, %rem3A_318 : i32
        %dma_wait3A_320 = arith.constant 1 : i32
        %dma_wait3A_321 = arith.constant 1 : i32
        %dma_wait3A_322 = arith.constant 0 : i32
        %dma_wait3A_323 = tpu.memref_slice %arg5[%rem3A_319, %dma_wait3A_321, %dma_wait3A_322] : memref<4x2x125xi32, #tpu.memory_space<vmem>> -> memref<1x1x125xi32, #tpu.memory_space<vmem>>
        %dma_wait3A_324 = tpu.memref_squeeze %dma_wait3A_323 : memref<1x1x125xi32, #tpu.memory_space<vmem>> -> memref<125xi32, #tpu.memory_space<vmem>>
        %dma_wait3A_325 = arith.constant 0 : i32
        %dma_wait3A_326 = tpu.memref_slice %arg3[%dma_wait3A_320, %add3A, %add3A_301, %dma_wait3A_325] : memref<2x32x80x125xi32, #tpu.memory_space<hbm>> -> memref<1x1x1x125xi32, #tpu.memory_space<hbm>>
        %dma_wait3A_327 = tpu.memref_squeeze %dma_wait3A_326 : memref<1x1x1x125xi32, #tpu.memory_space<hbm>> -> memref<125xi32, #tpu.memory_space<hbm>>
        %dma_wait3A_328 = arith.constant 0 : i32
        %dma_wait3A_329 = tpu.memref_slice %arg5[%rem3A_319, %dma_wait3A_321, %dma_wait3A_328] : memref<4x2x125xi32, #tpu.memory_space<vmem>> -> memref<1x1x125xi32, #tpu.memory_space<vmem>>
        %dma_wait3A_330 = tpu.memref_squeeze %dma_wait3A_329 : memref<1x1x125xi32, #tpu.memory_space<vmem>> -> memref<125xi32, #tpu.memory_space<vmem>>
        %dma_wait3A_331 = arith.constant 0 : i32
        %dma_wait3A_332 = tpu.memref_slice %arg3[%dma_wait3A_320, %add3A, %add3A_301, %dma_wait3A_331] : memref<2x32x80x125xi32, #tpu.memory_space<hbm>> -> memref<1x1x1x125xi32, #tpu.memory_space<hbm>>
        %dma_wait3A_333 = tpu.memref_squeeze %dma_wait3A_332 : memref<1x1x1x125xi32, #tpu.memory_space<hbm>> -> memref<125xi32, #tpu.memory_space<hbm>>
        tpu.wait_dma2 semaphore(%arg8 : memref<!tpu.dma_semaphore, #tpu.memory_space<semaphore_mem>>) src(%dma_wait3A_333 : memref<125xi32, #tpu.memory_space<hbm>>) dst(%dma_wait3A_330 : memref<125xi32, #tpu.memory_space<vmem>>)
        %add3A_334 = arith.constant 1 : i32
        %add3A_335 = arith.addi %add3A_252, %add3A_334 : i32
        %rem3A_336 = arith.constant 4 : i32
        %rem3A_337 = arith.remsi %add3A_335, %rem3A_336 : i32
        %dma_start3A_338 = arith.constant 0 : i32
        %dma_start3A_339 = arith.constant 0 : i32
        %dma_start3A_340 = arith.constant 0 : i32
        %dma_start3A_341 = arith.constant 0 : i32
        %dma_start3A_342 = tpu.memref_slice %arg6[%dma_start3A_339, %dma_start3A_340, %dma_start3A_341] : memref<2x125x128xf32, #tpu.memory_space<vmem>> -> memref<1x125x128xf32, #tpu.memory_space<vmem>>
        %dma_start3A_343 = tpu.memref_squeeze %dma_start3A_342 : memref<1x125x128xf32, #tpu.memory_space<vmem>> -> memref<125x128xf32, #tpu.memory_space<vmem>>
        %dma_start3A_344 = arith.constant 0 : i32
        %dma_start3A_345 = tpu.memref_slice %arg5[%rem3A_337, %dma_start3A_338, %dma_start3A_344] : memref<4x2x125xi32, #tpu.memory_space<vmem>> -> memref<1x1x125xi32, #tpu.memory_space<vmem>>
        %dma_start3A_346 = tpu.memref_squeeze %dma_start3A_345 : memref<1x1x125xi32, #tpu.memory_space<vmem>> -> memref<125xi32, #tpu.memory_space<vmem>>
        %dma_start3A_347 = arith.constant 0 : i32
        %dma_start3A_348 = arith.constant 0 : i32
        %dma_start3A_349 = tpu.memref_slice %arg2[%dma_start3A_347, %dma_start3A_348] : memref<10000x128xf32, #tpu.memory_space<hbm>> -> memref<10000x128xf32, #tpu.memory_space<hbm>>
        tpu.enqueue_indirect_dma source(%dma_start3A_349 : memref<10000x128xf32, #tpu.memory_space<hbm>>) target(%dma_start3A_343 : memref<125x128xf32, #tpu.memory_space<vmem>>) offsets(%dma_start3A_346 : memref<125xi32, #tpu.memory_space<vmem>>) semaphore(%arg9 : memref<!tpu.dma_semaphore, #tpu.memory_space<semaphore_mem>>)
      } else {
      }
      %add3A_293 = arith.constant 3 : i32
      %add3A_294 = arith.addi %add3A_252, %add3A_293 : i32
      %lt3A_295 = arith.constant 80 : i32
      %lt3A_296 = arith.cmpi slt, %add3A_294, %lt3A_295 : i32
      %convert_element_type3A_297 = arith.extui %lt3A_296 : i1 to i32
      %cond3A_298 = arith.constant 0 : i32
      %cond3A_299 = arith.cmpi ne, %convert_element_type3A_297, %cond3A_298 : i32
      scf.if %cond3A_299 {
        %add3A_300 = arith.constant 3 : i32
        %add3A_301 = arith.addi %add3A_252, %add3A_300 : i32
        %rem3A_302 = arith.constant 4 : i32
        %rem3A_303 = arith.remsi %add3A_301, %rem3A_302 : i32
        %dma_start3A_304 = arith.constant 0 : i32
        %dma_start3A_305 = arith.constant 0 : i32
        %dma_start3A_306 = arith.constant 0 : i32
        %dma_start3A_307 = tpu.memref_slice %arg5[%rem3A_303, %dma_start3A_305, %dma_start3A_306] : memref<4x2x125xi32, #tpu.memory_space<vmem>> -> memref<1x1x125xi32, #tpu.memory_space<vmem>>
        %dma_start3A_308 = tpu.memref_squeeze %dma_start3A_307 : memref<1x1x125xi32, #tpu.memory_space<vmem>> -> memref<125xi32, #tpu.memory_space<vmem>>
        %dma_start3A_309 = arith.constant 0 : i32
        %dma_start3A_310 = tpu.memref_slice %arg3[%dma_start3A_304, %add3A, %add3A_301, %dma_start3A_309] : memref<2x32x80x125xi32, #tpu.memory_space<hbm>> -> memref<1x1x1x125xi32, #tpu.memory_space<hbm>>
        %dma_start3A_311 = tpu.memref_squeeze %dma_start3A_310 : memref<1x1x1x125xi32, #tpu.memory_space<hbm>> -> memref<125xi32, #tpu.memory_space<hbm>>
        %dma_start3A_312 = arith.constant 0 : i32
        %dma_start3A_313 = tpu.memref_slice %arg5[%rem3A_303, %dma_start3A_305, %dma_start3A_312] : memref<4x2x125xi32, #tpu.memory_space<vmem>> -> memref<1x1x125xi32, #tpu.memory_space<vmem>>
        %dma_start3A_314 = tpu.memref_squeeze %dma_start3A_313 : memref<1x1x125xi32, #tpu.memory_space<vmem>> -> memref<125xi32, #tpu.memory_space<vmem>>
        %dma_start3A_315 = arith.constant 0 : i32
        %dma_start3A_316 = tpu.memref_slice %arg3[%dma_start3A_304, %add3A, %add3A_301, %dma_start3A_315] : memref<2x32x80x125xi32, #tpu.memory_space<hbm>> -> memref<1x1x1x125xi32, #tpu.memory_space<hbm>>
        %dma_start3A_317 = tpu.memref_squeeze %dma_start3A_316 : memref<1x1x1x125xi32, #tpu.memory_space<hbm>> -> memref<125xi32, #tpu.memory_space<hbm>>
        tpu.enqueue_dma source(%dma_start3A_317 : memref<125xi32, #tpu.memory_space<hbm>>) target(%dma_start3A_314 : memref<125xi32, #tpu.memory_space<vmem>>) target_semaphore(%arg8 : memref<!tpu.dma_semaphore, #tpu.memory_space<semaphore_mem>>)
        %rem3A_318 = arith.constant 4 : i32
        %rem3A_319 = arith.remsi %add3A_301, %rem3A_318 : i32
        %dma_start3A_320 = arith.constant 1 : i32
        %dma_start3A_321 = arith.constant 1 : i32
        %dma_start3A_322 = arith.constant 0 : i32
        %dma_start3A_323 = tpu.memref_slice %arg5[%rem3A_319, %dma_start3A_321, %dma_start3A_322] : memref<4x2x125xi32, #tpu.memory_space<vmem>> -> memref<1x1x125xi32, #tpu.memory_space<vmem>>
        %dma_start3A_324 = tpu.memref_squeeze %dma_start3A_323 : memref<1x1x125xi32, #tpu.memory_space<vmem>> -> memref<125xi32, #tpu.memory_space<vmem>>
        %dma_start3A_325 = arith.constant 0 : i32
        %dma_start3A_326 = tpu.memref_slice %arg3[%dma_start3A_320, %add3A, %add3A_301, %dma_start3A_325] : memref<2x32x80x125xi32, #tpu.memory_space<hbm>> -> memref<1x1x1x125xi32, #tpu.memory_space<hbm>>
        %dma_start3A_327 = tpu.memref_squeeze %dma_start3A_326 : memref<1x1x1x125xi32, #tpu.memory_space<hbm>> -> memref<125xi32, #tpu.memory_space<hbm>>
        %dma_start3A_328 = arith.constant 0 : i32
        %dma_start3A_329 = tpu.memref_slice %arg5[%rem3A_319, %dma_start3A_321, %dma_start3A_328] : memref<4x2x125xi32, #tpu.memory_space<vmem>> -> memref<1x1x125xi32, #tpu.memory_space<vmem>>
        %dma_start3A_330 = tpu.memref_squeeze %dma_start3A_329 : memref<1x1x125xi32, #tpu.memory_space<vmem>> -> memref<125xi32, #tpu.memory_space<vmem>>
        %dma_start3A_331 = arith.constant 0 : i32
        %dma_start3A_332 = tpu.memref_slice %arg3[%dma_start3A_320, %add3A, %add3A_301, %dma_start3A_331] : memref<2x32x80x125xi32, #tpu.memory_space<hbm>> -> memref<1x1x1x125xi32, #tpu.memory_space<hbm>>
        %dma_start3A_333 = tpu.memref_squeeze %dma_start3A_332 : memref<1x1x1x125xi32, #tpu.memory_space<hbm>> -> memref<125xi32, #tpu.memory_space<hbm>>
        tpu.enqueue_dma source(%dma_start3A_333 : memref<125xi32, #tpu.memory_space<hbm>>) target(%dma_start3A_330 : memref<125xi32, #tpu.memory_space<vmem>>) target_semaphore(%arg8 : memref<!tpu.dma_semaphore, #tpu.memory_space<semaphore_mem>>)
      } else {
      }
    }
    %scan3A_175 = arith.constant 40 : i32
    %rem3A_176 = arith.constant 79 : i32
    %rem3A_177 = arith.constant 4 : i32
    %rem3A_178 = arith.remsi %rem3A_176, %rem3A_177 : i32
    %dma_wait3A_179 = arith.constant 1 : i32
    %dma_wait3A_180 = arith.constant 1 : i32
    %dma_wait3A_181 = arith.constant 0 : i32
    %dma_wait3A_182 = arith.constant 0 : i32
    %dma_wait3A_183 = tpu.memref_slice %arg6[%dma_wait3A_179, %dma_wait3A_181, %dma_wait3A_182] : memref<2x125x128xf32, #tpu.memory_space<vmem>> -> memref<1x125x128xf32, #tpu.memory_space<vmem>>
    %dma_wait3A_184 = tpu.memref_squeeze %dma_wait3A_183 : memref<1x125x128xf32, #tpu.memory_space<vmem>> -> memref<125x128xf32, #tpu.memory_space<vmem>>
    %dma_wait3A_185 = arith.constant 0 : i32
    %dma_wait3A_186 = tpu.memref_slice %arg5[%rem3A_178, %dma_wait3A_180, %dma_wait3A_185] : memref<4x2x125xi32, #tpu.memory_space<vmem>> -> memref<1x1x125xi32, #tpu.memory_space<vmem>>
    %dma_wait3A_187 = tpu.memref_squeeze %dma_wait3A_186 : memref<1x1x125xi32, #tpu.memory_space<vmem>> -> memref<125xi32, #tpu.memory_space<vmem>>
    %dma_wait3A_188 = arith.constant 0 : i32
    %dma_wait3A_189 = arith.constant 0 : i32
    %dma_wait3A_190 = tpu.memref_slice %arg7[%dma_wait3A_188, %dma_wait3A_189] : memref<10240x128xf32, #tpu.memory_space<vmem_shared>> -> memref<10240x128xf32, #tpu.memory_space<vmem_shared>>
    tpu.wait_indirect_dma semaphore(%arg11 : memref<!tpu.dma_semaphore, #tpu.memory_space<semaphore_mem>>) src(%dma_wait3A_184 : memref<125x128xf32, #tpu.memory_space<vmem>>) dst(%dma_wait3A_190 : memref<10240x128xf32, #tpu.memory_space<vmem_shared>>)
    %barrier3A_191 = arith.constant 0 : index
    tpu.barrier barrier_id(%barrier3A_191)
    %lt3A = arith.constant 15 : i32
    %lt3A_192 = arith.cmpi slt, %arg1, %lt3A : i32
    %convert_element_type3A = arith.extui %lt3A_192 : i1 to i32
    %cond3A = arith.constant 0 : i32
    %cond3A_193 = arith.cmpi ne, %convert_element_type3A, %cond3A : i32
    scf.if %cond3A_193 {
      %mul3A_198 = arith.constant 640 : i32
      %mul3A_199 = arith.muli %arg1, %mul3A_198 : i32
      %mul3A_200 = arith.constant 640 : i32
      %mul3A_201 = arith.muli %arg1, %mul3A_200 : i32
      "tpu.region"() ({
        %run_scoped3A_202 = tpu.sem_alloc : memref<!tpu.dma_semaphore, #tpu.memory_space<semaphore_mem>>
        %dma_start3A_203 = arith.constant 0 : i32
        %dma_start3A_204 = tpu.memref_slice %arg4[%arg0, %mul3A_201, %dma_start3A_203] : memref<2x10000x128xf32, #tpu.memory_space<hbm>> -> memref<1x640x128xf32, #tpu.memory_space<hbm>>
        %dma_start3A_205 = tpu.memref_squeeze %dma_start3A_204 : memref<1x640x128xf32, #tpu.memory_space<hbm>> -> memref<640x128xf32, #tpu.memory_space<hbm>>
        %dma_start3A_206 = arith.constant 0 : i32
        %dma_start3A_207 = tpu.memref_slice %arg7[%mul3A_199, %dma_start3A_206] : memref<10240x128xf32, #tpu.memory_space<vmem_shared>> -> memref<640x128xf32, #tpu.memory_space<vmem_shared>>
        tpu.enqueue_dma source(%dma_start3A_207 : memref<640x128xf32, #tpu.memory_space<vmem_shared>>) target(%dma_start3A_205 : memref<640x128xf32, #tpu.memory_space<hbm>>) target_semaphore(%run_scoped3A_202 : memref<!tpu.dma_semaphore, #tpu.memory_space<semaphore_mem>>)
        %dma_wait3A_208 = arith.constant 0 : i32
        %dma_wait3A_209 = tpu.memref_slice %arg4[%arg0, %mul3A_201, %dma_wait3A_208] : memref<2x10000x128xf32, #tpu.memory_space<hbm>> -> memref<1x640x128xf32, #tpu.memory_space<hbm>>
        %dma_wait3A_210 = tpu.memref_squeeze %dma_wait3A_209 : memref<1x640x128xf32, #tpu.memory_space<hbm>> -> memref<640x128xf32, #tpu.memory_space<hbm>>
        %dma_wait3A_211 = arith.constant 0 : i32
        %dma_wait3A_212 = tpu.memref_slice %arg7[%mul3A_199, %dma_wait3A_211] : memref<10240x128xf32, #tpu.memory_space<vmem_shared>> -> memref<640x128xf32, #tpu.memory_space<vmem_shared>>
        tpu.wait_dma2 semaphore(%run_scoped3A_202 : memref<!tpu.dma_semaphore, #tpu.memory_space<semaphore_mem>>) src(%dma_wait3A_212 : memref<640x128xf32, #tpu.memory_space<vmem_shared>>) dst(%dma_wait3A_210 : memref<640x128xf32, #tpu.memory_space<hbm>>)
        tpu.yield
      }) : () -> ()
    } else {
    }
    %eq3A = arith.constant 15 : i32
    %eq3A_194 = arith.cmpi eq, %arg1, %eq3A : i32
    %convert_element_type3A_195 = arith.extui %eq3A_194 : i1 to i32
    %cond3A_196 = arith.constant 0 : i32
    %cond3A_197 = arith.cmpi ne, %convert_element_type3A_195, %cond3A_196 : i32
    scf.if %cond3A_197 {
      "tpu.region"() ({
        %run_scoped3A_198 = tpu.sem_alloc : memref<!tpu.dma_semaphore, #tpu.memory_space<semaphore_mem>>
        %dma_start3A_199 = arith.constant 9600 : i32
        %dma_start3A_200 = arith.constant 0 : i32
        %dma_start3A_201 = tpu.memref_slice %arg4[%arg0, %dma_start3A_199, %dma_start3A_200] : memref<2x10000x128xf32, #tpu.memory_space<hbm>> -> memref<1x400x128xf32, #tpu.memory_space<hbm>>
        %dma_start3A_202 = tpu.memref_squeeze %dma_start3A_201 : memref<1x400x128xf32, #tpu.memory_space<hbm>> -> memref<400x128xf32, #tpu.memory_space<hbm>>
        %dma_start3A_203 = arith.constant 9600 : i32
        %dma_start3A_204 = arith.constant 0 : i32
        %dma_start3A_205 = tpu.memref_slice %arg7[%dma_start3A_203, %dma_start3A_204] : memref<10240x128xf32, #tpu.memory_space<vmem_shared>> -> memref<400x128xf32, #tpu.memory_space<vmem_shared>>
        tpu.enqueue_dma source(%dma_start3A_205 : memref<400x128xf32, #tpu.memory_space<vmem_shared>>) target(%dma_start3A_202 : memref<400x128xf32, #tpu.memory_space<hbm>>) target_semaphore(%run_scoped3A_198 : memref<!tpu.dma_semaphore, #tpu.memory_space<semaphore_mem>>)
        %dma_wait3A_206 = arith.constant 9600 : i32
        %dma_wait3A_207 = arith.constant 0 : i32
        %dma_wait3A_208 = tpu.memref_slice %arg4[%arg0, %dma_wait3A_206, %dma_wait3A_207] : memref<2x10000x128xf32, #tpu.memory_space<hbm>> -> memref<1x400x128xf32, #tpu.memory_space<hbm>>
        %dma_wait3A_209 = tpu.memref_squeeze %dma_wait3A_208 : memref<1x400x128xf32, #tpu.memory_space<hbm>> -> memref<400x128xf32, #tpu.memory_space<hbm>>
        %dma_wait3A_210 = arith.constant 9600 : i32
        %dma_wait3A_211 = arith.constant 0 : i32
        %dma_wait3A_212 = tpu.memref_slice %arg7[%dma_wait3A_210, %dma_wait3A_211] : memref<10240x128xf32, #tpu.memory_space<vmem_shared>> -> memref<400x128xf32, #tpu.memory_space<vmem_shared>>
        tpu.wait_dma2 semaphore(%run_scoped3A_198 : memref<!tpu.dma_semaphore, #tpu.memory_space<semaphore_mem>>) src(%dma_wait3A_212 : memref<400x128xf32, #tpu.memory_space<vmem_shared>>) dst(%dma_wait3A_209 : memref<400x128xf32, #tpu.memory_space<hbm>>)
        tpu.yield
      }) : () -> ()
    } else {
    }
    return
  }
}

#map = affine_map<(d0, d1) -> (0, 0, 0, 0)>
#map1 = affine_map<(d0, d1) -> (0, 0)>
module attributes {stable_mosaic.version = 14 : i64} {
  func.func @deg(%arg0: i32, %arg1: i32, %arg2: memref<2x32x80x125xi32, #tpu.memory_space<hbm>>, %arg3: memref<2x10240xf32, #tpu.memory_space<hbm>>, %arg4: memref<80x125xi32, #tpu.memory_space<vmem>>, %arg5: memref<128xf32, #tpu.memory_space<vmem>>, %arg6: memref<640xf32, #tpu.memory_space<vmem>>, %arg7: memref<10240xf32, #tpu.memory_space<vmem_shared>>, %arg8: memref<!tpu.dma_semaphore, #tpu.memory_space<semaphore_mem>>) attributes {dimension_semantics = [#tpu.dimension_semantics<core_parallel>, #tpu.dimension_semantics<subcore_parallel>], iteration_bounds = array<i64: 2, 16>, scalar_prefetch = 0 : i64, scratch_operands = 5 : i64, tpu.core_type = #tpu.core_type<sc_vector_subcore>, window_params = [{transform_indices = #map}, {transform_indices = #map1}]} {
    %mul3A = arith.constant 16 : i32
    %mul3A_0 = arith.muli %arg0, %mul3A : i32
    %add3A = arith.addi %mul3A_0, %arg1 : i32
    %scan3A = arith.constant 0 : i32
    %scan3A_1 = arith.constant 0 : i32
    %scan3A_2 = arith.constant 8 : i32
    %scan3A_3 = arith.addi %scan3A_1, %scan3A_2 : i32
    %scan3A_4 = arith.constant 1 : i32
    scf.for %scan3A_25 = %scan3A_1 to %scan3A_3 step %scan3A_4  : i32 {
      %broadcast_in_dim3A = arith.constant 1.000000e+00 : f32
      %broadcast_in_dim3A_26 = vector.broadcast %broadcast_in_dim3A : f32 to vector<16xf32>
      %mul3A_27 = arith.constant 16 : i32
      %mul3A_28 = arith.muli %scan3A_25, %mul3A_27 : i32
      %swap3A = arith.index_cast %mul3A_28 : i32 to index
      %swap3A_29 = tpu.vector_load %arg5[%swap3A] {strides = array<i32>} : memref<128xf32, #tpu.memory_space<vmem>>, vector<16xf32>,
      %swap3A_30 = vector.shape_cast %swap3A_29 : vector<16xf32> to vector<16xf32>
      %swap3A_31 = vector.shape_cast %broadcast_in_dim3A_26 : vector<16xf32> to vector<16xf32>
      tpu.vector_store %arg5[%swap3A], %swap3A_31 {strides = array<i32>} : memref<128xf32, #tpu.memory_space<vmem>>, vector<16xf32>,
    }
    %scan3A_5 = arith.constant 8 : i32
    %scan3A_6 = arith.constant 0 : i32
    %scan3A_7 = arith.constant 0 : i32
    %scan3A_8 = arith.constant 40 : i32
    %scan3A_9 = arith.addi %scan3A_7, %scan3A_8 : i32
    %scan3A_10 = arith.constant 1 : i32
    scf.for %scan3A_25 = %scan3A_7 to %scan3A_9 step %scan3A_10  : i32 {
      %broadcast_in_dim3A = arith.constant 0.000000e+00 : f32
      %broadcast_in_dim3A_26 = vector.broadcast %broadcast_in_dim3A : f32 to vector<16xf32>
      %mul3A_27 = arith.constant 16 : i32
      %mul3A_28 = arith.muli %scan3A_25, %mul3A_27 : i32
      %swap3A = arith.index_cast %mul3A_28 : i32 to index
      %swap3A_29 = tpu.vector_load %arg6[%swap3A] {strides = array<i32>} : memref<640xf32, #tpu.memory_space<vmem>>, vector<16xf32>,
      %swap3A_30 = vector.shape_cast %swap3A_29 : vector<16xf32> to vector<16xf32>
      %swap3A_31 = vector.shape_cast %broadcast_in_dim3A_26 : vector<16xf32> to vector<16xf32>
      tpu.vector_store %arg6[%swap3A], %swap3A_31 {strides = array<i32>} : memref<640xf32, #tpu.memory_space<vmem>>, vector<16xf32>,
    }
    %scan3A_11 = arith.constant 40 : i32
    %mul3A_12 = arith.constant 640 : i32
    %mul3A_13 = arith.muli %arg1, %mul3A_12 : i32
    "tpu.region"() ({
      %run_scoped3A_25 = tpu.sem_alloc : memref<!tpu.dma_semaphore, #tpu.memory_space<semaphore_mem>>
      %dma_start3A = tpu.memref_slice %arg7[%mul3A_13] : memref<10240xf32, #tpu.memory_space<vmem_shared>> -> memref<640xf32, #tpu.memory_space<vmem_shared>>
      %dma_start3A_26 = tpu.memref_slice %arg7[%mul3A_13] : memref<10240xf32, #tpu.memory_space<vmem_shared>> -> memref<640xf32, #tpu.memory_space<vmem_shared>>
      tpu.enqueue_dma source(%arg6 : memref<640xf32, #tpu.memory_space<vmem>>) target(%dma_start3A_26 : memref<640xf32, #tpu.memory_space<vmem_shared>>) target_semaphore(%run_scoped3A_25 : memref<!tpu.dma_semaphore, #tpu.memory_space<semaphore_mem>>)
      %dma_wait3A = tpu.memref_slice %arg7[%mul3A_13] : memref<10240xf32, #tpu.memory_space<vmem_shared>> -> memref<640xf32, #tpu.memory_space<vmem_shared>>
      %dma_wait3A_27 = tpu.memref_slice %arg7[%mul3A_13] : memref<10240xf32, #tpu.memory_space<vmem_shared>> -> memref<640xf32, #tpu.memory_space<vmem_shared>>
      tpu.wait_dma2 semaphore(%run_scoped3A_25 : memref<!tpu.dma_semaphore, #tpu.memory_space<semaphore_mem>>) src(%arg6 : memref<640xf32, #tpu.memory_space<vmem>>) dst(%dma_wait3A_27 : memref<640xf32, #tpu.memory_space<vmem_shared>>)
      tpu.yield
    }) : () -> ()
    %run_scoped3A = arith.constant 1 : i32
    "tpu.region"() ({
      %run_scoped3A_25 = tpu.sem_alloc : memref<!tpu.dma_semaphore, #tpu.memory_space<semaphore_mem>>
      %dma_start3A = arith.constant 0 : i32
      %dma_start3A_26 = arith.constant 0 : i32
      %dma_start3A_27 = tpu.memref_slice %arg2[%run_scoped3A, %add3A, %dma_start3A, %dma_start3A_26] : memref<2x32x80x125xi32, #tpu.memory_space<hbm>> -> memref<1x1x80x125xi32, #tpu.memory_space<hbm>>
      %dma_start3A_28 = tpu.memref_squeeze %dma_start3A_27 : memref<1x1x80x125xi32, #tpu.memory_space<hbm>> -> memref<80x125xi32, #tpu.memory_space<hbm>>
      %dma_start3A_29 = arith.constant 0 : i32
      %dma_start3A_30 = arith.constant 0 : i32
      %dma_start3A_31 = tpu.memref_slice %arg2[%run_scoped3A, %add3A, %dma_start3A_29, %dma_start3A_30] : memref<2x32x80x125xi32, #tpu.memory_space<hbm>> -> memref<1x1x80x125xi32, #tpu.memory_space<hbm>>
      %dma_start3A_32 = tpu.memref_squeeze %dma_start3A_31 : memref<1x1x80x125xi32, #tpu.memory_space<hbm>> -> memref<80x125xi32, #tpu.memory_space<hbm>>
      tpu.enqueue_dma source(%dma_start3A_32 : memref<80x125xi32, #tpu.memory_space<hbm>>) target(%arg4 : memref<80x125xi32, #tpu.memory_space<vmem>>) target_semaphore(%run_scoped3A_25 : memref<!tpu.dma_semaphore, #tpu.memory_space<semaphore_mem>>)
      %dma_wait3A = arith.constant 0 : i32
      %dma_wait3A_33 = arith.constant 0 : i32
      %dma_wait3A_34 = tpu.memref_slice %arg2[%run_scoped3A, %add3A, %dma_wait3A, %dma_wait3A_33] : memref<2x32x80x125xi32, #tpu.memory_space<hbm>> -> memref<1x1x80x125xi32, #tpu.memory_space<hbm>>
      %dma_wait3A_35 = tpu.memref_squeeze %dma_wait3A_34 : memref<1x1x80x125xi32, #tpu.memory_space<hbm>> -> memref<80x125xi32, #tpu.memory_space<hbm>>
      %dma_wait3A_36 = arith.constant 0 : i32
      %dma_wait3A_37 = arith.constant 0 : i32
      %dma_wait3A_38 = tpu.memref_slice %arg2[%run_scoped3A, %add3A, %dma_wait3A_36, %dma_wait3A_37] : memref<2x32x80x125xi32, #tpu.memory_space<hbm>> -> memref<1x1x80x125xi32, #tpu.memory_space<hbm>>
      %dma_wait3A_39 = tpu.memref_squeeze %dma_wait3A_38 : memref<1x1x80x125xi32, #tpu.memory_space<hbm>> -> memref<80x125xi32, #tpu.memory_space<hbm>>
      tpu.wait_dma2 semaphore(%run_scoped3A_25 : memref<!tpu.dma_semaphore, #tpu.memory_space<semaphore_mem>>) src(%dma_wait3A_39 : memref<80x125xi32, #tpu.memory_space<hbm>>) dst(%arg4 : memref<80x125xi32, #tpu.memory_space<vmem>>)
      tpu.yield
    }) : () -> ()
    %barrier3A = arith.constant 0 : index
    tpu.barrier barrier_id(%barrier3A)
    %scan3A_14 = arith.constant 0 : i32
    %scan3A_15 = arith.constant 0 : i32
    %scan3A_16 = arith.constant 80 : i32
    %scan3A_17 = arith.addi %scan3A_15, %scan3A_16 : i32
    %scan3A_18 = arith.constant 1 : i32
    scf.for %scan3A_25 = %scan3A_15 to %scan3A_17 step %scan3A_18  : i32 {
      %dma_start3A = arith.constant 0 : i32
      %dma_start3A_26 = tpu.memref_slice %arg5[%dma_start3A] : memref<128xf32, #tpu.memory_space<vmem>> -> memref<125xf32, #tpu.memory_space<vmem>>
      %dma_start3A_27 = arith.constant 0 : i32
      %dma_start3A_28 = tpu.memref_slice %arg4[%scan3A_25, %dma_start3A_27] : memref<80x125xi32, #tpu.memory_space<vmem>> -> memref<1x125xi32, #tpu.memory_space<vmem>>
      %dma_start3A_29 = tpu.memref_squeeze %dma_start3A_28 : memref<1x125xi32, #tpu.memory_space<vmem>> -> memref<125xi32, #tpu.memory_space<vmem>>
      %dma_start3A_30 = arith.constant 0 : i32
      %dma_start3A_31 = tpu.memref_slice %arg7[%dma_start3A_30] : memref<10240xf32, #tpu.memory_space<vmem_shared>> -> memref<10240xf32, #tpu.memory_space<vmem_shared>>
      tpu.enqueue_indirect_dma source(%dma_start3A_26 : memref<125xf32, #tpu.memory_space<vmem>>) target(%dma_start3A_31 : memref<10240xf32, #tpu.memory_space<vmem_shared>>) offsets(%dma_start3A_29 : memref<125xi32, #tpu.memory_space<vmem>>) semaphore(%arg8 : memref<!tpu.dma_semaphore, #tpu.memory_space<semaphore_mem>>) {add = true}
      %dma_wait3A = arith.constant 0 : i32
      %dma_wait3A_32 = tpu.memref_slice %arg5[%dma_wait3A] : memref<128xf32, #tpu.memory_space<vmem>> -> memref<125xf32, #tpu.memory_space<vmem>>
      %dma_wait3A_33 = arith.constant 0 : i32
      %dma_wait3A_34 = tpu.memref_slice %arg4[%scan3A_25, %dma_wait3A_33] : memref<80x125xi32, #tpu.memory_space<vmem>> -> memref<1x125xi32, #tpu.memory_space<vmem>>
      %dma_wait3A_35 = tpu.memref_squeeze %dma_wait3A_34 : memref<1x125xi32, #tpu.memory_space<vmem>> -> memref<125xi32, #tpu.memory_space<vmem>>
      %dma_wait3A_36 = arith.constant 0 : i32
      %dma_wait3A_37 = tpu.memref_slice %arg7[%dma_wait3A_36] : memref<10240xf32, #tpu.memory_space<vmem_shared>> -> memref<10240xf32, #tpu.memory_space<vmem_shared>>
      tpu.wait_indirect_dma semaphore(%arg8 : memref<!tpu.dma_semaphore, #tpu.memory_space<semaphore_mem>>) src(%dma_wait3A_32 : memref<125xf32, #tpu.memory_space<vmem>>) dst(%dma_wait3A_37 : memref<10240xf32, #tpu.memory_space<vmem_shared>>)
    }
    %scan3A_19 = arith.constant 80 : i32
    %barrier3A_20 = arith.constant 0 : index
    tpu.barrier barrier_id(%barrier3A_20)
    %mul3A_21 = arith.constant 640 : i32
    %mul3A_22 = arith.muli %arg1, %mul3A_21 : i32
    %mul3A_23 = arith.constant 640 : i32
    %mul3A_24 = arith.muli %arg1, %mul3A_23 : i32
    "tpu.region"() ({
      %run_scoped3A_25 = tpu.sem_alloc : memref<!tpu.dma_semaphore, #tpu.memory_space<semaphore_mem>>
      %dma_start3A = tpu.memref_slice %arg3[%arg0, %mul3A_24] : memref<2x10240xf32, #tpu.memory_space<hbm>> -> memref<1x640xf32, #tpu.memory_space<hbm>>
      %dma_start3A_26 = tpu.memref_squeeze %dma_start3A : memref<1x640xf32, #tpu.memory_space<hbm>> -> memref<640xf32, #tpu.memory_space<hbm>>
      %dma_start3A_27 = tpu.memref_slice %arg7[%mul3A_22] : memref<10240xf32, #tpu.memory_space<vmem_shared>> -> memref<640xf32, #tpu.memory_space<vmem_shared>>
      tpu.enqueue_dma source(%dma_start3A_27 : memref<640xf32, #tpu.memory_space<vmem_shared>>) target(%dma_start3A_26 : memref<640xf32, #tpu.memory_space<hbm>>) target_semaphore(%run_scoped3A_25 : memref<!tpu.dma_semaphore, #tpu.memory_space<semaphore_mem>>)
      %dma_wait3A = tpu.memref_slice %arg3[%arg0, %mul3A_24] : memref<2x10240xf32, #tpu.memory_space<hbm>> -> memref<1x640xf32, #tpu.memory_space<hbm>>
      %dma_wait3A_28 = tpu.memref_squeeze %dma_wait3A : memref<1x640xf32, #tpu.memory_space<hbm>> -> memref<640xf32, #tpu.memory_space<hbm>>
      %dma_wait3A_29 = tpu.memref_slice %arg7[%mul3A_22] : memref<10240xf32, #tpu.memory_space<vmem_shared>> -> memref<640xf32, #tpu.memory_space<vmem_shared>>
      tpu.wait_dma2 semaphore(%run_scoped3A_25 : memref<!tpu.dma_semaphore, #tpu.memory_space<semaphore_mem>>) src(%dma_wait3A_29 : memref<640xf32, #tpu.memory_space<vmem_shared>>) dst(%dma_wait3A_28 : memref<640xf32, #tpu.memory_space<hbm>>)
      tpu.yield
    }) : () -> ()
    return
  }
}

#map = affine_map<(d0, d1) -> (0, 0)>
#map1 = affine_map<(d0, d1) -> (0, 0, 0, 0)>
#map2 = affine_map<(d0, d1) -> (0, 0, 0)>
module attributes {stable_mosaic.version = 14 : i64} {
  func.func @agg(%arg0: i32, %arg1: i32, %arg2: memref<10000x128xf32, #tpu.memory_space<hbm>>, %arg3: memref<2x32x80x125xi32, #tpu.memory_space<hbm>>, %arg4: memref<2x10000x128xf32, #tpu.memory_space<hbm>>, %arg5: memref<4x2x125xi32, #tpu.memory_space<vmem>>, %arg6: memref<2x125x128xf32, #tpu.memory_space<vmem>>, %arg7: memref<10240x128xf32, #tpu.memory_space<vmem_shared>>, %arg8: memref<!tpu.dma_semaphore, #tpu.memory_space<semaphore_mem>>, %arg9: memref<!tpu.dma_semaphore, #tpu.memory_space<semaphore_mem>>, %arg10: memref<!tpu.dma_semaphore, #tpu.memory_space<semaphore_mem>>, %arg11: memref<!tpu.dma_semaphore, #tpu.memory_space<semaphore_mem>>) attributes {dimension_semantics = [#tpu.dimension_semantics<core_parallel>, #tpu.dimension_semantics<subcore_parallel>], iteration_bounds = array<i64: 2, 16>, scalar_prefetch = 0 : i64, scratch_operands = 7 : i64, tpu.core_type = #tpu.core_type<sc_vector_subcore>, window_params = [{transform_indices = #map}, {transform_indices = #map1}, {transform_indices = #map2}]} {
    %mul3A = arith.constant 16 : i32
    %mul3A_0 = arith.muli %arg0, %mul3A : i32
    %add3A = arith.addi %mul3A_0, %arg1 : i32
    %scan3A = arith.constant 0 : i32
    %scan3A_1 = arith.constant 0 : i32
    %scan3A_2 = arith.constant 1000 : i32
    %scan3A_3 = arith.addi %scan3A_1, %scan3A_2 : i32
    %scan3A_4 = arith.constant 1 : i32
    scf.for %scan3A_198 = %scan3A_1 to %scan3A_3 step %scan3A_4  : i32 {
      %broadcast_in_dim3A = arith.constant 0.000000e+00 : f32
      %broadcast_in_dim3A_199 = vector.broadcast %broadcast_in_dim3A : f32 to vector<16xf32>
      %jit3A = arith.constant 8 : i32
      %div3A = arith.divsi %scan3A_198, %jit3A : i32
      %sign3A = arith.constant 0 : i32
      %sign3A_200 = arith.cmpi sgt, %scan3A_198, %sign3A : i32
      %sign3A_201 = arith.extui %sign3A_200 : i1 to i32
      %sign3A_202 = arith.constant 0 : i32
      %sign3A_203 = arith.cmpi slt, %scan3A_198, %sign3A_202 : i32
      %sign3A_204 = arith.extui %sign3A_203 : i1 to i32
      %sign3A_205 = arith.subi %sign3A_201, %sign3A_204 : i32
      %sign3A_206 = arith.constant 0 : i32
      %sign3A_207 = arith.cmpi sgt, %jit3A, %sign3A_206 : i32
      %sign3A_208 = arith.extui %sign3A_207 : i1 to i32
      %sign3A_209 = arith.constant 0 : i32
      %sign3A_210 = arith.cmpi slt, %jit3A, %sign3A_209 : i32
      %sign3A_211 = arith.extui %sign3A_210 : i1 to i32
      %sign3A_212 = arith.subi %sign3A_208, %sign3A_211 : i32
      %ne3A = arith.cmpi ne, %sign3A_205, %sign3A_212 : i32
      %rem3A_213 = arith.remsi %scan3A_198, %jit3A : i32
      %ne3A_214 = arith.constant 0 : i32
      %ne3A_215 = arith.cmpi ne, %rem3A_213, %ne3A_214 : i32
      %and3A = arith.andi %ne3A, %ne3A_215 : i1
      %sub3A = arith.constant 1 : i32
      %sub3A_216 = arith.subi %div3A, %sub3A : i32
      %select_n3A = arith.select %and3A, %sub3A_216, %div3A : i32
      %jit3A_217 = arith.constant 8 : i32
      %eq3A_218 = arith.constant 0 : i32
      %eq3A_219 = arith.cmpi eq, %jit3A_217, %eq3A_218 : i32
      %jit3A_220 = arith.constant 1 : i32
      %select_n3A_221 = arith.select %eq3A_219, %jit3A_220, %jit3A_217 : i32
      %rem3A_222 = arith.remsi %scan3A_198, %select_n3A_221 : i32
      %ne3A_223 = arith.constant 0 : i32
      %ne3A_224 = arith.cmpi ne, %rem3A_222, %ne3A_223 : i32
      %lt3A_225 = arith.constant 0 : i32
      %lt3A_226 = arith.cmpi slt, %rem3A_222, %lt3A_225 : i32
      %lt3A_227 = arith.constant 0 : i32
      %lt3A_228 = arith.cmpi slt, %select_n3A_221, %lt3A_227 : i32
      %ne3A_229 = arith.xori %lt3A_226, %lt3A_228 : i1
      %and3A_230 = arith.andi %ne3A_229, %ne3A_224 : i1
      %add3A_231 = arith.addi %rem3A_222, %select_n3A_221 : i32
      %select_n3A_232 = arith.select %and3A_230, %add3A_231, %rem3A_222 : i32
      %mul3A_233 = arith.constant 16 : i32
      %mul3A_234 = arith.muli %select_n3A_232, %mul3A_233 : i32
      %swap3A = arith.constant 0 : i32
      %swap3A_235 = arith.index_cast %swap3A : i32 to index
      %swap3A_236 = arith.index_cast %select_n3A : i32 to index
      %swap3A_237 = arith.index_cast %mul3A_234 : i32 to index
      %swap3A_238 = tpu.vector_load %arg6[%swap3A_235, %swap3A_236, %swap3A_237] {strides = array<i32>} : memref<2x125x128xf32, #tpu.memory_space<vmem>>, vector<1x1x16xf32>,
      %swap3A_239 = vector.shape_cast %swap3A_238 : vector<1x1x16xf32> to vector<16xf32>
      %swap3A_240 = vector.shape_cast %broadcast_in_dim3A_199 : vector<16xf32> to vector<1x1x16xf32>
      tpu.vector_store %arg6[%swap3A_235, %swap3A_236, %swap3A_237], %swap3A_240 {strides = array<i32>} : memref<2x125x128xf32, #tpu.memory_space<vmem>>, vector<1x1x16xf32>,
    }
    %scan3A_5 = arith.constant 1000 : i32
    %scan3A_6 = arith.constant 0 : i32
    %scan3A_7 = arith.constant 0 : i32
    %scan3A_8 = arith.constant 5 : i32
    %scan3A_9 = arith.addi %scan3A_7, %scan3A_8 : i32
    %scan3A_10 = arith.constant 1 : i32
    scf.for %scan3A_198 = %scan3A_7 to %scan3A_9 step %scan3A_10  : i32 {
      %mul3A_199 = arith.constant 640 : i32
      %mul3A_200 = arith.muli %arg1, %mul3A_199 : i32
      %mul3A_201 = arith.constant 120 : i32
      %mul3A_202 = arith.muli %scan3A_198, %mul3A_201 : i32
      %add3A_203 = arith.addi %mul3A_200, %mul3A_202 : i32
      %run_scoped3A_204 = arith.constant 0 : i32
      "tpu.region"() ({
        %run_scoped3A_205 = tpu.sem_alloc : memref<!tpu.dma_semaphore, #tpu.memory_space<semaphore_mem>>
        %dma_start3A_206 = arith.constant 0 : i32
        %dma_start3A_207 = arith.constant 0 : i32
        %dma_start3A_208 = tpu.memref_slice %arg6[%run_scoped3A_204, %dma_start3A_206, %dma_start3A_207] : memref<2x125x128xf32, #tpu.memory_space<vmem>> -> memref<1x120x128xf32, #tpu.memory_space<vmem>>
        %dma_start3A_209 = tpu.memref_squeeze %dma_start3A_208 : memref<1x120x128xf32, #tpu.memory_space<vmem>> -> memref<120x128xf32, #tpu.memory_space<vmem>>
        %dma_start3A_210 = arith.constant 0 : i32
        %dma_start3A_211 = tpu.memref_slice %arg7[%add3A_203, %dma_start3A_210] : memref<10240x128xf32, #tpu.memory_space<vmem_shared>> -> memref<120x128xf32, #tpu.memory_space<vmem_shared>>
        %dma_start3A_212 = arith.constant 0 : i32
        %dma_start3A_213 = tpu.memref_slice %arg7[%add3A_203, %dma_start3A_212] : memref<10240x128xf32, #tpu.memory_space<vmem_shared>> -> memref<120x128xf32, #tpu.memory_space<vmem_shared>>
        %dma_start3A_214 = arith.constant 0 : i32
        %dma_start3A_215 = arith.constant 0 : i32
        %dma_start3A_216 = tpu.memref_slice %arg6[%run_scoped3A_204, %dma_start3A_214, %dma_start3A_215] : memref<2x125x128xf32, #tpu.memory_space<vmem>> -> memref<1x120x128xf32, #tpu.memory_space<vmem>>
        %dma_start3A_217 = tpu.memref_squeeze %dma_start3A_216 : memref<1x120x128xf32, #tpu.memory_space<vmem>> -> memref<120x128xf32, #tpu.memory_space<vmem>>
        tpu.enqueue_dma source(%dma_start3A_217 : memref<120x128xf32, #tpu.memory_space<vmem>>) target(%dma_start3A_213 : memref<120x128xf32, #tpu.memory_space<vmem_shared>>) target_semaphore(%run_scoped3A_205 : memref<!tpu.dma_semaphore, #tpu.memory_space<semaphore_mem>>)
        %dma_wait3A_218 = arith.constant 0 : i32
        %dma_wait3A_219 = arith.constant 0 : i32
        %dma_wait3A_220 = tpu.memref_slice %arg6[%run_scoped3A_204, %dma_wait3A_218, %dma_wait3A_219] : memref<2x125x128xf32, #tpu.memory_space<vmem>> -> memref<1x120x128xf32, #tpu.memory_space<vmem>>
        %dma_wait3A_221 = tpu.memref_squeeze %dma_wait3A_220 : memref<1x120x128xf32, #tpu.memory_space<vmem>> -> memref<120x128xf32, #tpu.memory_space<vmem>>
        %dma_wait3A_222 = arith.constant 0 : i32
        %dma_wait3A_223 = tpu.memref_slice %arg7[%add3A_203, %dma_wait3A_222] : memref<10240x128xf32, #tpu.memory_space<vmem_shared>> -> memref<120x128xf32, #tpu.memory_space<vmem_shared>>
        %dma_wait3A_224 = arith.constant 0 : i32
        %dma_wait3A_225 = tpu.memref_slice %arg7[%add3A_203, %dma_wait3A_224] : memref<10240x128xf32, #tpu.memory_space<vmem_shared>> -> memref<120x128xf32, #tpu.memory_space<vmem_shared>>
        %dma_wait3A_226 = arith.constant 0 : i32
        %dma_wait3A_227 = arith.constant 0 : i32
        %dma_wait3A_228 = tpu.memref_slice %arg6[%run_scoped3A_204, %dma_wait3A_226, %dma_wait3A_227] : memref<2x125x128xf32, #tpu.memory_space<vmem>> -> memref<1x120x128xf32, #tpu.memory_space<vmem>>
        %dma_wait3A_229 = tpu.memref_squeeze %dma_wait3A_228 : memref<1x120x128xf32, #tpu.memory_space<vmem>> -> memref<120x128xf32, #tpu.memory_space<vmem>>
        tpu.wait_dma2 semaphore(%run_scoped3A_205 : memref<!tpu.dma_semaphore, #tpu.memory_space<semaphore_mem>>) src(%dma_wait3A_229 : memref<120x128xf32, #tpu.memory_space<vmem>>) dst(%dma_wait3A_225 : memref<120x128xf32, #tpu.memory_space<vmem_shared>>)
        tpu.yield
      }) : () -> ()
    }
    %scan3A_11 = arith.constant 5 : i32
    %mul3A_12 = arith.constant 640 : i32
    %mul3A_13 = arith.muli %arg1, %mul3A_12 : i32
    %add3A_14 = arith.constant 600 : i32
    %add3A_15 = arith.addi %mul3A_13, %add3A_14 : i32
    %run_scoped3A = arith.constant 0 : i32
    "tpu.region"() ({
      %run_scoped3A_198 = tpu.sem_alloc : memref<!tpu.dma_semaphore, #tpu.memory_space<semaphore_mem>>
      %dma_start3A_199 = arith.constant 0 : i32
      %dma_start3A_200 = arith.constant 0 : i32
      %dma_start3A_201 = tpu.memref_slice %arg6[%run_scoped3A, %dma_start3A_199, %dma_start3A_200] : memref<2x125x128xf32, #tpu.memory_space<vmem>> -> memref<1x40x128xf32, #tpu.memory_space<vmem>>
      %dma_start3A_202 = tpu.memref_squeeze %dma_start3A_201 : memref<1x40x128xf32, #tpu.memory_space<vmem>> -> memref<40x128xf32, #tpu.memory_space<vmem>>
      %dma_start3A_203 = arith.constant 0 : i32
      %dma_start3A_204 = tpu.memref_slice %arg7[%add3A_15, %dma_start3A_203] : memref<10240x128xf32, #tpu.memory_space<vmem_shared>> -> memref<40x128xf32, #tpu.memory_space<vmem_shared>>
      %dma_start3A_205 = arith.constant 0 : i32
      %dma_start3A_206 = tpu.memref_slice %arg7[%add3A_15, %dma_start3A_205] : memref<10240x128xf32, #tpu.memory_space<vmem_shared>> -> memref<40x128xf32, #tpu.memory_space<vmem_shared>>
      %dma_start3A_207 = arith.constant 0 : i32
      %dma_start3A_208 = arith.constant 0 : i32
      %dma_start3A_209 = tpu.memref_slice %arg6[%run_scoped3A, %dma_start3A_207, %dma_start3A_208] : memref<2x125x128xf32, #tpu.memory_space<vmem>> -> memref<1x40x128xf32, #tpu.memory_space<vmem>>
      %dma_start3A_210 = tpu.memref_squeeze %dma_start3A_209 : memref<1x40x128xf32, #tpu.memory_space<vmem>> -> memref<40x128xf32, #tpu.memory_space<vmem>>
      tpu.enqueue_dma source(%dma_start3A_210 : memref<40x128xf32, #tpu.memory_space<vmem>>) target(%dma_start3A_206 : memref<40x128xf32, #tpu.memory_space<vmem_shared>>) target_semaphore(%run_scoped3A_198 : memref<!tpu.dma_semaphore, #tpu.memory_space<semaphore_mem>>)
      %dma_wait3A_211 = arith.constant 0 : i32
      %dma_wait3A_212 = arith.constant 0 : i32
      %dma_wait3A_213 = tpu.memref_slice %arg6[%run_scoped3A, %dma_wait3A_211, %dma_wait3A_212] : memref<2x125x128xf32, #tpu.memory_space<vmem>> -> memref<1x40x128xf32, #tpu.memory_space<vmem>>
      %dma_wait3A_214 = tpu.memref_squeeze %dma_wait3A_213 : memref<1x40x128xf32, #tpu.memory_space<vmem>> -> memref<40x128xf32, #tpu.memory_space<vmem>>
      %dma_wait3A_215 = arith.constant 0 : i32
      %dma_wait3A_216 = tpu.memref_slice %arg7[%add3A_15, %dma_wait3A_215] : memref<10240x128xf32, #tpu.memory_space<vmem_shared>> -> memref<40x128xf32, #tpu.memory_space<vmem_shared>>
      %dma_wait3A_217 = arith.constant 0 : i32
      %dma_wait3A_218 = tpu.memref_slice %arg7[%add3A_15, %dma_wait3A_217] : memref<10240x128xf32, #tpu.memory_space<vmem_shared>> -> memref<40x128xf32, #tpu.memory_space<vmem_shared>>
      %dma_wait3A_219 = arith.constant 0 : i32
      %dma_wait3A_220 = arith.constant 0 : i32
      %dma_wait3A_221 = tpu.memref_slice %arg6[%run_scoped3A, %dma_wait3A_219, %dma_wait3A_220] : memref<2x125x128xf32, #tpu.memory_space<vmem>> -> memref<1x40x128xf32, #tpu.memory_space<vmem>>
      %dma_wait3A_222 = tpu.memref_squeeze %dma_wait3A_221 : memref<1x40x128xf32, #tpu.memory_space<vmem>> -> memref<40x128xf32, #tpu.memory_space<vmem>>
      tpu.wait_dma2 semaphore(%run_scoped3A_198 : memref<!tpu.dma_semaphore, #tpu.memory_space<semaphore_mem>>) src(%dma_wait3A_222 : memref<40x128xf32, #tpu.memory_space<vmem>>) dst(%dma_wait3A_218 : memref<40x128xf32, #tpu.memory_space<vmem_shared>>)
      tpu.yield
    }) : () -> ()
    %barrier3A = arith.constant 0 : index
    tpu.barrier barrier_id(%barrier3A)
    %rem3A = arith.constant 0 : i32
    %rem3A_16 = arith.constant 4 : i32
    %rem3A_17 = arith.remsi %rem3A, %rem3A_16 : i32
    %dma_start3A = arith.constant 0 : i32
    %dma_start3A_18 = arith.constant 0 : i32
    %dma_start3A_19 = arith.constant 0 : i32
    %dma_start3A_20 = arith.constant 0 : i32
    %dma_start3A_21 = tpu.memref_slice %arg5[%rem3A_17, %dma_start3A_19, %dma_start3A_20] : memref<4x2x125xi32, #tpu.memory_space<vmem>> -> memref<1x1x125xi32, #tpu.memory_space<vmem>>
    %dma_start3A_22 = tpu.memref_squeeze %dma_start3A_21 : memref<1x1x125xi32, #tpu.memory_space<vmem>> -> memref<125xi32, #tpu.memory_space<vmem>>
    %dma_start3A_23 = arith.constant 0 : i32
    %dma_start3A_24 = tpu.memref_slice %arg3[%dma_start3A, %add3A, %dma_start3A_18, %dma_start3A_23] : memref<2x32x80x125xi32, #tpu.memory_space<hbm>> -> memref<1x1x1x125xi32, #tpu.memory_space<hbm>>
    %dma_start3A_25 = tpu.memref_squeeze %dma_start3A_24 : memref<1x1x1x125xi32, #tpu.memory_space<hbm>> -> memref<125xi32, #tpu.memory_space<hbm>>
    %dma_start3A_26 = arith.constant 0 : i32
    %dma_start3A_27 = tpu.memref_slice %arg5[%rem3A_17, %dma_start3A_19, %dma_start3A_26] : memref<4x2x125xi32, #tpu.memory_space<vmem>> -> memref<1x1x125xi32, #tpu.memory_space<vmem>>
    %dma_start3A_28 = tpu.memref_squeeze %dma_start3A_27 : memref<1x1x125xi32, #tpu.memory_space<vmem>> -> memref<125xi32, #tpu.memory_space<vmem>>
    %dma_start3A_29 = arith.constant 0 : i32
    %dma_start3A_30 = tpu.memref_slice %arg3[%dma_start3A, %add3A, %dma_start3A_18, %dma_start3A_29] : memref<2x32x80x125xi32, #tpu.memory_space<hbm>> -> memref<1x1x1x125xi32, #tpu.memory_space<hbm>>
    %dma_start3A_31 = tpu.memref_squeeze %dma_start3A_30 : memref<1x1x1x125xi32, #tpu.memory_space<hbm>> -> memref<125xi32, #tpu.memory_space<hbm>>
    tpu.enqueue_dma source(%dma_start3A_31 : memref<125xi32, #tpu.memory_space<hbm>>) target(%dma_start3A_28 : memref<125xi32, #tpu.memory_space<vmem>>) target_semaphore(%arg8 : memref<!tpu.dma_semaphore, #tpu.memory_space<semaphore_mem>>)
    %rem3A_32 = arith.constant 0 : i32
    %rem3A_33 = arith.constant 4 : i32
    %rem3A_34 = arith.remsi %rem3A_32, %rem3A_33 : i32
    %dma_start3A_35 = arith.constant 1 : i32
    %dma_start3A_36 = arith.constant 0 : i32
    %dma_start3A_37 = arith.constant 1 : i32
    %dma_start3A_38 = arith.constant 0 : i32
    %dma_start3A_39 = tpu.memref_slice %arg5[%rem3A_34, %dma_start3A_37, %dma_start3A_38] : memref<4x2x125xi32, #tpu.memory_space<vmem>> -> memref<1x1x125xi32, #tpu.memory_space<vmem>>
    %dma_start3A_40 = tpu.memref_squeeze %dma_start3A_39 : memref<1x1x125xi32, #tpu.memory_space<vmem>> -> memref<125xi32, #tpu.memory_space<vmem>>
    %dma_start3A_41 = arith.constant 0 : i32
    %dma_start3A_42 = tpu.memref_slice %arg3[%dma_start3A_35, %add3A, %dma_start3A_36, %dma_start3A_41] : memref<2x32x80x125xi32, #tpu.memory_space<hbm>> -> memref<1x1x1x125xi32, #tpu.memory_space<hbm>>
    %dma_start3A_43 = tpu.memref_squeeze %dma_start3A_42 : memref<1x1x1x125xi32, #tpu.memory_space<hbm>> -> memref<125xi32, #tpu.memory_space<hbm>>
    %dma_start3A_44 = arith.constant 0 : i32
    %dma_start3A_45 = tpu.memref_slice %arg5[%rem3A_34, %dma_start3A_37, %dma_start3A_44] : memref<4x2x125xi32, #tpu.memory_space<vmem>> -> memref<1x1x125xi32, #tpu.memory_space<vmem>>
    %dma_start3A_46 = tpu.memref_squeeze %dma_start3A_45 : memref<1x1x125xi32, #tpu.memory_space<vmem>> -> memref<125xi32, #tpu.memory_space<vmem>>
    %dma_start3A_47 = arith.constant 0 : i32
    %dma_start3A_48 = tpu.memref_slice %arg3[%dma_start3A_35, %add3A, %dma_start3A_36, %dma_start3A_47] : memref<2x32x80x125xi32, #tpu.memory_space<hbm>> -> memref<1x1x1x125xi32, #tpu.memory_space<hbm>>
    %dma_start3A_49 = tpu.memref_squeeze %dma_start3A_48 : memref<1x1x1x125xi32, #tpu.memory_space<hbm>> -> memref<125xi32, #tpu.memory_space<hbm>>
    tpu.enqueue_dma source(%dma_start3A_49 : memref<125xi32, #tpu.memory_space<hbm>>) target(%dma_start3A_46 : memref<125xi32, #tpu.memory_space<vmem>>) target_semaphore(%arg8 : memref<!tpu.dma_semaphore, #tpu.memory_space<semaphore_mem>>)
    %rem3A_50 = arith.constant 1 : i32
    %rem3A_51 = arith.constant 4 : i32
    %rem3A_52 = arith.remsi %rem3A_50, %rem3A_51 : i32
    %dma_start3A_53 = arith.constant 0 : i32
    %dma_start3A_54 = arith.constant 1 : i32
    %dma_start3A_55 = arith.constant 0 : i32
    %dma_start3A_56 = arith.constant 0 : i32
    %dma_start3A_57 = tpu.memref_slice %arg5[%rem3A_52, %dma_start3A_55, %dma_start3A_56] : memref<4x2x125xi32, #tpu.memory_space<vmem>> -> memref<1x1x125xi32, #tpu.memory_space<vmem>>
    %dma_start3A_58 = tpu.memref_squeeze %dma_start3A_57 : memref<1x1x125xi32, #tpu.memory_space<vmem>> -> memref<125xi32, #tpu.memory_space<vmem>>
    %dma_start3A_59 = arith.constant 0 : i32
    %dma_start3A_60 = tpu.memref_slice %arg3[%dma_start3A_53, %add3A, %dma_start3A_54, %dma_start3A_59] : memref<2x32x80x125xi32, #tpu.memory_space<hbm>> -> memref<1x1x1x125xi32, #tpu.memory_space<hbm>>
    %dma_start3A_61 = tpu.memref_squeeze %dma_start3A_60 : memref<1x1x1x125xi32, #tpu.memory_space<hbm>> -> memref<125xi32, #tpu.memory_space<hbm>>
    %dma_start3A_62 = arith.constant 0 : i32
    %dma_start3A_63 = tpu.memref_slice %arg5[%rem3A_52, %dma_start3A_55, %dma_start3A_62] : memref<4x2x125xi32, #tpu.memory_space<vmem>> -> memref<1x1x125xi32, #tpu.memory_space<vmem>>
    %dma_start3A_64 = tpu.memref_squeeze %dma_start3A_63 : memref<1x1x125xi32, #tpu.memory_space<vmem>> -> memref<125xi32, #tpu.memory_space<vmem>>
    %dma_start3A_65 = arith.constant 0 : i32
    %dma_start3A_66 = tpu.memref_slice %arg3[%dma_start3A_53, %add3A, %dma_start3A_54, %dma_start3A_65] : memref<2x32x80x125xi32, #tpu.memory_space<hbm>> -> memref<1x1x1x125xi32, #tpu.memory_space<hbm>>
    %dma_start3A_67 = tpu.memref_squeeze %dma_start3A_66 : memref<1x1x1x125xi32, #tpu.memory_space<hbm>> -> memref<125xi32, #tpu.memory_space<hbm>>
    tpu.enqueue_dma source(%dma_start3A_67 : memref<125xi32, #tpu.memory_space<hbm>>) target(%dma_start3A_64 : memref<125xi32, #tpu.memory_space<vmem>>) target_semaphore(%arg8 : memref<!tpu.dma_semaphore, #tpu.memory_space<semaphore_mem>>)
    %rem3A_68 = arith.constant 1 : i32
    %rem3A_69 = arith.constant 4 : i32
    %rem3A_70 = arith.remsi %rem3A_68, %rem3A_69 : i32
    %dma_start3A_71 = arith.constant 1 : i32
    %dma_start3A_72 = arith.constant 1 : i32
    %dma_start3A_73 = arith.constant 1 : i32
    %dma_start3A_74 = arith.constant 0 : i32
    %dma_start3A_75 = tpu.memref_slice %arg5[%rem3A_70, %dma_start3A_73, %dma_start3A_74] : memref<4x2x125xi32, #tpu.memory_space<vmem>> -> memref<1x1x125xi32, #tpu.memory_space<vmem>>
    %dma_start3A_76 = tpu.memref_squeeze %dma_start3A_75 : memref<1x1x125xi32, #tpu.memory_space<vmem>> -> memref<125xi32, #tpu.memory_space<vmem>>
    %dma_start3A_77 = arith.constant 0 : i32
    %dma_start3A_78 = tpu.memref_slice %arg3[%dma_start3A_71, %add3A, %dma_start3A_72, %dma_start3A_77] : memref<2x32x80x125xi32, #tpu.memory_space<hbm>> -> memref<1x1x1x125xi32, #tpu.memory_space<hbm>>
    %dma_start3A_79 = tpu.memref_squeeze %dma_start3A_78 : memref<1x1x1x125xi32, #tpu.memory_space<hbm>> -> memref<125xi32, #tpu.memory_space<hbm>>
    %dma_start3A_80 = arith.constant 0 : i32
    %dma_start3A_81 = tpu.memref_slice %arg5[%rem3A_70, %dma_start3A_73, %dma_start3A_80] : memref<4x2x125xi32, #tpu.memory_space<vmem>> -> memref<1x1x125xi32, #tpu.memory_space<vmem>>
    %dma_start3A_82 = tpu.memref_squeeze %dma_start3A_81 : memref<1x1x125xi32, #tpu.memory_space<vmem>> -> memref<125xi32, #tpu.memory_space<vmem>>
    %dma_start3A_83 = arith.constant 0 : i32
    %dma_start3A_84 = tpu.memref_slice %arg3[%dma_start3A_71, %add3A, %dma_start3A_72, %dma_start3A_83] : memref<2x32x80x125xi32, #tpu.memory_space<hbm>> -> memref<1x1x1x125xi32, #tpu.memory_space<hbm>>
    %dma_start3A_85 = tpu.memref_squeeze %dma_start3A_84 : memref<1x1x1x125xi32, #tpu.memory_space<hbm>> -> memref<125xi32, #tpu.memory_space<hbm>>
    tpu.enqueue_dma source(%dma_start3A_85 : memref<125xi32, #tpu.memory_space<hbm>>) target(%dma_start3A_82 : memref<125xi32, #tpu.memory_space<vmem>>) target_semaphore(%arg8 : memref<!tpu.dma_semaphore, #tpu.memory_space<semaphore_mem>>)
    %rem3A_86 = arith.constant 2 : i32
    %rem3A_87 = arith.constant 4 : i32
    %rem3A_88 = arith.remsi %rem3A_86, %rem3A_87 : i32
    %dma_start3A_89 = arith.constant 0 : i32
    %dma_start3A_90 = arith.constant 2 : i32
    %dma_start3A_91 = arith.constant 0 : i32
    %dma_start3A_92 = arith.constant 0 : i32
    %dma_start3A_93 = tpu.memref_slice %arg5[%rem3A_88, %dma_start3A_91, %dma_start3A_92] : memref<4x2x125xi32, #tpu.memory_space<vmem>> -> memref<1x1x125xi32, #tpu.memory_space<vmem>>
    %dma_start3A_94 = tpu.memref_squeeze %dma_start3A_93 : memref<1x1x125xi32, #tpu.memory_space<vmem>> -> memref<125xi32, #tpu.memory_space<vmem>>
    %dma_start3A_95 = arith.constant 0 : i32
    %dma_start3A_96 = tpu.memref_slice %arg3[%dma_start3A_89, %add3A, %dma_start3A_90, %dma_start3A_95] : memref<2x32x80x125xi32, #tpu.memory_space<hbm>> -> memref<1x1x1x125xi32, #tpu.memory_space<hbm>>
    %dma_start3A_97 = tpu.memref_squeeze %dma_start3A_96 : memref<1x1x1x125xi32, #tpu.memory_space<hbm>> -> memref<125xi32, #tpu.memory_space<hbm>>
    %dma_start3A_98 = arith.constant 0 : i32
    %dma_start3A_99 = tpu.memref_slice %arg5[%rem3A_88, %dma_start3A_91, %dma_start3A_98] : memref<4x2x125xi32, #tpu.memory_space<vmem>> -> memref<1x1x125xi32, #tpu.memory_space<vmem>>
    %dma_start3A_100 = tpu.memref_squeeze %dma_start3A_99 : memref<1x1x125xi32, #tpu.memory_space<vmem>> -> memref<125xi32, #tpu.memory_space<vmem>>
    %dma_start3A_101 = arith.constant 0 : i32
    %dma_start3A_102 = tpu.memref_slice %arg3[%dma_start3A_89, %add3A, %dma_start3A_90, %dma_start3A_101] : memref<2x32x80x125xi32, #tpu.memory_space<hbm>> -> memref<1x1x1x125xi32, #tpu.memory_space<hbm>>
    %dma_start3A_103 = tpu.memref_squeeze %dma_start3A_102 : memref<1x1x1x125xi32, #tpu.memory_space<hbm>> -> memref<125xi32, #tpu.memory_space<hbm>>
    tpu.enqueue_dma source(%dma_start3A_103 : memref<125xi32, #tpu.memory_space<hbm>>) target(%dma_start3A_100 : memref<125xi32, #tpu.memory_space<vmem>>) target_semaphore(%arg8 : memref<!tpu.dma_semaphore, #tpu.memory_space<semaphore_mem>>)
    %rem3A_104 = arith.constant 2 : i32
    %rem3A_105 = arith.constant 4 : i32
    %rem3A_106 = arith.remsi %rem3A_104, %rem3A_105 : i32
    %dma_start3A_107 = arith.constant 1 : i32
    %dma_start3A_108 = arith.constant 2 : i32
    %dma_start3A_109 = arith.constant 1 : i32
    %dma_start3A_110 = arith.constant 0 : i32
    %dma_start3A_111 = tpu.memref_slice %arg5[%rem3A_106, %dma_start3A_109, %dma_start3A_110] : memref<4x2x125xi32, #tpu.memory_space<vmem>> -> memref<1x1x125xi32, #tpu.memory_space<vmem>>
    %dma_start3A_112 = tpu.memref_squeeze %dma_start3A_111 : memref<1x1x125xi32, #tpu.memory_space<vmem>> -> memref<125xi32, #tpu.memory_space<vmem>>
    %dma_start3A_113 = arith.constant 0 : i32
    %dma_start3A_114 = tpu.memref_slice %arg3[%dma_start3A_107, %add3A, %dma_start3A_108, %dma_start3A_113] : memref<2x32x80x125xi32, #tpu.memory_space<hbm>> -> memref<1x1x1x125xi32, #tpu.memory_space<hbm>>
    %dma_start3A_115 = tpu.memref_squeeze %dma_start3A_114 : memref<1x1x1x125xi32, #tpu.memory_space<hbm>> -> memref<125xi32, #tpu.memory_space<hbm>>
    %dma_start3A_116 = arith.constant 0 : i32
    %dma_start3A_117 = tpu.memref_slice %arg5[%rem3A_106, %dma_start3A_109, %dma_start3A_116] : memref<4x2x125xi32, #tpu.memory_space<vmem>> -> memref<1x1x125xi32, #tpu.memory_space<vmem>>
    %dma_start3A_118 = tpu.memref_squeeze %dma_start3A_117 : memref<1x1x125xi32, #tpu.memory_space<vmem>> -> memref<125xi32, #tpu.memory_space<vmem>>
    %dma_start3A_119 = arith.constant 0 : i32
    %dma_start3A_120 = tpu.memref_slice %arg3[%dma_start3A_107, %add3A, %dma_start3A_108, %dma_start3A_119] : memref<2x32x80x125xi32, #tpu.memory_space<hbm>> -> memref<1x1x1x125xi32, #tpu.memory_space<hbm>>
    %dma_start3A_121 = tpu.memref_squeeze %dma_start3A_120 : memref<1x1x1x125xi32, #tpu.memory_space<hbm>> -> memref<125xi32, #tpu.memory_space<hbm>>
    tpu.enqueue_dma source(%dma_start3A_121 : memref<125xi32, #tpu.memory_space<hbm>>) target(%dma_start3A_118 : memref<125xi32, #tpu.memory_space<vmem>>) target_semaphore(%arg8 : memref<!tpu.dma_semaphore, #tpu.memory_space<semaphore_mem>>)
    %rem3A_122 = arith.constant 0 : i32
    %rem3A_123 = arith.constant 4 : i32
    %rem3A_124 = arith.remsi %rem3A_122, %rem3A_123 : i32
    %dma_wait3A = arith.constant 0 : i32
    %dma_wait3A_125 = arith.constant 0 : i32
    %dma_wait3A_126 = arith.constant 0 : i32
    %dma_wait3A_127 = arith.constant 0 : i32
    %dma_wait3A_128 = tpu.memref_slice %arg5[%rem3A_124, %dma_wait3A_126, %dma_wait3A_127] : memref<4x2x125xi32, #tpu.memory_space<vmem>> -> memref<1x1x125xi32, #tpu.memory_space<vmem>>
    %dma_wait3A_129 = tpu.memref_squeeze %dma_wait3A_128 : memref<1x1x125xi32, #tpu.memory_space<vmem>> -> memref<125xi32, #tpu.memory_space<vmem>>
    %dma_wait3A_130 = arith.constant 0 : i32
    %dma_wait3A_131 = tpu.memref_slice %arg3[%dma_wait3A, %add3A, %dma_wait3A_125, %dma_wait3A_130] : memref<2x32x80x125xi32, #tpu.memory_space<hbm>> -> memref<1x1x1x125xi32, #tpu.memory_space<hbm>>
    %dma_wait3A_132 = tpu.memref_squeeze %dma_wait3A_131 : memref<1x1x1x125xi32, #tpu.memory_space<hbm>> -> memref<125xi32, #tpu.memory_space<hbm>>
    %dma_wait3A_133 = arith.constant 0 : i32
    %dma_wait3A_134 = tpu.memref_slice %arg5[%rem3A_124, %dma_wait3A_126, %dma_wait3A_133] : memref<4x2x125xi32, #tpu.memory_space<vmem>> -> memref<1x1x125xi32, #tpu.memory_space<vmem>>
    %dma_wait3A_135 = tpu.memref_squeeze %dma_wait3A_134 : memref<1x1x125xi32, #tpu.memory_space<vmem>> -> memref<125xi32, #tpu.memory_space<vmem>>
    %dma_wait3A_136 = arith.constant 0 : i32
    %dma_wait3A_137 = tpu.memref_slice %arg3[%dma_wait3A, %add3A, %dma_wait3A_125, %dma_wait3A_136] : memref<2x32x80x125xi32, #tpu.memory_space<hbm>> -> memref<1x1x1x125xi32, #tpu.memory_space<hbm>>
    %dma_wait3A_138 = tpu.memref_squeeze %dma_wait3A_137 : memref<1x1x1x125xi32, #tpu.memory_space<hbm>> -> memref<125xi32, #tpu.memory_space<hbm>>
    tpu.wait_dma2 semaphore(%arg8 : memref<!tpu.dma_semaphore, #tpu.memory_space<semaphore_mem>>) src(%dma_wait3A_138 : memref<125xi32, #tpu.memory_space<hbm>>) dst(%dma_wait3A_135 : memref<125xi32, #tpu.memory_space<vmem>>)
    %rem3A_139 = arith.constant 0 : i32
    %rem3A_140 = arith.constant 4 : i32
    %rem3A_141 = arith.remsi %rem3A_139, %rem3A_140 : i32
    %dma_wait3A_142 = arith.constant 1 : i32
    %dma_wait3A_143 = arith.constant 0 : i32
    %dma_wait3A_144 = arith.constant 1 : i32
    %dma_wait3A_145 = arith.constant 0 : i32
    %dma_wait3A_146 = tpu.memref_slice %arg5[%rem3A_141, %dma_wait3A_144, %dma_wait3A_145] : memref<4x2x125xi32, #tpu.memory_space<vmem>> -> memref<1x1x125xi32, #tpu.memory_space<vmem>>
    %dma_wait3A_147 = tpu.memref_squeeze %dma_wait3A_146 : memref<1x1x125xi32, #tpu.memory_space<vmem>> -> memref<125xi32, #tpu.memory_space<vmem>>
    %dma_wait3A_148 = arith.constant 0 : i32
    %dma_wait3A_149 = tpu.memref_slice %arg3[%dma_wait3A_142, %add3A, %dma_wait3A_143, %dma_wait3A_148] : memref<2x32x80x125xi32, #tpu.memory_space<hbm>> -> memref<1x1x1x125xi32, #tpu.memory_space<hbm>>
    %dma_wait3A_150 = tpu.memref_squeeze %dma_wait3A_149 : memref<1x1x1x125xi32, #tpu.memory_space<hbm>> -> memref<125xi32, #tpu.memory_space<hbm>>
    %dma_wait3A_151 = arith.constant 0 : i32
    %dma_wait3A_152 = tpu.memref_slice %arg5[%rem3A_141, %dma_wait3A_144, %dma_wait3A_151] : memref<4x2x125xi32, #tpu.memory_space<vmem>> -> memref<1x1x125xi32, #tpu.memory_space<vmem>>
    %dma_wait3A_153 = tpu.memref_squeeze %dma_wait3A_152 : memref<1x1x125xi32, #tpu.memory_space<vmem>> -> memref<125xi32, #tpu.memory_space<vmem>>
    %dma_wait3A_154 = arith.constant 0 : i32
    %dma_wait3A_155 = tpu.memref_slice %arg3[%dma_wait3A_142, %add3A, %dma_wait3A_143, %dma_wait3A_154] : memref<2x32x80x125xi32, #tpu.memory_space<hbm>> -> memref<1x1x1x125xi32, #tpu.memory_space<hbm>>
    %dma_wait3A_156 = tpu.memref_squeeze %dma_wait3A_155 : memref<1x1x1x125xi32, #tpu.memory_space<hbm>> -> memref<125xi32, #tpu.memory_space<hbm>>
    tpu.wait_dma2 semaphore(%arg8 : memref<!tpu.dma_semaphore, #tpu.memory_space<semaphore_mem>>) src(%dma_wait3A_156 : memref<125xi32, #tpu.memory_space<hbm>>) dst(%dma_wait3A_153 : memref<125xi32, #tpu.memory_space<vmem>>)
    %dma_start3A_157 = arith.constant 0 : i32
    %dma_start3A_158 = arith.constant 0 : i32
    %dma_start3A_159 = arith.constant 0 : i32
    %dma_start3A_160 = arith.constant 0 : i32
    %dma_start3A_161 = arith.constant 0 : i32
    %dma_start3A_162 = tpu.memref_slice %arg6[%dma_start3A_159, %dma_start3A_160, %dma_start3A_161] : memref<2x125x128xf32, #tpu.memory_space<vmem>> -> memref<1x125x128xf32, #tpu.memory_space<vmem>>
    %dma_start3A_163 = tpu.memref_squeeze %dma_start3A_162 : memref<1x125x128xf32, #tpu.memory_space<vmem>> -> memref<125x128xf32, #tpu.memory_space<vmem>>
    %dma_start3A_164 = arith.constant 0 : i32
    %dma_start3A_165 = tpu.memref_slice %arg5[%dma_start3A_157, %dma_start3A_158, %dma_start3A_164] : memref<4x2x125xi32, #tpu.memory_space<vmem>> -> memref<1x1x125xi32, #tpu.memory_space<vmem>>
    %dma_start3A_166 = tpu.memref_squeeze %dma_start3A_165 : memref<1x1x125xi32, #tpu.memory_space<vmem>> -> memref<125xi32, #tpu.memory_space<vmem>>
    %dma_start3A_167 = arith.constant 0 : i32
    %dma_start3A_168 = arith.constant 0 : i32
    %dma_start3A_169 = tpu.memref_slice %arg2[%dma_start3A_167, %dma_start3A_168] : memref<10000x128xf32, #tpu.memory_space<hbm>> -> memref<10000x128xf32, #tpu.memory_space<hbm>>
    tpu.enqueue_indirect_dma source(%dma_start3A_169 : memref<10000x128xf32, #tpu.memory_space<hbm>>) target(%dma_start3A_163 : memref<125x128xf32, #tpu.memory_space<vmem>>) offsets(%dma_start3A_166 : memref<125xi32, #tpu.memory_space<vmem>>) semaphore(%arg9 : memref<!tpu.dma_semaphore, #tpu.memory_space<semaphore_mem>>)
    %scan3A_170 = arith.constant 0 : i32
    %scan3A_171 = arith.constant 0 : i32
    %scan3A_172 = arith.constant 40 : i32
    %scan3A_173 = arith.addi %scan3A_171, %scan3A_172 : i32
    %scan3A_174 = arith.constant 1 : i32
    scf.for %scan3A_198 = %scan3A_171 to %scan3A_173 step %scan3A_174  : i32 {
      %mul3A_199 = arith.constant 2 : i32
      %mul3A_200 = arith.muli %mul3A_199, %scan3A_198 : i32
      %add3A_201 = arith.constant 0 : i32
      %add3A_202 = arith.addi %mul3A_200, %add3A_201 : i32
      %rem3A_203 = arith.constant 4 : i32
      %rem3A_204 = arith.remsi %add3A_202, %rem3A_203 : i32
      %dma_wait3A_205 = arith.constant 0 : i32
      %dma_wait3A_206 = arith.constant 0 : i32
      %dma_wait3A_207 = arith.constant 0 : i32
      %dma_wait3A_208 = arith.constant 0 : i32
      %dma_wait3A_209 = tpu.memref_slice %arg6[%dma_wait3A_206, %dma_wait3A_207, %dma_wait3A_208] : memref<2x125x128xf32, #tpu.memory_space<vmem>> -> memref<1x125x128xf32, #tpu.memory_space<vmem>>
      %dma_wait3A_210 = tpu.memref_squeeze %dma_wait3A_209 : memref<1x125x128xf32, #tpu.memory_space<vmem>> -> memref<125x128xf32, #tpu.memory_space<vmem>>
      %dma_wait3A_211 = arith.constant 0 : i32
      %dma_wait3A_212 = tpu.memref_slice %arg5[%rem3A_204, %dma_wait3A_205, %dma_wait3A_211] : memref<4x2x125xi32, #tpu.memory_space<vmem>> -> memref<1x1x125xi32, #tpu.memory_space<vmem>>
      %dma_wait3A_213 = tpu.memref_squeeze %dma_wait3A_212 : memref<1x1x125xi32, #tpu.memory_space<vmem>> -> memref<125xi32, #tpu.memory_space<vmem>>
      %dma_wait3A_214 = arith.constant 0 : i32
      %dma_wait3A_215 = arith.constant 0 : i32
      %dma_wait3A_216 = tpu.memref_slice %arg2[%dma_wait3A_214, %dma_wait3A_215] : memref<10000x128xf32, #tpu.memory_space<hbm>> -> memref<10000x128xf32, #tpu.memory_space<hbm>>
      tpu.wait_indirect_dma semaphore(%arg9 : memref<!tpu.dma_semaphore, #tpu.memory_space<semaphore_mem>>) src(%dma_wait3A_216 : memref<10000x128xf32, #tpu.memory_space<hbm>>) dst(%dma_wait3A_210 : memref<125x128xf32, #tpu.memory_space<vmem>>)
      %rem3A_217 = arith.constant 4 : i32
      %rem3A_218 = arith.remsi %add3A_202, %rem3A_217 : i32
      %dma_start3A_219 = arith.constant 0 : i32
      %dma_start3A_220 = arith.constant 1 : i32
      %dma_start3A_221 = arith.constant 0 : i32
      %dma_start3A_222 = arith.constant 0 : i32
      %dma_start3A_223 = tpu.memref_slice %arg6[%dma_start3A_219, %dma_start3A_221, %dma_start3A_222] : memref<2x125x128xf32, #tpu.memory_space<vmem>> -> memref<1x125x128xf32, #tpu.memory_space<vmem>>
      %dma_start3A_224 = tpu.memref_squeeze %dma_start3A_223 : memref<1x125x128xf32, #tpu.memory_space<vmem>> -> memref<125x128xf32, #tpu.memory_space<vmem>>
      %dma_start3A_225 = arith.constant 0 : i32
      %dma_start3A_226 = tpu.memref_slice %arg5[%rem3A_218, %dma_start3A_220, %dma_start3A_225] : memref<4x2x125xi32, #tpu.memory_space<vmem>> -> memref<1x1x125xi32, #tpu.memory_space<vmem>>
      %dma_start3A_227 = tpu.memref_squeeze %dma_start3A_226 : memref<1x1x125xi32, #tpu.memory_space<vmem>> -> memref<125xi32, #tpu.memory_space<vmem>>
      %dma_start3A_228 = arith.constant 0 : i32
      %dma_start3A_229 = arith.constant 0 : i32
      %dma_start3A_230 = tpu.memref_slice %arg7[%dma_start3A_228, %dma_start3A_229] : memref<10240x128xf32, #tpu.memory_space<vmem_shared>> -> memref<10240x128xf32, #tpu.memory_space<vmem_shared>>
      tpu.enqueue_indirect_dma source(%dma_start3A_224 : memref<125x128xf32, #tpu.memory_space<vmem>>) target(%dma_start3A_230 : memref<10240x128xf32, #tpu.memory_space<vmem_shared>>) offsets(%dma_start3A_227 : memref<125xi32, #tpu.memory_space<vmem>>) semaphore(%arg10 : memref<!tpu.dma_semaphore, #tpu.memory_space<semaphore_mem>>) {add = true}
      %ge3A = arith.constant 1 : i32
      %ge3A_231 = arith.cmpi sge, %add3A_202, %ge3A : i32
      %convert_element_type3A_232 = arith.extui %ge3A_231 : i1 to i32
      %cond3A_233 = arith.constant 0 : i32
      %cond3A_234 = arith.cmpi ne, %convert_element_type3A_232, %cond3A_233 : i32
      scf.if %cond3A_234 {
        %sub3A = arith.constant 1 : i32
        %sub3A_300 = arith.subi %add3A_202, %sub3A : i32
        %rem3A_301 = arith.constant 4 : i32
        %rem3A_302 = arith.remsi %sub3A_300, %rem3A_301 : i32
        %dma_wait3A_303 = arith.constant 1 : i32
        %dma_wait3A_304 = arith.constant 1 : i32
        %dma_wait3A_305 = arith.constant 0 : i32
        %dma_wait3A_306 = arith.constant 0 : i32
        %dma_wait3A_307 = tpu.memref_slice %arg6[%dma_wait3A_303, %dma_wait3A_305, %dma_wait3A_306] : memref<2x125x128xf32, #tpu.memory_space<vmem>> -> memref<1x125x128xf32, #tpu.memory_space<vmem>>
        %dma_wait3A_308 = tpu.memref_squeeze %dma_wait3A_307 : memref<1x125x128xf32, #tpu.memory_space<vmem>> -> memref<125x128xf32, #tpu.memory_space<vmem>>
        %dma_wait3A_309 = arith.constant 0 : i32
        %dma_wait3A_310 = tpu.memref_slice %arg5[%rem3A_302, %dma_wait3A_304, %dma_wait3A_309] : memref<4x2x125xi32, #tpu.memory_space<vmem>> -> memref<1x1x125xi32, #tpu.memory_space<vmem>>
        %dma_wait3A_311 = tpu.memref_squeeze %dma_wait3A_310 : memref<1x1x125xi32, #tpu.memory_space<vmem>> -> memref<125xi32, #tpu.memory_space<vmem>>
        %dma_wait3A_312 = arith.constant 0 : i32
        %dma_wait3A_313 = arith.constant 0 : i32
        %dma_wait3A_314 = tpu.memref_slice %arg7[%dma_wait3A_312, %dma_wait3A_313] : memref<10240x128xf32, #tpu.memory_space<vmem_shared>> -> memref<10240x128xf32, #tpu.memory_space<vmem_shared>>
        tpu.wait_indirect_dma semaphore(%arg11 : memref<!tpu.dma_semaphore, #tpu.memory_space<semaphore_mem>>) src(%dma_wait3A_308 : memref<125x128xf32, #tpu.memory_space<vmem>>) dst(%dma_wait3A_314 : memref<10240x128xf32, #tpu.memory_space<vmem_shared>>)
      } else {
      }
      %add3A_235 = arith.constant 1 : i32
      %add3A_236 = arith.addi %add3A_202, %add3A_235 : i32
      %lt3A_237 = arith.constant 80 : i32
      %lt3A_238 = arith.cmpi slt, %add3A_236, %lt3A_237 : i32
      %convert_element_type3A_239 = arith.extui %lt3A_238 : i1 to i32
      %cond3A_240 = arith.constant 0 : i32
      %cond3A_241 = arith.cmpi ne, %convert_element_type3A_239, %cond3A_240 : i32
      scf.if %cond3A_241 {
        %add3A_300 = arith.constant 1 : i32
        %add3A_301 = arith.addi %add3A_202, %add3A_300 : i32
        %rem3A_302 = arith.constant 4 : i32
        %rem3A_303 = arith.remsi %add3A_301, %rem3A_302 : i32
        %dma_wait3A_304 = arith.constant 0 : i32
        %dma_wait3A_305 = arith.constant 0 : i32
        %dma_wait3A_306 = arith.constant 0 : i32
        %dma_wait3A_307 = tpu.memref_slice %arg5[%rem3A_303, %dma_wait3A_305, %dma_wait3A_306] : memref<4x2x125xi32, #tpu.memory_space<vmem>> -> memref<1x1x125xi32, #tpu.memory_space<vmem>>
        %dma_wait3A_308 = tpu.memref_squeeze %dma_wait3A_307 : memref<1x1x125xi32, #tpu.memory_space<vmem>> -> memref<125xi32, #tpu.memory_space<vmem>>
        %dma_wait3A_309 = arith.constant 0 : i32
        %dma_wait3A_310 = tpu.memref_slice %arg3[%dma_wait3A_304, %add3A, %add3A_301, %dma_wait3A_309] : memref<2x32x80x125xi32, #tpu.memory_space<hbm>> -> memref<1x1x1x125xi32, #tpu.memory_space<hbm>>
        %dma_wait3A_311 = tpu.memref_squeeze %dma_wait3A_310 : memref<1x1x1x125xi32, #tpu.memory_space<hbm>> -> memref<125xi32, #tpu.memory_space<hbm>>
        %dma_wait3A_312 = arith.constant 0 : i32
        %dma_wait3A_313 = tpu.memref_slice %arg5[%rem3A_303, %dma_wait3A_305, %dma_wait3A_312] : memref<4x2x125xi32, #tpu.memory_space<vmem>> -> memref<1x1x125xi32, #tpu.memory_space<vmem>>
        %dma_wait3A_314 = tpu.memref_squeeze %dma_wait3A_313 : memref<1x1x125xi32, #tpu.memory_space<vmem>> -> memref<125xi32, #tpu.memory_space<vmem>>
        %dma_wait3A_315 = arith.constant 0 : i32
        %dma_wait3A_316 = tpu.memref_slice %arg3[%dma_wait3A_304, %add3A, %add3A_301, %dma_wait3A_315] : memref<2x32x80x125xi32, #tpu.memory_space<hbm>> -> memref<1x1x1x125xi32, #tpu.memory_space<hbm>>
        %dma_wait3A_317 = tpu.memref_squeeze %dma_wait3A_316 : memref<1x1x1x125xi32, #tpu.memory_space<hbm>> -> memref<125xi32, #tpu.memory_space<hbm>>
        tpu.wait_dma2 semaphore(%arg8 : memref<!tpu.dma_semaphore, #tpu.memory_space<semaphore_mem>>) src(%dma_wait3A_317 : memref<125xi32, #tpu.memory_space<hbm>>) dst(%dma_wait3A_314 : memref<125xi32, #tpu.memory_space<vmem>>)
        %rem3A_318 = arith.constant 4 : i32
        %rem3A_319 = arith.remsi %add3A_301, %rem3A_318 : i32
        %dma_wait3A_320 = arith.constant 1 : i32
        %dma_wait3A_321 = arith.constant 1 : i32
        %dma_wait3A_322 = arith.constant 0 : i32
        %dma_wait3A_323 = tpu.memref_slice %arg5[%rem3A_319, %dma_wait3A_321, %dma_wait3A_322] : memref<4x2x125xi32, #tpu.memory_space<vmem>> -> memref<1x1x125xi32, #tpu.memory_space<vmem>>
        %dma_wait3A_324 = tpu.memref_squeeze %dma_wait3A_323 : memref<1x1x125xi32, #tpu.memory_space<vmem>> -> memref<125xi32, #tpu.memory_space<vmem>>
        %dma_wait3A_325 = arith.constant 0 : i32
        %dma_wait3A_326 = tpu.memref_slice %arg3[%dma_wait3A_320, %add3A, %add3A_301, %dma_wait3A_325] : memref<2x32x80x125xi32, #tpu.memory_space<hbm>> -> memref<1x1x1x125xi32, #tpu.memory_space<hbm>>
        %dma_wait3A_327 = tpu.memref_squeeze %dma_wait3A_326 : memref<1x1x1x125xi32, #tpu.memory_space<hbm>> -> memref<125xi32, #tpu.memory_space<hbm>>
        %dma_wait3A_328 = arith.constant 0 : i32
        %dma_wait3A_329 = tpu.memref_slice %arg5[%rem3A_319, %dma_wait3A_321, %dma_wait3A_328] : memref<4x2x125xi32, #tpu.memory_space<vmem>> -> memref<1x1x125xi32, #tpu.memory_space<vmem>>
        %dma_wait3A_330 = tpu.memref_squeeze %dma_wait3A_329 : memref<1x1x125xi32, #tpu.memory_space<vmem>> -> memref<125xi32, #tpu.memory_space<vmem>>
        %dma_wait3A_331 = arith.constant 0 : i32
        %dma_wait3A_332 = tpu.memref_slice %arg3[%dma_wait3A_320, %add3A, %add3A_301, %dma_wait3A_331] : memref<2x32x80x125xi32, #tpu.memory_space<hbm>> -> memref<1x1x1x125xi32, #tpu.memory_space<hbm>>
        %dma_wait3A_333 = tpu.memref_squeeze %dma_wait3A_332 : memref<1x1x1x125xi32, #tpu.memory_space<hbm>> -> memref<125xi32, #tpu.memory_space<hbm>>
        tpu.wait_dma2 semaphore(%arg8 : memref<!tpu.dma_semaphore, #tpu.memory_space<semaphore_mem>>) src(%dma_wait3A_333 : memref<125xi32, #tpu.memory_space<hbm>>) dst(%dma_wait3A_330 : memref<125xi32, #tpu.memory_space<vmem>>)
        %add3A_334 = arith.constant 1 : i32
        %add3A_335 = arith.addi %add3A_202, %add3A_334 : i32
        %rem3A_336 = arith.constant 4 : i32
        %rem3A_337 = arith.remsi %add3A_335, %rem3A_336 : i32
        %dma_start3A_338 = arith.constant 0 : i32
        %dma_start3A_339 = arith.constant 1 : i32
        %dma_start3A_340 = arith.constant 0 : i32
        %dma_start3A_341 = arith.constant 0 : i32
        %dma_start3A_342 = tpu.memref_slice %arg6[%dma_start3A_339, %dma_start3A_340, %dma_start3A_341] : memref<2x125x128xf32, #tpu.memory_space<vmem>> -> memref<1x125x128xf32, #tpu.memory_space<vmem>>
        %dma_start3A_343 = tpu.memref_squeeze %dma_start3A_342 : memref<1x125x128xf32, #tpu.memory_space<vmem>> -> memref<125x128xf32, #tpu.memory_space<vmem>>
        %dma_start3A_344 = arith.constant 0 : i32
        %dma_start3A_345 = tpu.memref_slice %arg5[%rem3A_337, %dma_start3A_338, %dma_start3A_344] : memref<4x2x125xi32, #tpu.memory_space<vmem>> -> memref<1x1x125xi32, #tpu.memory_space<vmem>>
        %dma_start3A_346 = tpu.memref_squeeze %dma_start3A_345 : memref<1x1x125xi32, #tpu.memory_space<vmem>> -> memref<125xi32, #tpu.memory_space<vmem>>
        %dma_start3A_347 = arith.constant 0 : i32
        %dma_start3A_348 = arith.constant 0 : i32
        %dma_start3A_349 = tpu.memref_slice %arg2[%dma_start3A_347, %dma_start3A_348] : memref<10000x128xf32, #tpu.memory_space<hbm>> -> memref<10000x128xf32, #tpu.memory_space<hbm>>
        tpu.enqueue_indirect_dma source(%dma_start3A_349 : memref<10000x128xf32, #tpu.memory_space<hbm>>) target(%dma_start3A_343 : memref<125x128xf32, #tpu.memory_space<vmem>>) offsets(%dma_start3A_346 : memref<125xi32, #tpu.memory_space<vmem>>) semaphore(%arg9 : memref<!tpu.dma_semaphore, #tpu.memory_space<semaphore_mem>>)
      } else {
      }
      %add3A_242 = arith.constant 3 : i32
      %add3A_243 = arith.addi %add3A_202, %add3A_242 : i32
      %lt3A_244 = arith.constant 80 : i32
      %lt3A_245 = arith.cmpi slt, %add3A_243, %lt3A_244 : i32
      %convert_element_type3A_246 = arith.extui %lt3A_245 : i1 to i32
      %cond3A_247 = arith.constant 0 : i32
      %cond3A_248 = arith.cmpi ne, %convert_element_type3A_246, %cond3A_247 : i32
      scf.if %cond3A_248 {
        %add3A_300 = arith.constant 3 : i32
        %add3A_301 = arith.addi %add3A_202, %add3A_300 : i32
        %rem3A_302 = arith.constant 4 : i32
        %rem3A_303 = arith.remsi %add3A_301, %rem3A_302 : i32
        %dma_start3A_304 = arith.constant 0 : i32
        %dma_start3A_305 = arith.constant 0 : i32
        %dma_start3A_306 = arith.constant 0 : i32
        %dma_start3A_307 = tpu.memref_slice %arg5[%rem3A_303, %dma_start3A_305, %dma_start3A_306] : memref<4x2x125xi32, #tpu.memory_space<vmem>> -> memref<1x1x125xi32, #tpu.memory_space<vmem>>
        %dma_start3A_308 = tpu.memref_squeeze %dma_start3A_307 : memref<1x1x125xi32, #tpu.memory_space<vmem>> -> memref<125xi32, #tpu.memory_space<vmem>>
        %dma_start3A_309 = arith.constant 0 : i32
        %dma_start3A_310 = tpu.memref_slice %arg3[%dma_start3A_304, %add3A, %add3A_301, %dma_start3A_309] : memref<2x32x80x125xi32, #tpu.memory_space<hbm>> -> memref<1x1x1x125xi32, #tpu.memory_space<hbm>>
        %dma_start3A_311 = tpu.memref_squeeze %dma_start3A_310 : memref<1x1x1x125xi32, #tpu.memory_space<hbm>> -> memref<125xi32, #tpu.memory_space<hbm>>
        %dma_start3A_312 = arith.constant 0 : i32
        %dma_start3A_313 = tpu.memref_slice %arg5[%rem3A_303, %dma_start3A_305, %dma_start3A_312] : memref<4x2x125xi32, #tpu.memory_space<vmem>> -> memref<1x1x125xi32, #tpu.memory_space<vmem>>
        %dma_start3A_314 = tpu.memref_squeeze %dma_start3A_313 : memref<1x1x125xi32, #tpu.memory_space<vmem>> -> memref<125xi32, #tpu.memory_space<vmem>>
        %dma_start3A_315 = arith.constant 0 : i32
        %dma_start3A_316 = tpu.memref_slice %arg3[%dma_start3A_304, %add3A, %add3A_301, %dma_start3A_315] : memref<2x32x80x125xi32, #tpu.memory_space<hbm>> -> memref<1x1x1x125xi32, #tpu.memory_space<hbm>>
        %dma_start3A_317 = tpu.memref_squeeze %dma_start3A_316 : memref<1x1x1x125xi32, #tpu.memory_space<hbm>> -> memref<125xi32, #tpu.memory_space<hbm>>
        tpu.enqueue_dma source(%dma_start3A_317 : memref<125xi32, #tpu.memory_space<hbm>>) target(%dma_start3A_314 : memref<125xi32, #tpu.memory_space<vmem>>) target_semaphore(%arg8 : memref<!tpu.dma_semaphore, #tpu.memory_space<semaphore_mem>>)
        %rem3A_318 = arith.constant 4 : i32
        %rem3A_319 = arith.remsi %add3A_301, %rem3A_318 : i32
        %dma_start3A_320 = arith.constant 1 : i32
        %dma_start3A_321 = arith.constant 1 : i32
        %dma_start3A_322 = arith.constant 0 : i32
        %dma_start3A_323 = tpu.memref_slice %arg5[%rem3A_319, %dma_start3A_321, %dma_start3A_322] : memref<4x2x125xi32, #tpu.memory_space<vmem>> -> memref<1x1x125xi32, #tpu.memory_space<vmem>>
        %dma_start3A_324 = tpu.memref_squeeze %dma_start3A_323 : memref<1x1x125xi32, #tpu.memory_space<vmem>> -> memref<125xi32, #tpu.memory_space<vmem>>
        %dma_start3A_325 = arith.constant 0 : i32
        %dma_start3A_326 = tpu.memref_slice %arg3[%dma_start3A_320, %add3A, %add3A_301, %dma_start3A_325] : memref<2x32x80x125xi32, #tpu.memory_space<hbm>> -> memref<1x1x1x125xi32, #tpu.memory_space<hbm>>
        %dma_start3A_327 = tpu.memref_squeeze %dma_start3A_326 : memref<1x1x1x125xi32, #tpu.memory_space<hbm>> -> memref<125xi32, #tpu.memory_space<hbm>>
        %dma_start3A_328 = arith.constant 0 : i32
        %dma_start3A_329 = tpu.memref_slice %arg5[%rem3A_319, %dma_start3A_321, %dma_start3A_328] : memref<4x2x125xi32, #tpu.memory_space<vmem>> -> memref<1x1x125xi32, #tpu.memory_space<vmem>>
        %dma_start3A_330 = tpu.memref_squeeze %dma_start3A_329 : memref<1x1x125xi32, #tpu.memory_space<vmem>> -> memref<125xi32, #tpu.memory_space<vmem>>
        %dma_start3A_331 = arith.constant 0 : i32
        %dma_start3A_332 = tpu.memref_slice %arg3[%dma_start3A_320, %add3A, %add3A_301, %dma_start3A_331] : memref<2x32x80x125xi32, #tpu.memory_space<hbm>> -> memref<1x1x1x125xi32, #tpu.memory_space<hbm>>
        %dma_start3A_333 = tpu.memref_squeeze %dma_start3A_332 : memref<1x1x1x125xi32, #tpu.memory_space<hbm>> -> memref<125xi32, #tpu.memory_space<hbm>>
        tpu.enqueue_dma source(%dma_start3A_333 : memref<125xi32, #tpu.memory_space<hbm>>) target(%dma_start3A_330 : memref<125xi32, #tpu.memory_space<vmem>>) target_semaphore(%arg8 : memref<!tpu.dma_semaphore, #tpu.memory_space<semaphore_mem>>)
      } else {
      }
      %mul3A_249 = arith.constant 2 : i32
      %mul3A_250 = arith.muli %mul3A_249, %scan3A_198 : i32
      %add3A_251 = arith.constant 1 : i32
      %add3A_252 = arith.addi %mul3A_250, %add3A_251 : i32
      %rem3A_253 = arith.constant 4 : i32
      %rem3A_254 = arith.remsi %add3A_252, %rem3A_253 : i32
      %dma_wait3A_255 = arith.constant 0 : i32
      %dma_wait3A_256 = arith.constant 1 : i32
      %dma_wait3A_257 = arith.constant 0 : i32
      %dma_wait3A_258 = arith.constant 0 : i32
      %dma_wait3A_259 = tpu.memref_slice %arg6[%dma_wait3A_256, %dma_wait3A_257, %dma_wait3A_258] : memref<2x125x128xf32, #tpu.memory_space<vmem>> -> memref<1x125x128xf32, #tpu.memory_space<vmem>>
      %dma_wait3A_260 = tpu.memref_squeeze %dma_wait3A_259 : memref<1x125x128xf32, #tpu.memory_space<vmem>> -> memref<125x128xf32, #tpu.memory_space<vmem>>
      %dma_wait3A_261 = arith.constant 0 : i32
      %dma_wait3A_262 = tpu.memref_slice %arg5[%rem3A_254, %dma_wait3A_255, %dma_wait3A_261] : memref<4x2x125xi32, #tpu.memory_space<vmem>> -> memref<1x1x125xi32, #tpu.memory_space<vmem>>
      %dma_wait3A_263 = tpu.memref_squeeze %dma_wait3A_262 : memref<1x1x125xi32, #tpu.memory_space<vmem>> -> memref<125xi32, #tpu.memory_space<vmem>>
      %dma_wait3A_264 = arith.constant 0 : i32
      %dma_wait3A_265 = arith.constant 0 : i32
      %dma_wait3A_266 = tpu.memref_slice %arg2[%dma_wait3A_264, %dma_wait3A_265] : memref<10000x128xf32, #tpu.memory_space<hbm>> -> memref<10000x128xf32, #tpu.memory_space<hbm>>
      tpu.wait_indirect_dma semaphore(%arg9 : memref<!tpu.dma_semaphore, #tpu.memory_space<semaphore_mem>>) src(%dma_wait3A_266 : memref<10000x128xf32, #tpu.memory_space<hbm>>) dst(%dma_wait3A_260 : memref<125x128xf32, #tpu.memory_space<vmem>>)
      %rem3A_267 = arith.constant 4 : i32
      %rem3A_268 = arith.remsi %add3A_252, %rem3A_267 : i32
      %dma_start3A_269 = arith.constant 1 : i32
      %dma_start3A_270 = arith.constant 1 : i32
      %dma_start3A_271 = arith.constant 0 : i32
      %dma_start3A_272 = arith.constant 0 : i32
      %dma_start3A_273 = tpu.memref_slice %arg6[%dma_start3A_269, %dma_start3A_271, %dma_start3A_272] : memref<2x125x128xf32, #tpu.memory_space<vmem>> -> memref<1x125x128xf32, #tpu.memory_space<vmem>>
      %dma_start3A_274 = tpu.memref_squeeze %dma_start3A_273 : memref<1x125x128xf32, #tpu.memory_space<vmem>> -> memref<125x128xf32, #tpu.memory_space<vmem>>
      %dma_start3A_275 = arith.constant 0 : i32
      %dma_start3A_276 = tpu.memref_slice %arg5[%rem3A_268, %dma_start3A_270, %dma_start3A_275] : memref<4x2x125xi32, #tpu.memory_space<vmem>> -> memref<1x1x125xi32, #tpu.memory_space<vmem>>
      %dma_start3A_277 = tpu.memref_squeeze %dma_start3A_276 : memref<1x1x125xi32, #tpu.memory_space<vmem>> -> memref<125xi32, #tpu.memory_space<vmem>>
      %dma_start3A_278 = arith.constant 0 : i32
      %dma_start3A_279 = arith.constant 0 : i32
      %dma_start3A_280 = tpu.memref_slice %arg7[%dma_start3A_278, %dma_start3A_279] : memref<10240x128xf32, #tpu.memory_space<vmem_shared>> -> memref<10240x128xf32, #tpu.memory_space<vmem_shared>>
      tpu.enqueue_indirect_dma source(%dma_start3A_274 : memref<125x128xf32, #tpu.memory_space<vmem>>) target(%dma_start3A_280 : memref<10240x128xf32, #tpu.memory_space<vmem_shared>>) offsets(%dma_start3A_277 : memref<125xi32, #tpu.memory_space<vmem>>) semaphore(%arg11 : memref<!tpu.dma_semaphore, #tpu.memory_space<semaphore_mem>>) {add = true}
      %ge3A_281 = arith.constant 1 : i32
      %ge3A_282 = arith.cmpi sge, %add3A_252, %ge3A_281 : i32
      %convert_element_type3A_283 = arith.extui %ge3A_282 : i1 to i32
      %cond3A_284 = arith.constant 0 : i32
      %cond3A_285 = arith.cmpi ne, %convert_element_type3A_283, %cond3A_284 : i32
      scf.if %cond3A_285 {
        %sub3A = arith.constant 1 : i32
        %sub3A_300 = arith.subi %add3A_252, %sub3A : i32
        %rem3A_301 = arith.constant 4 : i32
        %rem3A_302 = arith.remsi %sub3A_300, %rem3A_301 : i32
        %dma_wait3A_303 = arith.constant 0 : i32
        %dma_wait3A_304 = arith.constant 1 : i32
        %dma_wait3A_305 = arith.constant 0 : i32
        %dma_wait3A_306 = arith.constant 0 : i32
        %dma_wait3A_307 = tpu.memref_slice %arg6[%dma_wait3A_303, %dma_wait3A_305, %dma_wait3A_306] : memref<2x125x128xf32, #tpu.memory_space<vmem>> -> memref<1x125x128xf32, #tpu.memory_space<vmem>>
        %dma_wait3A_308 = tpu.memref_squeeze %dma_wait3A_307 : memref<1x125x128xf32, #tpu.memory_space<vmem>> -> memref<125x128xf32, #tpu.memory_space<vmem>>
        %dma_wait3A_309 = arith.constant 0 : i32
        %dma_wait3A_310 = tpu.memref_slice %arg5[%rem3A_302, %dma_wait3A_304, %dma_wait3A_309] : memref<4x2x125xi32, #tpu.memory_space<vmem>> -> memref<1x1x125xi32, #tpu.memory_space<vmem>>
        %dma_wait3A_311 = tpu.memref_squeeze %dma_wait3A_310 : memref<1x1x125xi32, #tpu.memory_space<vmem>> -> memref<125xi32, #tpu.memory_space<vmem>>
        %dma_wait3A_312 = arith.constant 0 : i32
        %dma_wait3A_313 = arith.constant 0 : i32
        %dma_wait3A_314 = tpu.memref_slice %arg7[%dma_wait3A_312, %dma_wait3A_313] : memref<10240x128xf32, #tpu.memory_space<vmem_shared>> -> memref<10240x128xf32, #tpu.memory_space<vmem_shared>>
        tpu.wait_indirect_dma semaphore(%arg10 : memref<!tpu.dma_semaphore, #tpu.memory_space<semaphore_mem>>) src(%dma_wait3A_308 : memref<125x128xf32, #tpu.memory_space<vmem>>) dst(%dma_wait3A_314 : memref<10240x128xf32, #tpu.memory_space<vmem_shared>>)
      } else {
      }
      %add3A_286 = arith.constant 1 : i32
      %add3A_287 = arith.addi %add3A_252, %add3A_286 : i32
      %lt3A_288 = arith.constant 80 : i32
      %lt3A_289 = arith.cmpi slt, %add3A_287, %lt3A_288 : i32
      %convert_element_type3A_290 = arith.extui %lt3A_289 : i1 to i32
      %cond3A_291 = arith.constant 0 : i32
      %cond3A_292 = arith.cmpi ne, %convert_element_type3A_290, %cond3A_291 : i32
      scf.if %cond3A_292 {
        %add3A_300 = arith.constant 1 : i32
        %add3A_301 = arith.addi %add3A_252, %add3A_300 : i32
        %rem3A_302 = arith.constant 4 : i32
        %rem3A_303 = arith.remsi %add3A_301, %rem3A_302 : i32
        %dma_wait3A_304 = arith.constant 0 : i32
        %dma_wait3A_305 = arith.constant 0 : i32
        %dma_wait3A_306 = arith.constant 0 : i32
        %dma_wait3A_307 = tpu.memref_slice %arg5[%rem3A_303, %dma_wait3A_305, %dma_wait3A_306] : memref<4x2x125xi32, #tpu.memory_space<vmem>> -> memref<1x1x125xi32, #tpu.memory_space<vmem>>
        %dma_wait3A_308 = tpu.memref_squeeze %dma_wait3A_307 : memref<1x1x125xi32, #tpu.memory_space<vmem>> -> memref<125xi32, #tpu.memory_space<vmem>>
        %dma_wait3A_309 = arith.constant 0 : i32
        %dma_wait3A_310 = tpu.memref_slice %arg3[%dma_wait3A_304, %add3A, %add3A_301, %dma_wait3A_309] : memref<2x32x80x125xi32, #tpu.memory_space<hbm>> -> memref<1x1x1x125xi32, #tpu.memory_space<hbm>>
        %dma_wait3A_311 = tpu.memref_squeeze %dma_wait3A_310 : memref<1x1x1x125xi32, #tpu.memory_space<hbm>> -> memref<125xi32, #tpu.memory_space<hbm>>
        %dma_wait3A_312 = arith.constant 0 : i32
        %dma_wait3A_313 = tpu.memref_slice %arg5[%rem3A_303, %dma_wait3A_305, %dma_wait3A_312] : memref<4x2x125xi32, #tpu.memory_space<vmem>> -> memref<1x1x125xi32, #tpu.memory_space<vmem>>
        %dma_wait3A_314 = tpu.memref_squeeze %dma_wait3A_313 : memref<1x1x125xi32, #tpu.memory_space<vmem>> -> memref<125xi32, #tpu.memory_space<vmem>>
        %dma_wait3A_315 = arith.constant 0 : i32
        %dma_wait3A_316 = tpu.memref_slice %arg3[%dma_wait3A_304, %add3A, %add3A_301, %dma_wait3A_315] : memref<2x32x80x125xi32, #tpu.memory_space<hbm>> -> memref<1x1x1x125xi32, #tpu.memory_space<hbm>>
        %dma_wait3A_317 = tpu.memref_squeeze %dma_wait3A_316 : memref<1x1x1x125xi32, #tpu.memory_space<hbm>> -> memref<125xi32, #tpu.memory_space<hbm>>
        tpu.wait_dma2 semaphore(%arg8 : memref<!tpu.dma_semaphore, #tpu.memory_space<semaphore_mem>>) src(%dma_wait3A_317 : memref<125xi32, #tpu.memory_space<hbm>>) dst(%dma_wait3A_314 : memref<125xi32, #tpu.memory_space<vmem>>)
        %rem3A_318 = arith.constant 4 : i32
        %rem3A_319 = arith.remsi %add3A_301, %rem3A_318 : i32
        %dma_wait3A_320 = arith.constant 1 : i32
        %dma_wait3A_321 = arith.constant 1 : i32
        %dma_wait3A_322 = arith.constant 0 : i32
        %dma_wait3A_323 = tpu.memref_slice %arg5[%rem3A_319, %dma_wait3A_321, %dma_wait3A_322] : memref<4x2x125xi32, #tpu.memory_space<vmem>> -> memref<1x1x125xi32, #tpu.memory_space<vmem>>
        %dma_wait3A_324 = tpu.memref_squeeze %dma_wait3A_323 : memref<1x1x125xi32, #tpu.memory_space<vmem>> -> memref<125xi32, #tpu.memory_space<vmem>>
        %dma_wait3A_325 = arith.constant 0 : i32
        %dma_wait3A_326 = tpu.memref_slice %arg3[%dma_wait3A_320, %add3A, %add3A_301, %dma_wait3A_325] : memref<2x32x80x125xi32, #tpu.memory_space<hbm>> -> memref<1x1x1x125xi32, #tpu.memory_space<hbm>>
        %dma_wait3A_327 = tpu.memref_squeeze %dma_wait3A_326 : memref<1x1x1x125xi32, #tpu.memory_space<hbm>> -> memref<125xi32, #tpu.memory_space<hbm>>
        %dma_wait3A_328 = arith.constant 0 : i32
        %dma_wait3A_329 = tpu.memref_slice %arg5[%rem3A_319, %dma_wait3A_321, %dma_wait3A_328] : memref<4x2x125xi32, #tpu.memory_space<vmem>> -> memref<1x1x125xi32, #tpu.memory_space<vmem>>
        %dma_wait3A_330 = tpu.memref_squeeze %dma_wait3A_329 : memref<1x1x125xi32, #tpu.memory_space<vmem>> -> memref<125xi32, #tpu.memory_space<vmem>>
        %dma_wait3A_331 = arith.constant 0 : i32
        %dma_wait3A_332 = tpu.memref_slice %arg3[%dma_wait3A_320, %add3A, %add3A_301, %dma_wait3A_331] : memref<2x32x80x125xi32, #tpu.memory_space<hbm>> -> memref<1x1x1x125xi32, #tpu.memory_space<hbm>>
        %dma_wait3A_333 = tpu.memref_squeeze %dma_wait3A_332 : memref<1x1x1x125xi32, #tpu.memory_space<hbm>> -> memref<125xi32, #tpu.memory_space<hbm>>
        tpu.wait_dma2 semaphore(%arg8 : memref<!tpu.dma_semaphore, #tpu.memory_space<semaphore_mem>>) src(%dma_wait3A_333 : memref<125xi32, #tpu.memory_space<hbm>>) dst(%dma_wait3A_330 : memref<125xi32, #tpu.memory_space<vmem>>)
        %add3A_334 = arith.constant 1 : i32
        %add3A_335 = arith.addi %add3A_252, %add3A_334 : i32
        %rem3A_336 = arith.constant 4 : i32
        %rem3A_337 = arith.remsi %add3A_335, %rem3A_336 : i32
        %dma_start3A_338 = arith.constant 0 : i32
        %dma_start3A_339 = arith.constant 0 : i32
        %dma_start3A_340 = arith.constant 0 : i32
        %dma_start3A_341 = arith.constant 0 : i32
        %dma_start3A_342 = tpu.memref_slice %arg6[%dma_start3A_339, %dma_start3A_340, %dma_start3A_341] : memref<2x125x128xf32, #tpu.memory_space<vmem>> -> memref<1x125x128xf32, #tpu.memory_space<vmem>>
        %dma_start3A_343 = tpu.memref_squeeze %dma_start3A_342 : memref<1x125x128xf32, #tpu.memory_space<vmem>> -> memref<125x128xf32, #tpu.memory_space<vmem>>
        %dma_start3A_344 = arith.constant 0 : i32
        %dma_start3A_345 = tpu.memref_slice %arg5[%rem3A_337, %dma_start3A_338, %dma_start3A_344] : memref<4x2x125xi32, #tpu.memory_space<vmem>> -> memref<1x1x125xi32, #tpu.memory_space<vmem>>
        %dma_start3A_346 = tpu.memref_squeeze %dma_start3A_345 : memref<1x1x125xi32, #tpu.memory_space<vmem>> -> memref<125xi32, #tpu.memory_space<vmem>>
        %dma_start3A_347 = arith.constant 0 : i32
        %dma_start3A_348 = arith.constant 0 : i32
        %dma_start3A_349 = tpu.memref_slice %arg2[%dma_start3A_347, %dma_start3A_348] : memref<10000x128xf32, #tpu.memory_space<hbm>> -> memref<10000x128xf32, #tpu.memory_space<hbm>>
        tpu.enqueue_indirect_dma source(%dma_start3A_349 : memref<10000x128xf32, #tpu.memory_space<hbm>>) target(%dma_start3A_343 : memref<125x128xf32, #tpu.memory_space<vmem>>) offsets(%dma_start3A_346 : memref<125xi32, #tpu.memory_space<vmem>>) semaphore(%arg9 : memref<!tpu.dma_semaphore, #tpu.memory_space<semaphore_mem>>)
      } else {
      }
      %add3A_293 = arith.constant 3 : i32
      %add3A_294 = arith.addi %add3A_252, %add3A_293 : i32
      %lt3A_295 = arith.constant 80 : i32
      %lt3A_296 = arith.cmpi slt, %add3A_294, %lt3A_295 : i32
      %convert_element_type3A_297 = arith.extui %lt3A_296 : i1 to i32
      %cond3A_298 = arith.constant 0 : i32
      %cond3A_299 = arith.cmpi ne, %convert_element_type3A_297, %cond3A_298 : i32
      scf.if %cond3A_299 {
        %add3A_300 = arith.constant 3 : i32
        %add3A_301 = arith.addi %add3A_252, %add3A_300 : i32
        %rem3A_302 = arith.constant 4 : i32
        %rem3A_303 = arith.remsi %add3A_301, %rem3A_302 : i32
        %dma_start3A_304 = arith.constant 0 : i32
        %dma_start3A_305 = arith.constant 0 : i32
        %dma_start3A_306 = arith.constant 0 : i32
        %dma_start3A_307 = tpu.memref_slice %arg5[%rem3A_303, %dma_start3A_305, %dma_start3A_306] : memref<4x2x125xi32, #tpu.memory_space<vmem>> -> memref<1x1x125xi32, #tpu.memory_space<vmem>>
        %dma_start3A_308 = tpu.memref_squeeze %dma_start3A_307 : memref<1x1x125xi32, #tpu.memory_space<vmem>> -> memref<125xi32, #tpu.memory_space<vmem>>
        %dma_start3A_309 = arith.constant 0 : i32
        %dma_start3A_310 = tpu.memref_slice %arg3[%dma_start3A_304, %add3A, %add3A_301, %dma_start3A_309] : memref<2x32x80x125xi32, #tpu.memory_space<hbm>> -> memref<1x1x1x125xi32, #tpu.memory_space<hbm>>
        %dma_start3A_311 = tpu.memref_squeeze %dma_start3A_310 : memref<1x1x1x125xi32, #tpu.memory_space<hbm>> -> memref<125xi32, #tpu.memory_space<hbm>>
        %dma_start3A_312 = arith.constant 0 : i32
        %dma_start3A_313 = tpu.memref_slice %arg5[%rem3A_303, %dma_start3A_305, %dma_start3A_312] : memref<4x2x125xi32, #tpu.memory_space<vmem>> -> memref<1x1x125xi32, #tpu.memory_space<vmem>>
        %dma_start3A_314 = tpu.memref_squeeze %dma_start3A_313 : memref<1x1x125xi32, #tpu.memory_space<vmem>> -> memref<125xi32, #tpu.memory_space<vmem>>
        %dma_start3A_315 = arith.constant 0 : i32
        %dma_start3A_316 = tpu.memref_slice %arg3[%dma_start3A_304, %add3A, %add3A_301, %dma_start3A_315] : memref<2x32x80x125xi32, #tpu.memory_space<hbm>> -> memref<1x1x1x125xi32, #tpu.memory_space<hbm>>
        %dma_start3A_317 = tpu.memref_squeeze %dma_start3A_316 : memref<1x1x1x125xi32, #tpu.memory_space<hbm>> -> memref<125xi32, #tpu.memory_space<hbm>>
        tpu.enqueue_dma source(%dma_start3A_317 : memref<125xi32, #tpu.memory_space<hbm>>) target(%dma_start3A_314 : memref<125xi32, #tpu.memory_space<vmem>>) target_semaphore(%arg8 : memref<!tpu.dma_semaphore, #tpu.memory_space<semaphore_mem>>)
        %rem3A_318 = arith.constant 4 : i32
        %rem3A_319 = arith.remsi %add3A_301, %rem3A_318 : i32
        %dma_start3A_320 = arith.constant 1 : i32
        %dma_start3A_321 = arith.constant 1 : i32
        %dma_start3A_322 = arith.constant 0 : i32
        %dma_start3A_323 = tpu.memref_slice %arg5[%rem3A_319, %dma_start3A_321, %dma_start3A_322] : memref<4x2x125xi32, #tpu.memory_space<vmem>> -> memref<1x1x125xi32, #tpu.memory_space<vmem>>
        %dma_start3A_324 = tpu.memref_squeeze %dma_start3A_323 : memref<1x1x125xi32, #tpu.memory_space<vmem>> -> memref<125xi32, #tpu.memory_space<vmem>>
        %dma_start3A_325 = arith.constant 0 : i32
        %dma_start3A_326 = tpu.memref_slice %arg3[%dma_start3A_320, %add3A, %add3A_301, %dma_start3A_325] : memref<2x32x80x125xi32, #tpu.memory_space<hbm>> -> memref<1x1x1x125xi32, #tpu.memory_space<hbm>>
        %dma_start3A_327 = tpu.memref_squeeze %dma_start3A_326 : memref<1x1x1x125xi32, #tpu.memory_space<hbm>> -> memref<125xi32, #tpu.memory_space<hbm>>
        %dma_start3A_328 = arith.constant 0 : i32
        %dma_start3A_329 = tpu.memref_slice %arg5[%rem3A_319, %dma_start3A_321, %dma_start3A_328] : memref<4x2x125xi32, #tpu.memory_space<vmem>> -> memref<1x1x125xi32, #tpu.memory_space<vmem>>
        %dma_start3A_330 = tpu.memref_squeeze %dma_start3A_329 : memref<1x1x125xi32, #tpu.memory_space<vmem>> -> memref<125xi32, #tpu.memory_space<vmem>>
        %dma_start3A_331 = arith.constant 0 : i32
        %dma_start3A_332 = tpu.memref_slice %arg3[%dma_start3A_320, %add3A, %add3A_301, %dma_start3A_331] : memref<2x32x80x125xi32, #tpu.memory_space<hbm>> -> memref<1x1x1x125xi32, #tpu.memory_space<hbm>>
        %dma_start3A_333 = tpu.memref_squeeze %dma_start3A_332 : memref<1x1x1x125xi32, #tpu.memory_space<hbm>> -> memref<125xi32, #tpu.memory_space<hbm>>
        tpu.enqueue_dma source(%dma_start3A_333 : memref<125xi32, #tpu.memory_space<hbm>>) target(%dma_start3A_330 : memref<125xi32, #tpu.memory_space<vmem>>) target_semaphore(%arg8 : memref<!tpu.dma_semaphore, #tpu.memory_space<semaphore_mem>>)
      } else {
      }
    }
    %scan3A_175 = arith.constant 40 : i32
    %rem3A_176 = arith.constant 79 : i32
    %rem3A_177 = arith.constant 4 : i32
    %rem3A_178 = arith.remsi %rem3A_176, %rem3A_177 : i32
    %dma_wait3A_179 = arith.constant 1 : i32
    %dma_wait3A_180 = arith.constant 1 : i32
    %dma_wait3A_181 = arith.constant 0 : i32
    %dma_wait3A_182 = arith.constant 0 : i32
    %dma_wait3A_183 = tpu.memref_slice %arg6[%dma_wait3A_179, %dma_wait3A_181, %dma_wait3A_182] : memref<2x125x128xf32, #tpu.memory_space<vmem>> -> memref<1x125x128xf32, #tpu.memory_space<vmem>>
    %dma_wait3A_184 = tpu.memref_squeeze %dma_wait3A_183 : memref<1x125x128xf32, #tpu.memory_space<vmem>> -> memref<125x128xf32, #tpu.memory_space<vmem>>
    %dma_wait3A_185 = arith.constant 0 : i32
    %dma_wait3A_186 = tpu.memref_slice %arg5[%rem3A_178, %dma_wait3A_180, %dma_wait3A_185] : memref<4x2x125xi32, #tpu.memory_space<vmem>> -> memref<1x1x125xi32, #tpu.memory_space<vmem>>
    %dma_wait3A_187 = tpu.memref_squeeze %dma_wait3A_186 : memref<1x1x125xi32, #tpu.memory_space<vmem>> -> memref<125xi32, #tpu.memory_space<vmem>>
    %dma_wait3A_188 = arith.constant 0 : i32
    %dma_wait3A_189 = arith.constant 0 : i32
    %dma_wait3A_190 = tpu.memref_slice %arg7[%dma_wait3A_188, %dma_wait3A_189] : memref<10240x128xf32, #tpu.memory_space<vmem_shared>> -> memref<10240x128xf32, #tpu.memory_space<vmem_shared>>
    tpu.wait_indirect_dma semaphore(%arg11 : memref<!tpu.dma_semaphore, #tpu.memory_space<semaphore_mem>>) src(%dma_wait3A_184 : memref<125x128xf32, #tpu.memory_space<vmem>>) dst(%dma_wait3A_190 : memref<10240x128xf32, #tpu.memory_space<vmem_shared>>)
    %barrier3A_191 = arith.constant 0 : index
    tpu.barrier barrier_id(%barrier3A_191)
    %lt3A = arith.constant 15 : i32
    %lt3A_192 = arith.cmpi slt, %arg1, %lt3A : i32
    %convert_element_type3A = arith.extui %lt3A_192 : i1 to i32
    %cond3A = arith.constant 0 : i32
    %cond3A_193 = arith.cmpi ne, %convert_element_type3A, %cond3A : i32
    scf.if %cond3A_193 {
      %mul3A_198 = arith.constant 640 : i32
      %mul3A_199 = arith.muli %arg1, %mul3A_198 : i32
      %mul3A_200 = arith.constant 640 : i32
      %mul3A_201 = arith.muli %arg1, %mul3A_200 : i32
      "tpu.region"() ({
        %run_scoped3A_202 = tpu.sem_alloc : memref<!tpu.dma_semaphore, #tpu.memory_space<semaphore_mem>>
        %dma_start3A_203 = arith.constant 0 : i32
        %dma_start3A_204 = tpu.memref_slice %arg4[%arg0, %mul3A_201, %dma_start3A_203] : memref<2x10000x128xf32, #tpu.memory_space<hbm>> -> memref<1x640x128xf32, #tpu.memory_space<hbm>>
        %dma_start3A_205 = tpu.memref_squeeze %dma_start3A_204 : memref<1x640x128xf32, #tpu.memory_space<hbm>> -> memref<640x128xf32, #tpu.memory_space<hbm>>
        %dma_start3A_206 = arith.constant 0 : i32
        %dma_start3A_207 = tpu.memref_slice %arg7[%mul3A_199, %dma_start3A_206] : memref<10240x128xf32, #tpu.memory_space<vmem_shared>> -> memref<640x128xf32, #tpu.memory_space<vmem_shared>>
        tpu.enqueue_dma source(%dma_start3A_207 : memref<640x128xf32, #tpu.memory_space<vmem_shared>>) target(%dma_start3A_205 : memref<640x128xf32, #tpu.memory_space<hbm>>) target_semaphore(%run_scoped3A_202 : memref<!tpu.dma_semaphore, #tpu.memory_space<semaphore_mem>>)
        %dma_wait3A_208 = arith.constant 0 : i32
        %dma_wait3A_209 = tpu.memref_slice %arg4[%arg0, %mul3A_201, %dma_wait3A_208] : memref<2x10000x128xf32, #tpu.memory_space<hbm>> -> memref<1x640x128xf32, #tpu.memory_space<hbm>>
        %dma_wait3A_210 = tpu.memref_squeeze %dma_wait3A_209 : memref<1x640x128xf32, #tpu.memory_space<hbm>> -> memref<640x128xf32, #tpu.memory_space<hbm>>
        %dma_wait3A_211 = arith.constant 0 : i32
        %dma_wait3A_212 = tpu.memref_slice %arg7[%mul3A_199, %dma_wait3A_211] : memref<10240x128xf32, #tpu.memory_space<vmem_shared>> -> memref<640x128xf32, #tpu.memory_space<vmem_shared>>
        tpu.wait_dma2 semaphore(%run_scoped3A_202 : memref<!tpu.dma_semaphore, #tpu.memory_space<semaphore_mem>>) src(%dma_wait3A_212 : memref<640x128xf32, #tpu.memory_space<vmem_shared>>) dst(%dma_wait3A_210 : memref<640x128xf32, #tpu.memory_space<hbm>>)
        tpu.yield
      }) : () -> ()
    } else {
    }
    %eq3A = arith.constant 15 : i32
    %eq3A_194 = arith.cmpi eq, %arg1, %eq3A : i32
    %convert_element_type3A_195 = arith.extui %eq3A_194 : i1 to i32
    %cond3A_196 = arith.constant 0 : i32
    %cond3A_197 = arith.cmpi ne, %convert_element_type3A_195, %cond3A_196 : i32
    scf.if %cond3A_197 {
      "tpu.region"() ({
        %run_scoped3A_198 = tpu.sem_alloc : memref<!tpu.dma_semaphore, #tpu.memory_space<semaphore_mem>>
        %dma_start3A_199 = arith.constant 9600 : i32
        %dma_start3A_200 = arith.constant 0 : i32
        %dma_start3A_201 = tpu.memref_slice %arg4[%arg0, %dma_start3A_199, %dma_start3A_200] : memref<2x10000x128xf32, #tpu.memory_space<hbm>> -> memref<1x400x128xf32, #tpu.memory_space<hbm>>
        %dma_start3A_202 = tpu.memref_squeeze %dma_start3A_201 : memref<1x400x128xf32, #tpu.memory_space<hbm>> -> memref<400x128xf32, #tpu.memory_space<hbm>>
        %dma_start3A_203 = arith.constant 9600 : i32
        %dma_start3A_204 = arith.constant 0 : i32
        %dma_start3A_205 = tpu.memref_slice %arg7[%dma_start3A_203, %dma_start3A_204] : memref<10240x128xf32, #tpu.memory_space<vmem_shared>> -> memref<400x128xf32, #tpu.memory_space<vmem_shared>>
        tpu.enqueue_dma source(%dma_start3A_205 : memref<400x128xf32, #tpu.memory_space<vmem_shared>>) target(%dma_start3A_202 : memref<400x128xf32, #tpu.memory_space<hbm>>) target_semaphore(%run_scoped3A_198 : memref<!tpu.dma_semaphore, #tpu.memory_space<semaphore_mem>>)
        %dma_wait3A_206 = arith.constant 9600 : i32
        %dma_wait3A_207 = arith.constant 0 : i32
        %dma_wait3A_208 = tpu.memref_slice %arg4[%arg0, %dma_wait3A_206, %dma_wait3A_207] : memref<2x10000x128xf32, #tpu.memory_space<hbm>> -> memref<1x400x128xf32, #tpu.memory_space<hbm>>
        %dma_wait3A_209 = tpu.memref_squeeze %dma_wait3A_208 : memref<1x400x128xf32, #tpu.memory_space<hbm>> -> memref<400x128xf32, #tpu.memory_space<hbm>>
        %dma_wait3A_210 = arith.constant 9600 : i32
        %dma_wait3A_211 = arith.constant 0 : i32
        %dma_wait3A_212 = tpu.memref_slice %arg7[%dma_wait3A_210, %dma_wait3A_211] : memref<10240x128xf32, #tpu.memory_space<vmem_shared>> -> memref<400x128xf32, #tpu.memory_space<vmem_shared>>
        tpu.wait_dma2 semaphore(%run_scoped3A_198 : memref<!tpu.dma_semaphore, #tpu.memory_space<semaphore_mem>>) src(%dma_wait3A_212 : memref<400x128xf32, #tpu.memory_space<vmem_shared>>) dst(%dma_wait3A_209 : memref<400x128xf32, #tpu.memory_space<hbm>>)
        tpu.yield
      }) : () -> ()
    } else {
    }
    return
  }
}

module attributes {stable_mosaic.version = 14 : i64} {
  func.func @_g1_body(%arg0: i32, %arg1: memref<1000x128xf32, #tpu.memory_space<vmem>>, %arg2: memref<128x128xf32, #tpu.memory_space<vmem>>, %arg3: memref<1000x1xf32, #tpu.memory_space<vmem>>, %arg4: memref<1000x1xf32, #tpu.memory_space<vmem>>, %arg5: memref<1000x128xf32, #tpu.memory_space<vmem>>) attributes {dimension_semantics = [#tpu.dimension_semantics<arbitrary>], iteration_bounds = array<i64: 10>, scalar_prefetch = 0 : i64, scratch_operands = 0 : i64, tpu.core_type = #tpu.core_type<tc>, window_params = [{transform_indices = @transform_0, window_bounds = array<i64: 1000, 128>}, {pipeline_mode = #tpu.pipeline_mode<synchronous>, transform_indices = @transform_1, window_bounds = array<i64: 128, 128>}, {transform_indices = @transform_2, window_bounds = array<i64: 1000, 1>}, {transform_indices = @transform_3, window_bounds = array<i64: 1000, 1>}, {transform_indices = @transform_4, window_bounds = array<i64: 1000, 128>}]} {
    %get3A = arith.constant 0 : index
    %get3A_0 = arith.constant 0 : index
    %get3A_1 = vector.load %arg1[%get3A, %get3A_0] : memref<1000x128xf32, #tpu.memory_space<vmem>>, vector<1000x128xf32>
    %get3A_2 = arith.constant 0 : index
    %get3A_3 = arith.constant 0 : index
    %get3A_4 = vector.load %arg2[%get3A_2, %get3A_3] : memref<128x128xf32, #tpu.memory_space<vmem>>, vector<128x128xf32>
    %dot_general3A = arith.constant dense<0.000000e+00> : vector<1000x128xf32>
    %dot_general3A_5 = tpu.matmul %get3A_1, %get3A_4, %dot_general3A {dimension_numbers = #tpu.dot_dimension_numbers<[1], [0], [0], [1], [0, 0, 1, 1], [], []>, transpose_lhs_hint = false} : vector<1000x128xf32>, vector<128x128xf32>, vector<1000x128xf32> -> vector<1000x128xf32>
    %get3A_6 = arith.constant 0 : index
    %get3A_7 = arith.constant 0 : index
    %get3A_8 = vector.load %arg3[%get3A_6, %get3A_7] : memref<1000x1xf32, #tpu.memory_space<vmem>>, vector<1000x1xf32>
    %get3A_9 = arith.constant 0 : index
    %get3A_10 = arith.constant 0 : index
    %get3A_11 = vector.load %arg4[%get3A_9, %get3A_10] : memref<1000x1xf32, #tpu.memory_space<vmem>>, vector<1000x1xf32>
    %add3A = arith.addf %get3A_8, %get3A_11 : vector<1000x1xf32>
    %add3A_12 = arith.constant 1.000000e+00 : f32
    %add3A_13 = vector.broadcast %add3A_12 : f32 to vector<1000x1xf32>
    %add3A_14 = arith.addf %add3A, %add3A_13 : vector<1000x1xf32>
    %max3A = arith.constant 1.000000e+00 : f32
    %max3A_15 = vector.broadcast %max3A : f32 to vector<1000x1xf32>
    %max3A_16 = arith.maximumf %add3A_14, %max3A_15 : vector<1000x1xf32>
    %rsqrt3A = math.rsqrt %max3A_16 : vector<1000x1xf32>
    %mul3A = vector.broadcast %rsqrt3A : vector<1000x1xf32> to vector<1000x128xf32>
    %mul3A_17 = arith.mulf %dot_general3A_5, %mul3A : vector<1000x128xf32>
    %swap3A = arith.constant 0 : index
    %swap3A_18 = arith.constant 0 : index
    %swap3A_19 = vector.load %arg5[%swap3A, %swap3A_18] : memref<1000x128xf32, #tpu.memory_space<vmem>>, vector<1000x128xf32>
    tpu.vector_store %arg5[%swap3A, %swap3A_18], %mul3A_17 {strides = array<i32>} : memref<1000x128xf32, #tpu.memory_space<vmem>>, vector<1000x128xf32>,
    return
  }
  func.func @transform_0(%arg0: i32) -> (i32, i32) {
    %c0_i32 = arith.constant 0 : i32
    %c0_i32_0 = arith.constant 0 : i32
    return %arg0, %c0_i32 : i32, i32
  }
  func.func @transform_1(%arg0: i32) -> (i32, i32) {
    %c0_i32 = arith.constant 0 : i32
    %c0_i32_0 = arith.constant 0 : i32
    %c0_i32_1 = arith.constant 0 : i32
    return %c0_i32, %c0_i32_0 : i32, i32
  }
  func.func @transform_2(%arg0: i32) -> (i32, i32) {
    %c0_i32 = arith.constant 0 : i32
    %c0_i32_0 = arith.constant 0 : i32
    return %arg0, %c0_i32 : i32, i32
  }
  func.func @transform_3(%arg0: i32) -> (i32, i32) {
    %c0_i32 = arith.constant 0 : i32
    %c0_i32_0 = arith.constant 0 : i32
    return %arg0, %c0_i32 : i32, i32
  }
  func.func @transform_4(%arg0: i32) -> (i32, i32) {
    %c0_i32 = arith.constant 0 : i32
    %c0_i32_0 = arith.constant 0 : i32
    return %arg0, %c0_i32 : i32, i32
  }
}

module attributes {stable_mosaic.version = 14 : i64} {
  func.func @_mid_body(%arg0: i32, %arg1: memref<1000x128xf32, #tpu.memory_space<vmem>>, %arg2: memref<1000x128xf32, #tpu.memory_space<vmem>>, %arg3: memref<1000x128xf32, #tpu.memory_space<vmem>>, %arg4: memref<1000x1xf32, #tpu.memory_space<vmem>>, %arg5: memref<1000x1xf32, #tpu.memory_space<vmem>>, %arg6: memref<1x128xf32, #tpu.memory_space<vmem>>, %arg7: memref<1x128xf32, #tpu.memory_space<vmem>>, %arg8: memref<128x128xf32, #tpu.memory_space<vmem>>, %arg9: memref<1000x128xf32, #tpu.memory_space<vmem>>) attributes {dimension_semantics = [#tpu.dimension_semantics<arbitrary>], iteration_bounds = array<i64: 10>, scalar_prefetch = 0 : i64, scratch_operands = 0 : i64, tpu.core_type = #tpu.core_type<tc>, window_params = [{transform_indices = @transform_0, window_bounds = array<i64: 1000, 128>}, {transform_indices = @transform_1, window_bounds = array<i64: 1000, 128>}, {transform_indices = @transform_2, window_bounds = array<i64: 1000, 128>}, {transform_indices = @transform_3, window_bounds = array<i64: 1000, 1>}, {transform_indices = @transform_4, window_bounds = array<i64: 1000, 1>}, {pipeline_mode = #tpu.pipeline_mode<synchronous>, transform_indices = @transform_5, window_bounds = array<i64: 1, 128>}, {pipeline_mode = #tpu.pipeline_mode<synchronous>, transform_indices = @transform_6, window_bounds = array<i64: 1, 128>}, {pipeline_mode = #tpu.pipeline_mode<synchronous>, transform_indices = @transform_7, window_bounds = array<i64: 128, 128>}, {transform_indices = @transform_8, window_bounds = array<i64: 1000, 128>}]} {
    %get3A = arith.constant 0 : index
    %get3A_0 = arith.constant 0 : index
    %get3A_1 = vector.load %arg4[%get3A, %get3A_0] : memref<1000x1xf32, #tpu.memory_space<vmem>>, vector<1000x1xf32>
    %get3A_2 = arith.constant 0 : index
    %get3A_3 = arith.constant 0 : index
    %get3A_4 = vector.load %arg5[%get3A_2, %get3A_3] : memref<1000x1xf32, #tpu.memory_space<vmem>>, vector<1000x1xf32>
    %add3A = arith.addf %get3A_1, %get3A_4 : vector<1000x1xf32>
    %add3A_5 = arith.constant 1.000000e+00 : f32
    %add3A_6 = vector.broadcast %add3A_5 : f32 to vector<1000x1xf32>
    %add3A_7 = arith.addf %add3A, %add3A_6 : vector<1000x1xf32>
    %max3A = arith.constant 1.000000e+00 : f32
    %max3A_8 = vector.broadcast %max3A : f32 to vector<1000x1xf32>
    %max3A_9 = arith.maximumf %add3A_7, %max3A_8 : vector<1000x1xf32>
    %rsqrt3A = math.rsqrt %max3A_9 : vector<1000x1xf32>
    %get3A_10 = arith.constant 0 : index
    %get3A_11 = arith.constant 0 : index
    %get3A_12 = vector.load %arg1[%get3A_10, %get3A_11] : memref<1000x128xf32, #tpu.memory_space<vmem>>, vector<1000x128xf32>
    %get3A_13 = arith.constant 0 : index
    %get3A_14 = arith.constant 0 : index
    %get3A_15 = vector.load %arg2[%get3A_13, %get3A_14] : memref<1000x128xf32, #tpu.memory_space<vmem>>, vector<1000x128xf32>
    %add3A_16 = arith.addf %get3A_12, %get3A_15 : vector<1000x128xf32>
    %get3A_17 = arith.constant 0 : index
    %get3A_18 = arith.constant 0 : index
    %get3A_19 = vector.load %arg3[%get3A_17, %get3A_18] : memref<1000x128xf32, #tpu.memory_space<vmem>>, vector<1000x128xf32>
    %add3A_20 = arith.addf %add3A_16, %get3A_19 : vector<1000x128xf32>
    %mul3A = vector.broadcast %rsqrt3A : vector<1000x1xf32> to vector<1000x128xf32>
    %mul3A_21 = arith.mulf %add3A_20, %mul3A : vector<1000x128xf32>
    %get3A_22 = arith.constant 0 : index
    %get3A_23 = arith.constant 0 : index
    %get3A_24 = vector.load %arg6[%get3A_22, %get3A_23] : memref<1x128xf32, #tpu.memory_space<vmem>>, vector<1x128xf32>
    %add3A_25 = vector.broadcast %get3A_24 : vector<1x128xf32> to vector<1000x128xf32>
    %add3A_26 = arith.addf %mul3A_21, %add3A_25 : vector<1000x128xf32>
    %ge3A = arith.constant 0.000000e+00 : f32
    %ge3A_27 = vector.broadcast %ge3A : f32 to vector<1000x128xf32>
    %ge3A_28 = arith.cmpf oge, %add3A_26, %ge3A_27 : vector<1000x128xf32>
    %get3A_29 = arith.constant 0 : index
    %get3A_30 = arith.constant 0 : index
    %get3A_31 = vector.load %arg7[%get3A_29, %get3A_30] : memref<1x128xf32, #tpu.memory_space<vmem>>, vector<1x128xf32>
    %mul3A_32 = vector.broadcast %get3A_31 : vector<1x128xf32> to vector<1000x128xf32>
    %mul3A_33 = arith.mulf %mul3A_32, %add3A_26 : vector<1000x128xf32>
    %select_n3A = arith.select %ge3A_28, %add3A_26, %mul3A_33 : vector<1000x128xi1>, vector<1000x128xf32>
    %get3A_34 = arith.constant 0 : index
    %get3A_35 = arith.constant 0 : index
    %get3A_36 = vector.load %arg8[%get3A_34, %get3A_35] : memref<128x128xf32, #tpu.memory_space<vmem>>, vector<128x128xf32>
    %dot_general3A = arith.constant dense<0.000000e+00> : vector<1000x128xf32>
    %dot_general3A_37 = tpu.matmul %select_n3A, %get3A_36, %dot_general3A {dimension_numbers = #tpu.dot_dimension_numbers<[1], [0], [0], [1], [0, 0, 1, 1], [], []>, transpose_lhs_hint = false} : vector<1000x128xf32>, vector<128x128xf32>, vector<1000x128xf32> -> vector<1000x128xf32>
    %mul3A_38 = vector.broadcast %rsqrt3A : vector<1000x1xf32> to vector<1000x128xf32>
    %mul3A_39 = arith.mulf %dot_general3A_37, %mul3A_38 : vector<1000x128xf32>
    %swap3A = arith.constant 0 : index
    %swap3A_40 = arith.constant 0 : index
    %swap3A_41 = vector.load %arg9[%swap3A, %swap3A_40] : memref<1000x128xf32, #tpu.memory_space<vmem>>, vector<1000x128xf32>
    tpu.vector_store %arg9[%swap3A, %swap3A_40], %mul3A_39 {strides = array<i32>} : memref<1000x128xf32, #tpu.memory_space<vmem>>, vector<1000x128xf32>,
    return
  }
  func.func @transform_0(%arg0: i32) -> (i32, i32) {
    %c0_i32 = arith.constant 0 : i32
    %c0_i32_0 = arith.constant 0 : i32
    return %arg0, %c0_i32 : i32, i32
  }
  func.func @transform_1(%arg0: i32) -> (i32, i32) {
    %add3A = arith.constant 10 : i32
    %add3A_0 = arith.addi %arg0, %add3A : i32
    %c0_i32 = arith.constant 0 : i32
    %c0_i32_1 = arith.constant 0 : i32
    return %add3A_0, %c0_i32 : i32, i32
  }
  func.func @transform_2(%arg0: i32) -> (i32, i32) {
    %c0_i32 = arith.constant 0 : i32
    %c0_i32_0 = arith.constant 0 : i32
    return %arg0, %c0_i32 : i32, i32
  }
  func.func @transform_3(%arg0: i32) -> (i32, i32) {
    %c0_i32 = arith.constant 0 : i32
    %c0_i32_0 = arith.constant 0 : i32
    return %arg0, %c0_i32 : i32, i32
  }
  func.func @transform_4(%arg0: i32) -> (i32, i32) {
    %add3A = arith.constant 10 : i32
    %add3A_0 = arith.addi %arg0, %add3A : i32
    %c0_i32 = arith.constant 0 : i32
    %c0_i32_1 = arith.constant 0 : i32
    return %add3A_0, %c0_i32 : i32, i32
  }
  func.func @transform_5(%arg0: i32) -> (i32, i32) {
    %c0_i32 = arith.constant 0 : i32
    %c0_i32_0 = arith.constant 0 : i32
    %c0_i32_1 = arith.constant 0 : i32
    return %c0_i32, %c0_i32_0 : i32, i32
  }
  func.func @transform_6(%arg0: i32) -> (i32, i32) {
    %c0_i32 = arith.constant 0 : i32
    %c0_i32_0 = arith.constant 0 : i32
    %c0_i32_1 = arith.constant 0 : i32
    return %c0_i32, %c0_i32_0 : i32, i32
  }
  func.func @transform_7(%arg0: i32) -> (i32, i32) {
    %c0_i32 = arith.constant 0 : i32
    %c0_i32_0 = arith.constant 0 : i32
    %c0_i32_1 = arith.constant 0 : i32
    return %c0_i32, %c0_i32_0 : i32, i32
  }
  func.func @transform_8(%arg0: i32) -> (i32, i32) {
    %c0_i32 = arith.constant 0 : i32
    %c0_i32_0 = arith.constant 0 : i32
    return %arg0, %c0_i32 : i32, i32
  }
}

module attributes {stable_mosaic.version = 14 : i64} {
  func.func @_final_body(%arg0: i32, %arg1: memref<1000x128xf32, #tpu.memory_space<vmem>>, %arg2: memref<1000x128xf32, #tpu.memory_space<vmem>>, %arg3: memref<1000x128xf32, #tpu.memory_space<vmem>>, %arg4: memref<1000x1xf32, #tpu.memory_space<vmem>>, %arg5: memref<1000x1xf32, #tpu.memory_space<vmem>>, %arg6: memref<1x128xf32, #tpu.memory_space<vmem>>, %arg7: memref<1000x128xf32, #tpu.memory_space<vmem>>) attributes {dimension_semantics = [#tpu.dimension_semantics<arbitrary>], iteration_bounds = array<i64: 10>, scalar_prefetch = 0 : i64, scratch_operands = 0 : i64, tpu.core_type = #tpu.core_type<tc>, window_params = [{transform_indices = @transform_0, window_bounds = array<i64: 1000, 128>}, {transform_indices = @transform_1, window_bounds = array<i64: 1000, 128>}, {transform_indices = @transform_2, window_bounds = array<i64: 1000, 128>}, {transform_indices = @transform_3, window_bounds = array<i64: 1000, 1>}, {transform_indices = @transform_4, window_bounds = array<i64: 1000, 1>}, {pipeline_mode = #tpu.pipeline_mode<synchronous>, transform_indices = @transform_5, window_bounds = array<i64: 1, 128>}, {transform_indices = @transform_6, window_bounds = array<i64: 1000, 128>}]} {
    %get3A = arith.constant 0 : index
    %get3A_0 = arith.constant 0 : index
    %get3A_1 = vector.load %arg4[%get3A, %get3A_0] : memref<1000x1xf32, #tpu.memory_space<vmem>>, vector<1000x1xf32>
    %get3A_2 = arith.constant 0 : index
    %get3A_3 = arith.constant 0 : index
    %get3A_4 = vector.load %arg5[%get3A_2, %get3A_3] : memref<1000x1xf32, #tpu.memory_space<vmem>>, vector<1000x1xf32>
    %add3A = arith.addf %get3A_1, %get3A_4 : vector<1000x1xf32>
    %add3A_5 = arith.constant 1.000000e+00 : f32
    %add3A_6 = vector.broadcast %add3A_5 : f32 to vector<1000x1xf32>
    %add3A_7 = arith.addf %add3A, %add3A_6 : vector<1000x1xf32>
    %max3A = arith.constant 1.000000e+00 : f32
    %max3A_8 = vector.broadcast %max3A : f32 to vector<1000x1xf32>
    %max3A_9 = arith.maximumf %add3A_7, %max3A_8 : vector<1000x1xf32>
    %rsqrt3A = math.rsqrt %max3A_9 : vector<1000x1xf32>
    %get3A_10 = arith.constant 0 : index
    %get3A_11 = arith.constant 0 : index
    %get3A_12 = vector.load %arg1[%get3A_10, %get3A_11] : memref<1000x128xf32, #tpu.memory_space<vmem>>, vector<1000x128xf32>
    %get3A_13 = arith.constant 0 : index
    %get3A_14 = arith.constant 0 : index
    %get3A_15 = vector.load %arg2[%get3A_13, %get3A_14] : memref<1000x128xf32, #tpu.memory_space<vmem>>, vector<1000x128xf32>
    %add3A_16 = arith.addf %get3A_12, %get3A_15 : vector<1000x128xf32>
    %get3A_17 = arith.constant 0 : index
    %get3A_18 = arith.constant 0 : index
    %get3A_19 = vector.load %arg3[%get3A_17, %get3A_18] : memref<1000x128xf32, #tpu.memory_space<vmem>>, vector<1000x128xf32>
    %add3A_20 = arith.addf %add3A_16, %get3A_19 : vector<1000x128xf32>
    %mul3A = vector.broadcast %rsqrt3A : vector<1000x1xf32> to vector<1000x128xf32>
    %mul3A_21 = arith.mulf %add3A_20, %mul3A : vector<1000x128xf32>
    %get3A_22 = arith.constant 0 : index
    %get3A_23 = arith.constant 0 : index
    %get3A_24 = vector.load %arg6[%get3A_22, %get3A_23] : memref<1x128xf32, #tpu.memory_space<vmem>>, vector<1x128xf32>
    %add3A_25 = vector.broadcast %get3A_24 : vector<1x128xf32> to vector<1000x128xf32>
    %add3A_26 = arith.addf %mul3A_21, %add3A_25 : vector<1000x128xf32>
    %swap3A = arith.constant 0 : index
    %swap3A_27 = arith.constant 0 : index
    %swap3A_28 = vector.load %arg7[%swap3A, %swap3A_27] : memref<1000x128xf32, #tpu.memory_space<vmem>>, vector<1000x128xf32>
    tpu.vector_store %arg7[%swap3A, %swap3A_27], %add3A_26 {strides = array<i32>} : memref<1000x128xf32, #tpu.memory_space<vmem>>, vector<1000x128xf32>,
    return
  }
  func.func @transform_0(%arg0: i32) -> (i32, i32) {
    %c0_i32 = arith.constant 0 : i32
    %c0_i32_0 = arith.constant 0 : i32
    return %arg0, %c0_i32 : i32, i32
  }
  func.func @transform_1(%arg0: i32) -> (i32, i32) {
    %add3A = arith.constant 10 : i32
    %add3A_0 = arith.addi %arg0, %add3A : i32
    %c0_i32 = arith.constant 0 : i32
    %c0_i32_1 = arith.constant 0 : i32
    return %add3A_0, %c0_i32 : i32, i32
  }
  func.func @transform_2(%arg0: i32) -> (i32, i32) {
    %c0_i32 = arith.constant 0 : i32
    %c0_i32_0 = arith.constant 0 : i32
    return %arg0, %c0_i32 : i32, i32
  }
  func.func @transform_3(%arg0: i32) -> (i32, i32) {
    %c0_i32 = arith.constant 0 : i32
    %c0_i32_0 = arith.constant 0 : i32
    return %arg0, %c0_i32 : i32, i32
  }
  func.func @transform_4(%arg0: i32) -> (i32, i32) {
    %add3A = arith.constant 10 : i32
    %add3A_0 = arith.addi %arg0, %add3A : i32
    %c0_i32 = arith.constant 0 : i32
    %c0_i32_1 = arith.constant 0 : i32
    return %add3A_0, %c0_i32 : i32, i32
  }
  func.func @transform_5(%arg0: i32) -> (i32, i32) {
    %c0_i32 = arith.constant 0 : i32
    %c0_i32_0 = arith.constant 0 : i32
    %c0_i32_1 = arith.constant 0 : i32
    return %c0_i32, %c0_i32_0 : i32, i32
  }
  func.func @transform_6(%arg0: i32) -> (i32, i32) {
    %c0_i32 = arith.constant 0 : i32
    %c0_i32_0 = arith.constant 0 : i32
    return %arg0, %c0_i32 : i32, i32
  }
}

</mosaic_0001>

<sc_bundles>
// kernel: kernel.11.cloned.1.call-start
scs
__scs_entry_jumppad:
0x0: {  	(pc) =	sbr.rel $0x88, $3  }
0x1: {  	(tag) =	ssettag $0x0;
	lr =	simm.s32 $0x1  }
0x2: {  	[smem:$0x3F9A] =	sst lr;
	_ =	strace $0xD0000000  }
0x3: {  	_ = 	snop  }
0x4: {  	_ = 	snop  }
0x5: {  	_ = 	snop  }
0x6: {  	_ = 	snop  }
0x7: {  	_ = 	snop  }
__scs_overlays_trampoline_lowered:
0x8: {  	[smem:$0x3FA9] =	sst s0  }
0x9: {  	[smem:$0x3FAA] =	sst s1  }
0xa: {  	[smem:$0x3FAB] =	sst s2  }
0xb: {  	[smem:$0x3FAC] =	sst s3  }
0xc: {  	[smem:$0x3FAD] =	sst s4  }
0xd: {  	[smem:$0x3FAE] =	sst s5  }
0xe: {  	[smem:$0x3FAF] =	sst s6  }
0xf: {  	[smem:$0x3FB0] =	sst s7  }
0x10: {  	[smem:$0x3FB1] =	sst s8  }
0x11: {  	[smem:$0x3FB2] =	sst s9;
	s0 =	simm.s32 @!p0 $0x0  }
0x12: {  	s1 =	sld [smem:$0x3F98];
	s0 =	simm.s32 @p0 $0x1  }
0x13: {  	[smem:$0x3FB3] =	sst s0;
	s0 =	simm.s32 @!p1 $0x0  }
0x14: {  	s2 =	sld [smem:$0x3F97];
	s0 =	simm.s32 @p1 $0x1  }
0x15: {  	[smem:$0x3FB4] =	sst s0;
	s0 =	simm.s32 @!p2 $0x0  }
0x16: {  	s3 =	sld [smem:$0x3FDB];
	s0 =	simm.s32 @p2 $0x1  }
0x17: {  	s4 =	simm.s32 $0x1BF5;
	[smem:$0x3FB6] =	sst s0  }
0x18: {  	s0 =	sld [smem:$0x3F99];
	_ =	swait.ge [sflag:s4], $0x0  }
0x19: {  	s7 =	sld [smem:$0x3F9A]  }
0x1a: {  	s8 =	sadd.s32 $0xFFFFE003, lr  }
0x1b: {  	s9 =	sadd.s32 $0xFFFFFEF7, lr;
	s5 =	simm.s32 $0xFFFFFFFF;
	p2 =	slt.u32 s8, $0xFFFFF086  }
0x1c: {  	p1 =	slt.u32 s9, $0xF7A;
	s5 =	simm.s32 @!p2 $0x0  }
0x1d: {  	s5 =	simm.s32 @p1 $0x1;
	p0 =	seq.s32 s7, s2  }
0x1e: {  	s7 =	smul.u32 @!p0 $0xF7A, s2;
	p2 =	seq.s32 @!p0 s5, $0x0  }
0x1f: {  	s9 =	smul.u32 $0xF7A, s1;
	s8 =	simm.s32 @!p0 $0x1BF5;
	p2 =	por !p2, p0  }
0x20: {  	[sflag:s8] =	ssyncset.s32 @!p0 $0xFFFFF086;
	s6 =	sadd.s32 @!p0 s3, s7;
	s7 =	simm.s32 @!p0 $0x108  }
0x21: {  	s3 =	sadd.s32 s3, s9;
	s6 =	sadd.s32 @!p0 $0x88, s6;
	s7 =	simm.s32 @p2 $0x1082  }
0x22: {  	[simem:s7], [sflag:s8] =	dma.local @!p0 [hbm:s6], $0xF7A  }
0x23: {  	s9 =	sor.u32 $0xD0000000, s2;
	s6 =	simm.s32 $0x108;
	_ =	swait.ge @!p0 [sflag:s8], $0x0  }
0x24: {  	s3 =	sadd.s32 $0x88, s3;
	s6 =	simm.s32 @!p1 $0x1082;
	[sflag:s4] =	ssyncset.s32 $0xFFFFF086  }
0x25: {  	[simem:s6], [sflag:s4] =	dma.local [hbm:s3], $0xF7A  }
0x26: {  	[smem:$0x3F9A] =	sst s1;
	(tag) =	ssettag s2;
	_ =	strace s9  }
0x27: {  	s1 =	sld [smem:$0x3FAA]  }
0x28: {  	s2 =	sld [smem:$0x3FAB]  }
0x29: {  	s4 =	sld [smem:$0x3FAD]  }
0x2a: {  	p0 =	seq.s32 s5, $0x0;
	s5 =	sld [smem:$0x3FAE]  }
0x2b: {  	s6 =	sld [smem:$0x3FAF]  }
0x2c: {  	s7 =	sld [smem:$0x3FB0]  }
0x2d: {  	s3 =	simm.s32 $0x108;
	s8 =	sld [smem:$0x3FB1]  }
0x2e: {  	s3 =	simm.s32 @!p0 $0x1082;
	s9 =	sld [smem:$0x3FB2]  }
0x2f: {  	lr =	sadd.s32 s0, s3;
	s0 =	sld [smem:$0x3FA9]  }
0x30: {  	s3 =	sld [smem:$0x3FAC]  }
0x31: {  	[smem:$0x3FB5] =	sst s10  }
0x32: {  	s10 =	sld [smem:$0x3FB3];
	_ =	sdelay $0x3  }
0x33: {  	p0 =	seq.s32 s10, $0x1;
	s10 =	sld [smem:$0x3FB5];
	_ =	sdelay $0x3  }
0x34: {  	[smem:$0x3FB5] =	sst s10  }
0x35: {  	s10 =	sld [smem:$0x3FB4];
	_ =	sdelay $0x3  }
0x36: {  	p1 =	seq.s32 s10, $0x1;
	s10 =	sld [smem:$0x3FB5];
	_ =	sdelay $0x3  }
0x37: {  	[smem:$0x3FB5] =	sst s10  }
0x38: {  	s10 =	sld [smem:$0x3FB6]  }
0x39: {  	_ = 	snop;
	(pc) =	sbr.ind lr, $3  }
0x3a: {  	_ = 	snop  }
0x3b: {  	_ = 	snop  }
0x3c: {  	p2 =	seq.s32 s10, $0x1;
	s10 =	sld [smem:$0x3FB5]  }
0x3d: {  	_ =	shalt  }
0x3e: {  	_ =	shalt  }
0x3f: {  	_ =	shalt  }
0x40: {  	_ =	shalt  }
0x41: {  	_ =	shalt  }
0x42: {  	_ =	shalt  }
0x43: {  	_ =	shalt  }
0x44: {  	_ =	shalt  }
0x45: {  	_ =	shalt  }
0x46: {  	_ =	shalt  }
0x47: {  	_ =	shalt  }
0x48: {  	_ =	shalt  }
0x49: {  	_ =	shalt  }
0x4a: {  	_ =	shalt  }
0x4b: {  	_ =	shalt  }
0x4c: {  	_ =	shalt  }
0x4d: {  	_ =	shalt  }
0x4e: {  	_ =	shalt  }
0x4f: {  	_ =	shalt  }
0x50: {  	_ =	shalt  }
0x51: {  	_ =	shalt  }
0x52: {  	_ =	shalt  }
0x53: {  	_ =	shalt  }
0x54: {  	_ =	shalt  }
0x55: {  	_ =	shalt  }
0x56: {  	_ =	shalt  }
0x57: {  	_ =	shalt  }
0x58: {  	_ =	shalt  }
0x59: {  	_ =	shalt  }
0x5a: {  	_ =	shalt  }
0x5b: {  	_ =	shalt  }
0x5c: {  	_ =	shalt  }
0x5d: {  	_ =	shalt  }
0x5e: {  	_ =	shalt  }
0x5f: {  	_ =	shalt  }
0x60: {  	_ =	shalt  }
0x61: {  	_ =	shalt  }
0x62: {  	_ =	shalt  }
0x63: {  	_ =	shalt  }
0x64: {  	_ =	shalt  }
0x65: {  	_ =	shalt  }
0x66: {  	_ =	shalt  }
0x67: {  	_ =	shalt  }
0x68: {  	_ =	shalt  }
0x69: {  	_ =	shalt  }
0x6a: {  	_ =	shalt  }
0x6b: {  	_ =	shalt  }
0x6c: {  	_ =	shalt  }
0x6d: {  	_ =	shalt  }
0x6e: {  	_ =	shalt  }
0x6f: {  	_ =	shalt  }
0x70: {  	_ =	shalt  }
0x71: {  	_ =	shalt  }
0x72: {  	_ =	shalt  }
0x73: {  	_ =	shalt  }
0x74: {  	_ =	shalt  }
0x75: {  	_ =	shalt  }
0x76: {  	_ =	shalt  }
0x77: {  	_ =	shalt  }
0x78: {  	_ =	shalt  }
0x79: {  	_ =	shalt  }
0x7a: {  	_ =	shalt  }
0x7b: {  	_ =	shalt  }
0x7c: {  	_ =	shalt  }
0x7d: {  	_ =	shalt  }
0x7e: {  	_ =	shalt  }
0x7f: {  	_ =	shalt  }
0x80: {  	_ =	shalt  }
0x81: {  	_ =	shalt  }
0x82: {  	_ =	shalt  }
0x83: {  	_ =	shalt  }
0x84: {  	_ =	shalt  }
0x85: {  	_ =	shalt  }
0x86: {  	_ =	shalt  }
0x87: {  	_ =	shalt  }
.Lfunc_end0:
.L_simem_size_0:
called_computation.1_lowered:
.L_overlay_start_0:
0x88: {  	s2 =	sld [smem:$0x3FD9]  }
0x89: {  	s3 =	sld [smem:$0x3FFE];
	_ =	sdelay $0x1  }
0x8a: {  	s1 =	srdreg.scid  }
0x8b: {  	s0 =	sand.u32 $0x1, s1  }
0x8c: {  	s17 =	sshll.u32 s0, $0xA;
	s2 =	sadd.s32 s3, s2  }
0x8d: {  	s2 =	sadd.s32 s2, s17  }
0x8e: {  	[smem:$0x3FC1] =	sst s2  }
0x8f: {  	_ = 	snop  }
0x90: {  	s2 =	sld [smem:$0x3FD0];
	(tm) =	ssettm $0x1  }
0x91: {  	s18 =	sld [smem:$0x3FFB];
	_ =	sdelay $0x3  }
0x92: {  	_ =	strace s18  }
0x93: {  	s3 =	sld [smem:$0x3FFC];
	_ =	sdelay $0x3  }
0x94: {  	_ =	strace s3  }
0x95: {  	s3 =	sld [smem:$0x3FFD];
	_ =	sdelay $0x3  }
0x96: {  	_ =	strace s3  }
0x97: {  	_ =	strace $0x8FFFFFFF  }
0x98: {  	s19 =	sld [smem:$0x3FDB];
	_ =	sdelay $0x1  }
0x99: {  	s4 =	simm.s32 $_scs_section_size  }
0x9a: {  	s5 =	simm.s32 $_size__tile_overlayer_lowered;
	s6 =	simm.s32 $_tile_overlayer_lowered  }
0x9b: {  	s22 =	simm.s32 $0x1BFF;
	s21 =	sshll.u32 s6, $0x1;
	s3 =	sadd.s32 s4, s19  }
0x9c: {  	s7 =	simm.s32 $0x0;
	s20 =	sshll.u32 s5, $0x1;
	s5 =	sadd.s32 s21, s3  }
0x9d: {  	[timem:s7], [sflag:s22] =	dma.local [hbm:s5], s20  }
0x9e: {  	_ =	swait.ge [sflag:s22], s20  }
0x9f: {  	s4 =	ssub.s32 $0x0, s20;
	[sflag:s22] =	ssyncset.done $0x0  }
0xa0: {  	[sflag:s22] =	ssyncadd.s32 s4;
	_ =	sdelay $0x1  }
0xa1: {  	s23 =	simm.s32 $0x1B8B  }
0xa2: {  	_ =	swait.ge [sflag:s23], $0x1  }
0xa3: {  	[sflag:s23] =	ssyncset.done $0x0  }
0xa4: {  	s25 =	simm.s32 $0x1B8E;
	s24 =	sld [smem:$0x3FFE];
	[sflag:s23] =	ssyncadd.s32 $0xFFFFFFFF  }
0xa5: {  	s26 =	simm.s32 $execute0_lowered;
	[smem:$0x3FD2] =	sst s25  }
0xa6: {  	s5 =	sshll.u32 s26, $0x1;
	_ =	strace $0x80000049;
	[dreg:$0x1] =	wrdreg $0xFFFFFFFF  }
0xa7: {  	s28 =	simm.s32 $_size_execute0_lowered;
	s3 =	sadd.s32 s3, s5;
	[dreg:$0x0] =	wrdreg $0x0  }
0xa8: {  	s5 =	sshll.u32 s28, $0x1;
	[dreg:$0x2] =	wrdreg s3  }
0xa9: {  	[dreg:$0x3] =	wrdreg s5  }
0xaa: {  	[dreg:$0x4] =	wrdreg $0xC0  }
0xab: {  	_ =	task [dreg:s7], $0x5FFFF  }
0xac: {  	[dreg:$0x1] =	wrdreg $0xFFFFFFFF  }
0xad: {  	[dreg:$0x0] =	wrdreg $0x60  }
0xae: {  	[dreg:$0x2] =	wrdreg s2  }
0xaf: {  	[dreg:$0x3] =	wrdreg s24  }
0xb0: {  	[dreg:$0x4] =	wrdreg $0x84000  }
0xb1: {  	[dreg:$0x5] =	wrdreg $0x9  }
0xb2: {  	_ =	task.clear_ibuf [dreg:s7], $0x6FFFF;
	_ =	strace $0x90000049  }
0xb3: {  	s29 =	simm.s32 $0x9;
	_ =	strace $0x8000004B  }
0xb4: {  	_ =	swait.ge [sflag:s29], $0x1  }
0xb5: {  	[sflag:s29] =	ssyncadd.s32 $0xFFFFFFFF  }
0xb6: {  	_ =	strace $0x9000004B  }
0xb7: {  	_ =	sfence  }
0xb8: {  	s30 =	sld [smem:$0x0];
	_ =	sdelay $0x2  }
0xb9: {  	s31 =	sshll.u32 s1, $0xD;
	s1 =	sshrl.u32 s1, $0x2  }
0xba: {  	s3 =	sand.u32 $0x4000, s31;
	s1 =	sadd.s32 s1, s30  }
0xbb: {  	s0 =	sor.u32 s3, s0;
	s1 =	sshll.u32 s1, $0x11  }
0xbc: {  	s0 =	sor.u32 s1, s0  }
0xbd: {  	s0 =	sadd.s32 $0x8F2B, s0  }
0xbe: {  	[sflag:s0] =	ssyncadd.remote.s32 $0x1  }
0xbf: {  	_ =	sfence.sel $0xFFFF  }
0xc0: {  	[dreg:$0x0] =	wrdreg $0xFFFFFFFF;
	(pc) =	sbr.abs _section_cstart, $3  }
0xc1: {  	[dreg:$0x1] =	wrdreg $0xFFFFFFFF  }
0xc2: {  	_ =	task.clear_ibuf [dreg:s7], $0x2FFFF;
	_ =	strace $0x9FFFFFFF  }
0xc3: {  	(tm) =	ssettm $0x7FFFFFFF  }
tec
execute0_lowered:
.L_overlay_start_1:
0x0: {  	(tag) =	ssettag $0x1  }
0x1: {  	s1 =	rddreg [dreg:$0x0]  }
0x2: {  	s0 =	rddreg [dreg:$0x1]  }
0x3: {  	s2 =	rddreg [dreg:$0x2]  }
0x4: {  	s4 =	simm.s32 $0x0;
	s3 =	srdreg.scid;
	s13 =	stileid.u32  }
0x5: {  	s31 =	simm.s32 $0x1;
	s28 =	simm.s32 $0x3;
	s29 =	simm.s32 $0x4  }
0x6: {  	s30 =	simm.s32 $0x0;
	[smem:$0x7FF] =	sst s4;
	s3 =	sand.u32 $0x1, s3  }
0x7: {  	s7 =	smul.u32 $0x50000, s13;
	s5 =	sadd.s32 $0x3000, s0;
	s0 =	sadd.s32 $0x65200, s0  }
0x8: {  	s12 =	smul.u32 $0x14000, s13;
	_ =	strace $0x8000004A;
	s6 =	sshll.u32 s3, $0x4  }
0x9: {  	s8 =	ssub.s32 $0x2, s3;
	s3 =	smul.u32 $0x138800, s3;
	s6 =	sor.u32 s13, s6  }
0xa: {  	s9 =	sshrl.u32 s8, $0x1;
	s7 =	sshrl.u32 s7, $0x2;
	s6 =	smul.u32 $0x2800, s6  }
0xb: {  	s7 =	sadd.s32 s7, s2;
	s21 =	sadd.s32 s12, s3;
	s3 =	sshrl.u32 s3, $0x3  }
0xc: {  	s10 =	ssub.s32 s8, s9;
	s14 =	sadd.s32 $0x12C00, s7;
	s3 =	sadd.s32 s0, s3  }
0xd: {  	s25 =	smax.u32 s10, $0x1;
	s26 =	sadd.s32 $0x3C00, s7;
	[dreg:$0x4] =	wrdreg s14  }
0xe: {  	s18 =	sshrl.u32 s6, $0x3;
	s8 =	sadd.s32 $0x50000, s6;
	[dreg:$0xc] =	wrdreg s25  }
0xf: {  	s24 =	sadd.s32 $0x25800, s3;
	[dreg:$0xd] =	wrdreg s26;
	s11 =	sshrl.u32 s8, $0x3  }
0x10: {  	s9 =	sadd.s32 s5, s18;
	[dreg:$0xb] =	wrdreg s24;
	s11 =	sadd.s32 s5, s11  }
0x11: {  	p0 =	seq.s32 s13, $0xF;
	s19 =	sadd.s32 $0x10, s9;
	[dreg:$0x5] =	wrdreg s11  }
0x12: {  	s3 =	simm.s32 $0x2;
	s20 =	sadd.s32 $0xA010, s9;
	[dreg:$0x6] =	wrdreg s19  }
0x13: {  	s26 =	simm.s32 $0x4400;
	s22 =	sadd.s32 $0x20, s9;
	[dreg:$0x7] =	wrdreg s20  }
.Ltmp0:
0x14: {  	s23 =	sadd.s32 $0xA020, s9;
	[dreg:$0x8] =	wrdreg s22;
	(pc) =	sbr.rel .LBB2_1-.Ltmp0, $4  }
0x15: {  	s24 =	simm.s32 $0x5;
	s11 =	sshrl.u32 s21, $0x3;
	[dreg:$0x9] =	wrdreg s23  }
0x16: {  	s20 =	sadd.s32 $0x7800, s7;
	s21 =	sadd.s32 $0xB400, s7;
	s0 =	sadd.s32 s0, s11  }
0x17: {  	s22 =	sadd.s32 $0xF000, s7;
	[dreg:$0xa] =	wrdreg s0;
	s0 =	sadd.s32 $0x12C000, s2  }
0x18: {  	v0 =	vimm.f32 $0.0e+00;
	s23 =	simm.s32 $0x400;
	s25 =	sshrl.u32 @p0 s0, $0x3;
	s0 =	simm.s32 $0x7D  }
.LBB2_8:
0x19: {  	_ =	swait.ge [sflag:s3], $0x3E80  }
0x1a: {  	[sflag:s3] =	ssyncset.done $0x0  }
0x1b: {  	s10 =	sadd.s32 $0x180, s15;
	[sflag:s3] =	ssyncadd.s32 $0xFFFFC180  }
0x1c: {  	[spmem:s2] =	stream.indirect.scatter.add.f32 [tilespmem:s26], [sflag:$0x4], $0x80, s10, s0, $0xb8;
	[tilespmem:$0x1C400] =	vst v63  }
0x1d: {  	_ =	swait.ge [sflag:s28], $0x3E80  }
0x1e: {  	[sflag:s28] =	ssyncset.done $0x0  }
0x1f: {  	[sflag:s28] =	ssyncadd.s32 $0xFFFFC180  }
.LBB2_6:
0x20: {  	_ =	swait.ge [sflag:s29], $0x3E80  }
0x21: {  	[sflag:s29] =	ssyncset.done $0x0  }
0x22: {  	[sflag:s29] =	ssyncadd.s32 $0xFFFFC180  }
0x23: {  	[bflag:$0x0] =	sbarrier.arrive $0xFFFF  }
0x24: {  	s10 =	simm.s32 @p0 $0x1FC5;
	s11 =	rddreg [dreg:$0xb]  }
0x25: {  	[hbm:s11], [sflag:s10] =	dma.local @p0 [spmem:s25], $0x1900  }
0x26: {  	s10 =	simm.s32 @p0 $0x5  }
0x27: {  	s11 =	stileid.u32;
	_ =	swait.ge @p0 [sflag:s10], $0x1900  }
0x28: {  	s11 =	sshll.u32 @!p0 s11, $0x6;
	[sflag:s10] =	ssyncset.done @p0 $0x0;
	s12 =	rddreg [dreg:$0xa]  }
0x29: {  	[sflag:s10] =	ssyncadd.s32 @p0 $0xFFFFE700;
	s10 =	sor.u32 @!p0 $0x1C05, s11;
	s11 =	sshrl.u32 @!p0 s7, $0x3  }
0x2a: {  	[hbm:s12], [sflag:s10] =	dma.local @!p0 [spmem:s11], $0x2800  }
0x2b: {  	s10 =	simm.s32 @!p0 $0x5  }
0x2c: {  	_ =	swait.ge @!p0 [sflag:s10], $0x2800  }
0x2d: {  	s30 =	sadd.s32 $0x1, s30;
	s19 =	rddreg [dreg:$0xc]  }
0x2e: {  	p1 =	sne.s32 s30, s19  }
.Ltmp1:
0x2f: {  	_ = 	snop;
	(pc) =	sbr.rel @!p1 .LBB2_7-.Ltmp1, $3  }
0x30: {  	_ =	sdelay $0x1  }
0x31: {  	[sflag:s10] =	ssyncset.done @!p0 $0x0  }
0x32: {  	[sflag:s10] =	ssyncadd.s32 @!p0 $0xFFFFD800  }
.LBB2_1:
0x33: {  	s10 =	sand.u32 $0xFE00, s4  }
0x34: {  	s11 =	sand.u32 $0x70, s4;
	s12 =	sshrl.u32 s10, $0x2  }
0x35: {  	s10 =	simm.s32 $0x40;
	s12 =	sor.u32 s11, s12;
	s11 =	simm.s32 $0x0  }
.LBB2_2:
0x36: {  	p1 =	sne.s32 s10, $0xF9C0  }
0x37: {  	[tilespmem:s12+$0x400] =	vst v0;
	s11 =	sadd.s32 $0x10, s11;
	s12 =	smov.u32 s10;
	s10 =	sadd.s32 $0x40, s10  }
.Ltmp2:
0x38: {  	(pc) =	sbr.rel @p1 .LBB2_2-.Ltmp2, $4  }
0x39: {  	_ = 	snop  }
0x3a: {  	s12 =	sand.u32 $0xFE00, s12  }
0x3b: {  	s13 =	sand.u32 $0x70, s11;
	s12 =	sshrl.u32 s12, $0x2  }
0x3c: {  	s12 =	sor.u32 s13, s12  }
0x3d: {  	[tilespmem:s12+$0x400] =	vst v0  }
0x3e: {  	[spmem:s7] =	stream.linear.scatter [tilespmem:s23], [sflag:$0x5], $0x3C00, $0x38;
	[tilespmem:$0x1C400] =	vst v63  }
0x3f: {  	_ =	swait.ge [sflag:s24], $0x3C00  }
0x40: {  	[sflag:s24] =	ssyncset.done $0x0  }
0x41: {  	s10 =	rddreg [dreg:$0xd];
	[sflag:s24] =	ssyncadd.s32 $0xFFFFC400  }
0x42: {  	[spmem:s10] =	stream.linear.scatter [tilespmem:s23], [sflag:$0x5], $0x3C00, $0x38;
	[tilespmem:$0x1C400] =	vst v63  }
0x43: {  	_ =	swait.ge [sflag:s24], $0x3C00  }
0x44: {  	[sflag:s24] =	ssyncset.done $0x0  }
0x45: {  	[sflag:s24] =	ssyncadd.s32 $0xFFFFC400  }
0x46: {  	[spmem:s20] =	stream.linear.scatter [tilespmem:s23], [sflag:$0x5], $0x3C00, $0x38;
	[tilespmem:$0x1C400] =	vst v63  }
0x47: {  	_ =	swait.ge [sflag:s24], $0x3C00  }
0x48: {  	[sflag:s24] =	ssyncset.done $0x0  }
0x49: {  	[sflag:s24] =	ssyncadd.s32 $0xFFFFC400  }
0x4a: {  	[spmem:s21] =	stream.linear.scatter [tilespmem:s23], [sflag:$0x5], $0x3C00, $0x38;
	[tilespmem:$0x1C400] =	vst v63  }
0x4b: {  	_ =	swait.ge [sflag:s24], $0x3C00  }
0x4c: {  	[sflag:s24] =	ssyncset.done $0x0  }
0x4d: {  	[sflag:s24] =	ssyncadd.s32 $0xFFFFC400  }
0x4e: {  	[spmem:s22] =	stream.linear.scatter [tilespmem:s23], [sflag:$0x5], $0x3C00, $0x38;
	[tilespmem:$0x1C400] =	vst v63  }
0x4f: {  	_ =	swait.ge [sflag:s24], $0x3C00  }
0x50: {  	[sflag:s24] =	ssyncset.done $0x0  }
0x51: {  	s12 =	rddreg [dreg:$0x4];
	[sflag:s24] =	ssyncadd.s32 $0xFFFFC400  }
0x52: {  	[spmem:s12] =	stream.linear.scatter [tilespmem:s23], [sflag:$0x5], $0x1400, $0x38;
	[tilespmem:$0x1C400] =	vst v63  }
0x53: {  	_ =	swait.ge [sflag:s24], $0x1400  }
0x54: {  	[sflag:s24] =	ssyncset.done $0x0  }
0x55: {  	[sflag:s24] =	ssyncadd.s32 $0xFFFFEC00  }
0x56: {  	s10 =	simm.s32 $0x0;
	[bflag:$0x0] =	sbarrier.arrive $0xFFFF  }
0x57: {  	[tilespmem:s10], [sflag:$0x1] =	stream.linear.gather [hbm4b:s9+s10], $0x80, $0x38;
	[tilespmem:$0x1C400] =	vst v63  }
0x58: {  	s13 =	simm.s32 $0x80;
	s11 =	rddreg [dreg:$0x5]  }
0x59: {  	[tilespmem:s13], [sflag:$0x1] =	stream.linear.gather [hbm4b:s11+s10], $0x80, $0x38;
	[tilespmem:$0x1C400] =	vst v63  }
0x5a: {  	s15 =	simm.s32 $0x100;
	s14 =	rddreg [dreg:$0x6]  }
0x5b: {  	[tilespmem:s15], [sflag:$0x1] =	stream.linear.gather [hbm4b:s14+s10], $0x80, $0x38;
	[tilespmem:$0x1C400] =	vst v63  }
0x5c: {  	s17 =	simm.s32 $0x180;
	s16 =	rddreg [dreg:$0x7]  }
0x5d: {  	[tilespmem:s17], [sflag:$0x1] =	stream.linear.gather [hbm4b:s16+s10], $0x80, $0x38;
	[tilespmem:$0x1C400] =	vst v63  }
0x5e: {  	s18 =	rddreg [dreg:$0x8];
	s11 =	simm.s32 $0x200  }
0x5f: {  	[tilespmem:s11], [sflag:$0x1] =	stream.linear.gather [hbm4b:s18+s10], $0x80, $0x38;
	[tilespmem:$0x1C400] =	vst v63  }
0x60: {  	s19 =	rddreg [dreg:$0x9];
	s13 =	simm.s32 $0x280  }
0x61: {  	[tilespmem:s13], [sflag:$0x1] =	stream.linear.gather [hbm4b:s19+s10], $0x80, $0x38;
	[tilespmem:$0x1C400] =	vst v63  }
0x62: {  	_ =	swait.ge [sflag:s31], $0x80  }
0x63: {  	[sflag:s31] =	ssyncset.done $0x0  }
0x64: {  	[sflag:s31] =	ssyncadd.s32 $0xFFFFFF80  }
0x65: {  	_ =	swait.ge [sflag:s31], $0x80  }
0x66: {  	[sflag:s31] =	ssyncset.done $0x0  }
0x67: {  	s12 =	simm.s32 $0x0;
	s13 =	simm.s32 $0x0;
	[sflag:s31] =	ssyncadd.s32 $0xFFFFFF80  }
0x68: {  	[tilespmem:s23], [sflag:$0x2] =	stream.indirect.gather [hbm4b:s1+s0], $0x80, s10, s0, $0xb8;
	[tilespmem:$0x1C400] =	vst v63  }
.LBB2_4:
0x69: {  	_ =	swait.ge [sflag:s3], $0x3E80;
	s14 =	sand.u32 $0x800, s10  }
0x6a: {  	[sflag:s3] =	ssyncset.done $0x0;
	s15 =	sshrl.u32 s14, $0x2  }
0x6b: {  	p1 =	seq.s32 s11, $0x200;
	[sflag:s3] =	ssyncadd.s32 $0xFFFFC180;
	s16 =	sor.u32 $0x80, s15  }
0x6c: {  	[spmem:s2] =	stream.indirect.scatter.add.f32 [tilespmem:s23], [sflag:$0x3], $0x80, s16, s0, $0xb8;
	[tilespmem:$0x1C400] =	vst v63  }
0x6d: {  	s16 =	simm.s32 @!p1 $0x4  }
0x6e: {  	_ =	swait.ge @!p1 [sflag:s16], $0x3E80  }
0x6f: {  	[sflag:s16] =	ssyncset.done @!p1 $0x0  }
0x70: {  	[sflag:s16] =	ssyncadd.s32 @!p1 $0xFFFFC180  }
0x71: {  	_ =	swait.ge [sflag:s31], $0x80  }
0x72: {  	p1 =	seq.s32 s11, $0x2900;
	[sflag:s31] =	ssyncset.done $0x0  }
.Ltmp3:
0x73: {  	[sflag:s31] =	ssyncadd.s32 $0xFFFFFF80;
	(pc) =	sbr.rel @p1 .LBB2_8-.Ltmp3, $4  }
0x74: {  	_ =	swait.ge [sflag:s31], $0x80  }
0x75: {  	[sflag:s31] =	ssyncset.done $0x0  }
0x76: {  	s19 =	sadd.s32 $0x100, s15;
	[sflag:s31] =	ssyncadd.s32 $0xFFFFFF80  }
0x77: {  	[tilespmem:s26], [sflag:$0x2] =	stream.indirect.gather [hbm4b:s1+s0], $0x80, s19, s0, $0xb8;
	[tilespmem:$0x1C400] =	vst v63  }
0x78: {  	s16 =	sadd.s32 $0xFFFFFF80, s11  }
0x79: {  	s17 =	sand.u32 $0x7C00, s16  }
0x7a: {  	s16 =	sand.u32 $0x380, s16;
	s18 =	sadd.s32 s6, s17  }
0x7b: {  	s17 =	sadd.s32 s8, s17;
	s18 =	sor.u32 s16, s18  }
0x7c: {  	s19 =	sadd.s32 $0x300, s12;
	s16 =	sor.u32 s16, s17;
	s18 =	sshrl.u32 s18, $0x3  }
0x7d: {  	s19 =	sand.u32 $0x300, s19;
	s16 =	sshrl.u32 s16, $0x3;
	s18 =	sadd.s32 s5, s18  }
0x7e: {  	[tilespmem:s19], [sflag:$0x1] =	stream.linear.gather [hbm4b:s18+s4], $0x80, $0x38;
	[tilespmem:$0x1C400] =	vst v63  }
0x7f: {  	s16 =	sadd.s32 s5, s16;
	s19 =	sor.u32 $0x80, s19  }
0x80: {  	[tilespmem:s19], [sflag:$0x1] =	stream.linear.gather [hbm4b:s16+s4], $0x80, $0x38;
	[tilespmem:$0x1C400] =	vst v63  }
0x81: {  	_ =	swait.ge [sflag:s3], $0x3E80  }
0x82: {  	[sflag:s3] =	ssyncset.done $0x0  }
0x83: {  	s15 =	sadd.s32 $0x180, s15;
	[sflag:s3] =	ssyncadd.s32 $0xFFFFC180  }
0x84: {  	[spmem:s2] =	stream.indirect.scatter.add.f32 [tilespmem:s26], [sflag:$0x4], $0x80, s15, s0, $0xb8;
	[tilespmem:$0x1C400] =	vst v63  }
0x85: {  	_ =	swait.ge [sflag:s28], $0x3E80  }
0x86: {  	[sflag:s28] =	ssyncset.done $0x0  }
0x87: {  	[sflag:s28] =	ssyncadd.s32 $0xFFFFC180  }
0x88: {  	_ =	swait.ge [sflag:s31], $0x80  }
0x89: {  	[sflag:s31] =	ssyncset.done $0x0  }
0x8a: {  	[sflag:s31] =	ssyncadd.s32 $0xFFFFFF80  }
0x8b: {  	_ =	swait.ge [sflag:s31], $0x80  }
0x8c: {  	s14 =	sxor.u32 $0x800, s14;
	[sflag:s31] =	ssyncset.done $0x0  }
0x8d: {  	p1 =	sgt.u32 s13, $0x25;
	s14 =	sshrl.u32 s14, $0x2;
	[sflag:s31] =	ssyncadd.s32 $0xFFFFFF80  }
0x8e: {  	[tilespmem:s23], [sflag:$0x2] =	stream.indirect.gather [hbm4b:s1+s0], $0x80, s14, s0, $0xb8;
	[tilespmem:$0x1C400] =	vst v63  }
0x8f: {  	s14 =	sand.u32 @!p1 $0x7C00, s11  }
0x90: {  	s16 =	sand.u32 @!p1 $0x300, s11;
	s15 =	sadd.s32 @!p1 s6, s14  }
0x91: {  	s14 =	sadd.s32 @!p1 s8, s14;
	s15 =	sor.u32 @!p1 s16, s15  }
0x92: {  	s17 =	sand.u32 @!p1 $0x200, s12;
	s14 =	sor.u32 @!p1 s16, s14;
	s15 =	sshrl.u32 @!p1 s15, $0x3  }
0x93: {  	s18 =	simm.s32 @!p1 $0x0;
	s14 =	sshrl.u32 @!p1 s14, $0x3;
	s15 =	sadd.s32 @!p1 s5, s15  }
0x94: {  	[tilespmem:s17], [sflag:$0x1] =	stream.linear.gather @!p1 [hbm4b:s15+s18], $0x80, $0x38;
	[tilespmem:$0x1C400] =	vst v63  }
0x95: {  	s11 =	sadd.s32 $0x100, s11;
	s14 =	sadd.s32 @!p1 s5, s14;
	s15 =	sor.u32 @!p1 $0x80, s17  }
0x96: {  	[tilespmem:s15], [sflag:$0x1] =	stream.linear.gather @!p1 [hbm4b:s14+s18], $0x80, $0x38;
	[tilespmem:$0x1C400] =	vst v63  }
0x97: {  	p1 =	sne.s32 s11, $0x2A00  }
.Ltmp4:
0x98: {  	_ = 	snop;
	(pc) =	sbr.rel @p1 .LBB2_4-.Ltmp4, $4  }
.Ltmp5:
0x99: {  	_ = 	snop;
	(pc) =	sbr.rel @!p1 .LBB2_6-.Ltmp5, $4  }
0x9a: {  	_ = 	snop  }
0x9b: {  	_ = 	snop  }
0x9c: {  	s13 =	sadd.s32 $0x1, s13;
	s10 =	sadd.s32 $0x800, s10;
	s12 =	sadd.s32 $0x200, s12  }
0x9d: {  	_ = 	snop  }
.LBB2_7:
0x9e: {  	_ =	sfence.sel $0x180000  }
0x9f: {  	[bflag:$0x0] =	sbarrier.arrive $0xFFFF  }
0xa0: {  	_ =	strace $0x9000004A  }
0xa1: {  	s0 =	stileid.u32;
	[bflag:$0x2] =	sbarrier.arrive $0xFFFF  }
0xa2: {  	p0 =	sne.s32 s0, $0x0;
	s0 =	rddreg [dreg:$0x3]  }
0xa3: {  	s0 =	sadd.s32 @!p0 $0x100000, s0  }
0xa4: {  	[sflag:s0] =	ssyncadd.tile.s32 @!p0 $0x1;
	_ =	shalt  }
.Lfunc_end2:
_tile_overlayer_lowered:
.L_overlay_start_2:
0xa5: {  	(tag) =	ssettag $0x2  }
0xa6: {  	s0 =	rddreg [dreg:$0x0];
	s2 =	stileid.u32  }
0xa7: {  	s1 =	rddreg [dreg:$0x1];
	p0 =	sne.s32 s2, $0x0  }
0xa8: {  	s3 =	rddreg [dreg:$0x2];
	[bflag:$0x3] =	sbarrier.arrive $0xFFFF;
	s2 =	simm.s32 @!p0 $0x1C05  }
0xa9: {  	[timem:s3], [sflag:s2] =	dma.local @!p0 [hbm:s0], s1  }
0xaa: {  	s0 =	simm.s32 @!p0 $0x5  }
0xab: {  	_ =	swait.ge @!p0 [sflag:s0], s1  }
0xac: {  	s1 =	ssub.s32 @!p0 $0x0, s1;
	[sflag:s0] =	ssyncset.done @!p0 $0x0  }
0xad: {  	[sflag:s0] =	ssyncadd.s32 @!p0 s1  }
0xae: {  	[bflag:$0x3] =	sbarrier.arrive $0xFFFF  }
0xaf: {  	_ =	shalt  }

// kernel: kernel.14.cloned.1.call-start
scs
__scs_entry_jumppad:
0x0: {  	(pc) =	sbr.rel $0x88, $3  }
0x1: {  	(tag) =	ssettag $0x0;
	lr =	simm.s32 $0x1  }
0x2: {  	[smem:$0x3F9A] =	sst lr;
	_ =	strace $0xD0000000  }
0x3: {  	_ = 	snop  }
0x4: {  	_ = 	snop  }
0x5: {  	_ = 	snop  }
0x6: {  	_ = 	snop  }
0x7: {  	_ = 	snop  }
__scs_overlays_trampoline_lowered:
0x8: {  	[smem:$0x3FA9] =	sst s0  }
0x9: {  	[smem:$0x3FAA] =	sst s1  }
0xa: {  	[smem:$0x3FAB] =	sst s2  }
0xb: {  	[smem:$0x3FAC] =	sst s3  }
0xc: {  	[smem:$0x3FAD] =	sst s4  }
0xd: {  	[smem:$0x3FAE] =	sst s5  }
0xe: {  	[smem:$0x3FAF] =	sst s6  }
0xf: {  	[smem:$0x3FB0] =	sst s7  }
0x10: {  	[smem:$0x3FB1] =	sst s8  }
0x11: {  	[smem:$0x3FB2] =	sst s9;
	s0 =	simm.s32 @!p0 $0x0  }
0x12: {  	s1 =	sld [smem:$0x3F98];
	s0 =	simm.s32 @p0 $0x1  }
0x13: {  	[smem:$0x3FB3] =	sst s0;
	s0 =	simm.s32 @!p1 $0x0  }
0x14: {  	s2 =	sld [smem:$0x3F97];
	s0 =	simm.s32 @p1 $0x1  }
0x15: {  	[smem:$0x3FB4] =	sst s0;
	s0 =	simm.s32 @!p2 $0x0  }
0x16: {  	s3 =	sld [smem:$0x3FDB];
	s0 =	simm.s32 @p2 $0x1  }
0x17: {  	s4 =	simm.s32 $0x1BF5;
	[smem:$0x3FB6] =	sst s0  }
0x18: {  	s0 =	sld [smem:$0x3F99];
	_ =	swait.ge [sflag:s4], $0x0  }
0x19: {  	s7 =	sld [smem:$0x3F9A]  }
0x1a: {  	s8 =	sadd.s32 $0xFFFFE003, lr  }
0x1b: {  	s9 =	sadd.s32 $0xFFFFFEF7, lr;
	s5 =	simm.s32 $0xFFFFFFFF;
	p2 =	slt.u32 s8, $0xFFFFF086  }
0x1c: {  	p1 =	slt.u32 s9, $0xF7A;
	s5 =	simm.s32 @!p2 $0x0  }
0x1d: {  	s5 =	simm.s32 @p1 $0x1;
	p0 =	seq.s32 s7, s2  }
0x1e: {  	s7 =	smul.u32 @!p0 $0xF7A, s2;
	p2 =	seq.s32 @!p0 s5, $0x0  }
0x1f: {  	s9 =	smul.u32 $0xF7A, s1;
	s8 =	simm.s32 @!p0 $0x1BF5;
	p2 =	por !p2, p0  }
0x20: {  	[sflag:s8] =	ssyncset.s32 @!p0 $0xFFFFF086;
	s6 =	sadd.s32 @!p0 s3, s7;
	s7 =	simm.s32 @!p0 $0x108  }
0x21: {  	s3 =	sadd.s32 s3, s9;
	s6 =	sadd.s32 @!p0 $0x88, s6;
	s7 =	simm.s32 @p2 $0x1082  }
0x22: {  	[simem:s7], [sflag:s8] =	dma.local @!p0 [hbm:s6], $0xF7A  }
0x23: {  	s9 =	sor.u32 $0xD0000000, s2;
	s6 =	simm.s32 $0x108;
	_ =	swait.ge @!p0 [sflag:s8], $0x0  }
0x24: {  	s3 =	sadd.s32 $0x88, s3;
	s6 =	simm.s32 @!p1 $0x1082;
	[sflag:s4] =	ssyncset.s32 $0xFFFFF086  }
0x25: {  	[simem:s6], [sflag:s4] =	dma.local [hbm:s3], $0xF7A  }
0x26: {  	[smem:$0x3F9A] =	sst s1;
	(tag) =	ssettag s2;
	_ =	strace s9  }
0x27: {  	s1 =	sld [smem:$0x3FAA]  }
0x28: {  	s2 =	sld [smem:$0x3FAB]  }
0x29: {  	s4 =	sld [smem:$0x3FAD]  }
0x2a: {  	p0 =	seq.s32 s5, $0x0;
	s5 =	sld [smem:$0x3FAE]  }
0x2b: {  	s6 =	sld [smem:$0x3FAF]  }
0x2c: {  	s7 =	sld [smem:$0x3FB0]  }
0x2d: {  	s3 =	simm.s32 $0x108;
	s8 =	sld [smem:$0x3FB1]  }
0x2e: {  	s3 =	simm.s32 @!p0 $0x1082;
	s9 =	sld [smem:$0x3FB2]  }
0x2f: {  	lr =	sadd.s32 s0, s3;
	s0 =	sld [smem:$0x3FA9]  }
0x30: {  	s3 =	sld [smem:$0x3FAC]  }
0x31: {  	[smem:$0x3FB5] =	sst s10  }
0x32: {  	s10 =	sld [smem:$0x3FB3];
	_ =	sdelay $0x3  }
0x33: {  	p0 =	seq.s32 s10, $0x1;
	s10 =	sld [smem:$0x3FB5];
	_ =	sdelay $0x3  }
0x34: {  	[smem:$0x3FB5] =	sst s10  }
0x35: {  	s10 =	sld [smem:$0x3FB4];
	_ =	sdelay $0x3  }
0x36: {  	p1 =	seq.s32 s10, $0x1;
	s10 =	sld [smem:$0x3FB5];
	_ =	sdelay $0x3  }
0x37: {  	[smem:$0x3FB5] =	sst s10  }
0x38: {  	s10 =	sld [smem:$0x3FB6]  }
0x39: {  	_ = 	snop;
	(pc) =	sbr.ind lr, $3  }
0x3a: {  	_ = 	snop  }
0x3b: {  	_ = 	snop  }
0x3c: {  	p2 =	seq.s32 s10, $0x1;
	s10 =	sld [smem:$0x3FB5]  }
0x3d: {  	_ =	shalt  }
0x3e: {  	_ =	shalt  }
0x3f: {  	_ =	shalt  }
0x40: {  	_ =	shalt  }
0x41: {  	_ =	shalt  }
0x42: {  	_ =	shalt  }
0x43: {  	_ =	shalt  }
0x44: {  	_ =	shalt  }
0x45: {  	_ =	shalt  }
0x46: {  	_ =	shalt  }
0x47: {  	_ =	shalt  }
0x48: {  	_ =	shalt  }
0x49: {  	_ =	shalt  }
0x4a: {  	_ =	shalt  }
0x4b: {  	_ =	shalt  }
0x4c: {  	_ =	shalt  }
0x4d: {  	_ =	shalt  }
0x4e: {  	_ =	shalt  }
0x4f: {  	_ =	shalt  }
0x50: {  	_ =	shalt  }
0x51: {  	_ =	shalt  }
0x52: {  	_ =	shalt  }
0x53: {  	_ =	shalt  }
0x54: {  	_ =	shalt  }
0x55: {  	_ =	shalt  }
0x56: {  	_ =	shalt  }
0x57: {  	_ =	shalt  }
0x58: {  	_ =	shalt  }
0x59: {  	_ =	shalt  }
0x5a: {  	_ =	shalt  }
0x5b: {  	_ =	shalt  }
0x5c: {  	_ =	shalt  }
0x5d: {  	_ =	shalt  }
0x5e: {  	_ =	shalt  }
0x5f: {  	_ =	shalt  }
0x60: {  	_ =	shalt  }
0x61: {  	_ =	shalt  }
0x62: {  	_ =	shalt  }
0x63: {  	_ =	shalt  }
0x64: {  	_ =	shalt  }
0x65: {  	_ =	shalt  }
0x66: {  	_ =	shalt  }
0x67: {  	_ =	shalt  }
0x68: {  	_ =	shalt  }
0x69: {  	_ =	shalt  }
0x6a: {  	_ =	shalt  }
0x6b: {  	_ =	shalt  }
0x6c: {  	_ =	shalt  }
0x6d: {  	_ =	shalt  }
0x6e: {  	_ =	shalt  }
0x6f: {  	_ =	shalt  }
0x70: {  	_ =	shalt  }
0x71: {  	_ =	shalt  }
0x72: {  	_ =	shalt  }
0x73: {  	_ =	shalt  }
0x74: {  	_ =	shalt  }
0x75: {  	_ =	shalt  }
0x76: {  	_ =	shalt  }
0x77: {  	_ =	shalt  }
0x78: {  	_ =	shalt  }
0x79: {  	_ =	shalt  }
0x7a: {  	_ =	shalt  }
0x7b: {  	_ =	shalt  }
0x7c: {  	_ =	shalt  }
0x7d: {  	_ =	shalt  }
0x7e: {  	_ =	shalt  }
0x7f: {  	_ =	shalt  }
0x80: {  	_ =	shalt  }
0x81: {  	_ =	shalt  }
0x82: {  	_ =	shalt  }
0x83: {  	_ =	shalt  }
0x84: {  	_ =	shalt  }
0x85: {  	_ =	shalt  }
0x86: {  	_ =	shalt  }
0x87: {  	_ =	shalt  }
.Lfunc_end0:
.L_simem_size_0:
called_computation.2_lowered:
.L_overlay_start_0:
0x88: {  	s2 =	sld [smem:$0x3FD9]  }
0x89: {  	s3 =	sld [smem:$0x3FFE];
	_ =	sdelay $0x1  }
0x8a: {  	s1 =	srdreg.scid  }
0x8b: {  	s0 =	sand.u32 $0x1, s1  }
0x8c: {  	s17 =	sshll.u32 s0, $0xA;
	s2 =	sadd.s32 s3, s2  }
0x8d: {  	s2 =	sadd.s32 s2, s17  }
0x8e: {  	[smem:$0x3FC1] =	sst s2  }
0x8f: {  	_ = 	snop  }
0x90: {  	s2 =	sld [smem:$0x3FD0];
	(tm) =	ssettm $0x1  }
0x91: {  	s18 =	sld [smem:$0x3FFB];
	_ =	sdelay $0x3  }
0x92: {  	_ =	strace s18  }
0x93: {  	s3 =	sld [smem:$0x3FFC];
	_ =	sdelay $0x3  }
0x94: {  	_ =	strace s3  }
0x95: {  	s3 =	sld [smem:$0x3FFD];
	_ =	sdelay $0x3  }
0x96: {  	_ =	strace s3  }
0x97: {  	_ =	strace $0x8FFFFFFF  }
0x98: {  	s19 =	sld [smem:$0x3FDB];
	_ =	sdelay $0x1  }
0x99: {  	s4 =	simm.s32 $_scs_section_size  }
0x9a: {  	s5 =	simm.s32 $_size__tile_overlayer_lowered;
	s6 =	simm.s32 $_tile_overlayer_lowered  }
0x9b: {  	s22 =	simm.s32 $0x1BFF;
	s21 =	sshll.u32 s6, $0x1;
	s3 =	sadd.s32 s4, s19  }
0x9c: {  	s7 =	simm.s32 $0x0;
	s20 =	sshll.u32 s5, $0x1;
	s5 =	sadd.s32 s21, s3  }
0x9d: {  	[timem:s7], [sflag:s22] =	dma.local [hbm:s5], s20  }
0x9e: {  	_ =	swait.ge [sflag:s22], s20  }
0x9f: {  	s4 =	ssub.s32 $0x0, s20;
	[sflag:s22] =	ssyncset.done $0x0  }
0xa0: {  	[sflag:s22] =	ssyncadd.s32 s4;
	_ =	sdelay $0x1  }
0xa1: {  	s23 =	simm.s32 $0x1B8B  }
0xa2: {  	_ =	swait.ge [sflag:s23], $0x1  }
0xa3: {  	[sflag:s23] =	ssyncset.done $0x0  }
0xa4: {  	s25 =	simm.s32 $0x1B8E;
	s24 =	sld [smem:$0x3FFE];
	[sflag:s23] =	ssyncadd.s32 $0xFFFFFFFF  }
0xa5: {  	s26 =	simm.s32 $execute0_lowered;
	[smem:$0x3FD2] =	sst s25  }
0xa6: {  	s5 =	sshll.u32 s26, $0x1;
	_ =	strace $0x8000004C;
	[dreg:$0x1] =	wrdreg $0xFFFFFFFF  }
0xa7: {  	s28 =	simm.s32 $_size_execute0_lowered;
	s3 =	sadd.s32 s3, s5;
	[dreg:$0x0] =	wrdreg $0x0  }
0xa8: {  	s5 =	sshll.u32 s28, $0x1;
	[dreg:$0x2] =	wrdreg s3  }
0xa9: {  	[dreg:$0x3] =	wrdreg s5  }
0xaa: {  	[dreg:$0x4] =	wrdreg $0xC0  }
0xab: {  	_ =	task [dreg:s7], $0x5FFFF  }
0xac: {  	[dreg:$0x1] =	wrdreg $0xFFFFFFFF  }
0xad: {  	[dreg:$0x0] =	wrdreg $0x60  }
0xae: {  	[dreg:$0x2] =	wrdreg s2  }
0xaf: {  	[dreg:$0x3] =	wrdreg s24  }
0xb0: {  	[dreg:$0x4] =	wrdreg $0x84000  }
0xb1: {  	[dreg:$0x5] =	wrdreg $0x9  }
0xb2: {  	_ =	task.clear_ibuf [dreg:s7], $0x6FFFF;
	_ =	strace $0x9000004C  }
0xb3: {  	s29 =	simm.s32 $0x9;
	_ =	strace $0x8000004E  }
0xb4: {  	_ =	swait.ge [sflag:s29], $0x1  }
0xb5: {  	[sflag:s29] =	ssyncadd.s32 $0xFFFFFFFF  }
0xb6: {  	_ =	strace $0x9000004E  }
0xb7: {  	_ =	sfence  }
0xb8: {  	s30 =	sld [smem:$0x0];
	_ =	sdelay $0x2  }
0xb9: {  	s31 =	sshll.u32 s1, $0xD;
	s1 =	sshrl.u32 s1, $0x2  }
0xba: {  	s3 =	sand.u32 $0x4000, s31;
	s1 =	sadd.s32 s1, s30  }
0xbb: {  	s0 =	sor.u32 s3, s0;
	s1 =	sshll.u32 s1, $0x11  }
0xbc: {  	s0 =	sor.u32 s1, s0  }
0xbd: {  	s0 =	sadd.s32 $0x8F2B, s0  }
0xbe: {  	[sflag:s0] =	ssyncadd.remote.s32 $0x1  }
0xbf: {  	_ =	sfence.sel $0xFFFF  }
0xc0: {  	[dreg:$0x0] =	wrdreg $0xFFFFFFFF;
	(pc) =	sbr.abs _section_cstart, $3  }
0xc1: {  	[dreg:$0x1] =	wrdreg $0xFFFFFFFF  }
0xc2: {  	_ =	task.clear_ibuf [dreg:s7], $0x2FFFF;
	_ =	strace $0x9FFFFFFF  }
0xc3: {  	(tm) =	ssettm $0x7FFFFFFF  }
tec
execute0_lowered:
.L_overlay_start_1:
0x0: {  	(tag) =	ssettag $0x1  }
0x1: {  	s1 =	rddreg [dreg:$0x0]  }
0x2: {  	s0 =	rddreg [dreg:$0x1]  }
0x3: {  	s2 =	rddreg [dreg:$0x2]  }
0x4: {  	s4 =	simm.s32 $0x0;
	s3 =	srdreg.scid;
	s13 =	stileid.u32  }
0x5: {  	s31 =	simm.s32 $0x1;
	s28 =	simm.s32 $0x3;
	s29 =	simm.s32 $0x4  }
0x6: {  	s30 =	simm.s32 $0x0;
	[smem:$0x7FF] =	sst s4;
	s3 =	sand.u32 $0x1, s3  }
0x7: {  	s7 =	smul.u32 $0x50000, s13;
	s5 =	sadd.s32 $0x3000, s0;
	s0 =	sadd.s32 $0x65200, s0  }
0x8: {  	s12 =	smul.u32 $0x14000, s13;
	_ =	strace $0x8000004D;
	s6 =	sshll.u32 s3, $0x4  }
0x9: {  	s8 =	ssub.s32 $0x2, s3;
	s3 =	smul.u32 $0x138800, s3;
	s6 =	sor.u32 s13, s6  }
0xa: {  	s9 =	sshrl.u32 s8, $0x1;
	s7 =	sshrl.u32 s7, $0x2;
	s6 =	smul.u32 $0x2800, s6  }
0xb: {  	s7 =	sadd.s32 s7, s2;
	s21 =	sadd.s32 s12, s3;
	s3 =	sshrl.u32 s3, $0x3  }
0xc: {  	s10 =	ssub.s32 s8, s9;
	s14 =	sadd.s32 $0x12C00, s7;
	s3 =	sadd.s32 s0, s3  }
0xd: {  	s25 =	smax.u32 s10, $0x1;
	s26 =	sadd.s32 $0x3C00, s7;
	[dreg:$0x4] =	wrdreg s14  }
0xe: {  	s18 =	sshrl.u32 s6, $0x3;
	s8 =	sadd.s32 $0x50000, s6;
	[dreg:$0xc] =	wrdreg s25  }
0xf: {  	s24 =	sadd.s32 $0x25800, s3;
	[dreg:$0xd] =	wrdreg s26;
	s11 =	sshrl.u32 s8, $0x3  }
0x10: {  	s9 =	sadd.s32 s5, s18;
	[dreg:$0xb] =	wrdreg s24;
	s11 =	sadd.s32 s5, s11  }
0x11: {  	p0 =	seq.s32 s13, $0xF;
	s19 =	sadd.s32 $0x10, s9;
	[dreg:$0x5] =	wrdreg s11  }
0x12: {  	s3 =	simm.s32 $0x2;
	s20 =	sadd.s32 $0xA010, s9;
	[dreg:$0x6] =	wrdreg s19  }
0x13: {  	s26 =	simm.s32 $0x4400;
	s22 =	sadd.s32 $0x20, s9;
	[dreg:$0x7] =	wrdreg s20  }
.Ltmp0:
0x14: {  	s23 =	sadd.s32 $0xA020, s9;
	[dreg:$0x8] =	wrdreg s22;
	(pc) =	sbr.rel .LBB2_1-.Ltmp0, $4  }
0x15: {  	s24 =	simm.s32 $0x5;
	s11 =	sshrl.u32 s21, $0x3;
	[dreg:$0x9] =	wrdreg s23  }
0x16: {  	s20 =	sadd.s32 $0x7800, s7;
	s21 =	sadd.s32 $0xB400, s7;
	s0 =	sadd.s32 s0, s11  }
0x17: {  	s22 =	sadd.s32 $0xF000, s7;
	[dreg:$0xa] =	wrdreg s0;
	s0 =	sadd.s32 $0x12C000, s2  }
0x18: {  	v0 =	vimm.f32 $0.0e+00;
	s23 =	simm.s32 $0x400;
	s25 =	sshrl.u32 @p0 s0, $0x3;
	s0 =	simm.s32 $0x7D  }
.LBB2_8:
0x19: {  	_ =	swait.ge [sflag:s3], $0x3E80  }
0x1a: {  	[sflag:s3] =	ssyncset.done $0x0  }
0x1b: {  	s10 =	sadd.s32 $0x180, s15;
	[sflag:s3] =	ssyncadd.s32 $0xFFFFC180  }
0x1c: {  	[spmem:s2] =	stream.indirect.scatter.add.f32 [tilespmem:s26], [sflag:$0x4], $0x80, s10, s0, $0xb8;
	[tilespmem:$0x1C400] =	vst v63  }
0x1d: {  	_ =	swait.ge [sflag:s28], $0x3E80  }
0x1e: {  	[sflag:s28] =	ssyncset.done $0x0  }
0x1f: {  	[sflag:s28] =	ssyncadd.s32 $0xFFFFC180  }
.LBB2_6:
0x20: {  	_ =	swait.ge [sflag:s29], $0x3E80  }
0x21: {  	[sflag:s29] =	ssyncset.done $0x0  }
0x22: {  	[sflag:s29] =	ssyncadd.s32 $0xFFFFC180  }
0x23: {  	[bflag:$0x0] =	sbarrier.arrive $0xFFFF  }
0x24: {  	s10 =	simm.s32 @p0 $0x1FC5;
	s11 =	rddreg [dreg:$0xb]  }
0x25: {  	[hbm:s11], [sflag:s10] =	dma.local @p0 [spmem:s25], $0x1900  }
0x26: {  	s10 =	simm.s32 @p0 $0x5  }
0x27: {  	s11 =	stileid.u32;
	_ =	swait.ge @p0 [sflag:s10], $0x1900  }
0x28: {  	s11 =	sshll.u32 @!p0 s11, $0x6;
	[sflag:s10] =	ssyncset.done @p0 $0x0;
	s12 =	rddreg [dreg:$0xa]  }
0x29: {  	[sflag:s10] =	ssyncadd.s32 @p0 $0xFFFFE700;
	s10 =	sor.u32 @!p0 $0x1C05, s11;
	s11 =	sshrl.u32 @!p0 s7, $0x3  }
0x2a: {  	[hbm:s12], [sflag:s10] =	dma.local @!p0 [spmem:s11], $0x2800  }
0x2b: {  	s10 =	simm.s32 @!p0 $0x5  }
0x2c: {  	_ =	swait.ge @!p0 [sflag:s10], $0x2800  }
0x2d: {  	s30 =	sadd.s32 $0x1, s30;
	s19 =	rddreg [dreg:$0xc]  }
0x2e: {  	p1 =	sne.s32 s30, s19  }
.Ltmp1:
0x2f: {  	_ = 	snop;
	(pc) =	sbr.rel @!p1 .LBB2_7-.Ltmp1, $3  }
0x30: {  	_ =	sdelay $0x1  }
0x31: {  	[sflag:s10] =	ssyncset.done @!p0 $0x0  }
0x32: {  	[sflag:s10] =	ssyncadd.s32 @!p0 $0xFFFFD800  }
.LBB2_1:
0x33: {  	s10 =	sand.u32 $0xFE00, s4  }
0x34: {  	s11 =	sand.u32 $0x70, s4;
	s12 =	sshrl.u32 s10, $0x2  }
0x35: {  	s10 =	simm.s32 $0x40;
	s12 =	sor.u32 s11, s12;
	s11 =	simm.s32 $0x0  }
.LBB2_2:
0x36: {  	p1 =	sne.s32 s10, $0xF9C0  }
0x37: {  	[tilespmem:s12+$0x400] =	vst v0;
	s11 =	sadd.s32 $0x10, s11;
	s12 =	smov.u32 s10;
	s10 =	sadd.s32 $0x40, s10  }
.Ltmp2:
0x38: {  	(pc) =	sbr.rel @p1 .LBB2_2-.Ltmp2, $4  }
0x39: {  	_ = 	snop  }
0x3a: {  	s12 =	sand.u32 $0xFE00, s12  }
0x3b: {  	s13 =	sand.u32 $0x70, s11;
	s12 =	sshrl.u32 s12, $0x2  }
0x3c: {  	s12 =	sor.u32 s13, s12  }
0x3d: {  	[tilespmem:s12+$0x400] =	vst v0  }
0x3e: {  	[spmem:s7] =	stream.linear.scatter [tilespmem:s23], [sflag:$0x5], $0x3C00, $0x38;
	[tilespmem:$0x1C400] =	vst v63  }
0x3f: {  	_ =	swait.ge [sflag:s24], $0x3C00  }
0x40: {  	[sflag:s24] =	ssyncset.done $0x0  }
0x41: {  	s10 =	rddreg [dreg:$0xd];
	[sflag:s24] =	ssyncadd.s32 $0xFFFFC400  }
0x42: {  	[spmem:s10] =	stream.linear.scatter [tilespmem:s23], [sflag:$0x5], $0x3C00, $0x38;
	[tilespmem:$0x1C400] =	vst v63  }
0x43: {  	_ =	swait.ge [sflag:s24], $0x3C00  }
0x44: {  	[sflag:s24] =	ssyncset.done $0x0  }
0x45: {  	[sflag:s24] =	ssyncadd.s32 $0xFFFFC400  }
0x46: {  	[spmem:s20] =	stream.linear.scatter [tilespmem:s23], [sflag:$0x5], $0x3C00, $0x38;
	[tilespmem:$0x1C400] =	vst v63  }
0x47: {  	_ =	swait.ge [sflag:s24], $0x3C00  }
0x48: {  	[sflag:s24] =	ssyncset.done $0x0  }
0x49: {  	[sflag:s24] =	ssyncadd.s32 $0xFFFFC400  }
0x4a: {  	[spmem:s21] =	stream.linear.scatter [tilespmem:s23], [sflag:$0x5], $0x3C00, $0x38;
	[tilespmem:$0x1C400] =	vst v63  }
0x4b: {  	_ =	swait.ge [sflag:s24], $0x3C00  }
0x4c: {  	[sflag:s24] =	ssyncset.done $0x0  }
0x4d: {  	[sflag:s24] =	ssyncadd.s32 $0xFFFFC400  }
0x4e: {  	[spmem:s22] =	stream.linear.scatter [tilespmem:s23], [sflag:$0x5], $0x3C00, $0x38;
	[tilespmem:$0x1C400] =	vst v63  }
0x4f: {  	_ =	swait.ge [sflag:s24], $0x3C00  }
0x50: {  	[sflag:s24] =	ssyncset.done $0x0  }
0x51: {  	s12 =	rddreg [dreg:$0x4];
	[sflag:s24] =	ssyncadd.s32 $0xFFFFC400  }
0x52: {  	[spmem:s12] =	stream.linear.scatter [tilespmem:s23], [sflag:$0x5], $0x1400, $0x38;
	[tilespmem:$0x1C400] =	vst v63  }
0x53: {  	_ =	swait.ge [sflag:s24], $0x1400  }
0x54: {  	[sflag:s24] =	ssyncset.done $0x0  }
0x55: {  	[sflag:s24] =	ssyncadd.s32 $0xFFFFEC00  }
0x56: {  	s10 =	simm.s32 $0x0;
	[bflag:$0x0] =	sbarrier.arrive $0xFFFF  }
0x57: {  	[tilespmem:s10], [sflag:$0x1] =	stream.linear.gather [hbm4b:s9+s10], $0x80, $0x38;
	[tilespmem:$0x1C400] =	vst v63  }
0x58: {  	s13 =	simm.s32 $0x80;
	s11 =	rddreg [dreg:$0x5]  }
0x59: {  	[tilespmem:s13], [sflag:$0x1] =	stream.linear.gather [hbm4b:s11+s10], $0x80, $0x38;
	[tilespmem:$0x1C400] =	vst v63  }
0x5a: {  	s15 =	simm.s32 $0x100;
	s14 =	rddreg [dreg:$0x6]  }
0x5b: {  	[tilespmem:s15], [sflag:$0x1] =	stream.linear.gather [hbm4b:s14+s10], $0x80, $0x38;
	[tilespmem:$0x1C400] =	vst v63  }
0x5c: {  	s17 =	simm.s32 $0x180;
	s16 =	rddreg [dreg:$0x7]  }
0x5d: {  	[tilespmem:s17], [sflag:$0x1] =	stream.linear.gather [hbm4b:s16+s10], $0x80, $0x38;
	[tilespmem:$0x1C400] =	vst v63  }
0x5e: {  	s18 =	rddreg [dreg:$0x8];
	s11 =	simm.s32 $0x200  }
0x5f: {  	[tilespmem:s11], [sflag:$0x1] =	stream.linear.gather [hbm4b:s18+s10], $0x80, $0x38;
	[tilespmem:$0x1C400] =	vst v63  }
0x60: {  	s19 =	rddreg [dreg:$0x9];
	s13 =	simm.s32 $0x280  }
0x61: {  	[tilespmem:s13], [sflag:$0x1] =	stream.linear.gather [hbm4b:s19+s10], $0x80, $0x38;
	[tilespmem:$0x1C400] =	vst v63  }
0x62: {  	_ =	swait.ge [sflag:s31], $0x80  }
0x63: {  	[sflag:s31] =	ssyncset.done $0x0  }
0x64: {  	[sflag:s31] =	ssyncadd.s32 $0xFFFFFF80  }
0x65: {  	_ =	swait.ge [sflag:s31], $0x80  }
0x66: {  	[sflag:s31] =	ssyncset.done $0x0  }
0x67: {  	s12 =	simm.s32 $0x0;
	s13 =	simm.s32 $0x0;
	[sflag:s31] =	ssyncadd.s32 $0xFFFFFF80  }
0x68: {  	[tilespmem:s23], [sflag:$0x2] =	stream.indirect.gather [hbm4b:s1+s0], $0x80, s10, s0, $0xb8;
	[tilespmem:$0x1C400] =	vst v63  }
.LBB2_4:
0x69: {  	_ =	swait.ge [sflag:s3], $0x3E80;
	s14 =	sand.u32 $0x800, s10  }
0x6a: {  	[sflag:s3] =	ssyncset.done $0x0;
	s15 =	sshrl.u32 s14, $0x2  }
0x6b: {  	p1 =	seq.s32 s11, $0x200;
	[sflag:s3] =	ssyncadd.s32 $0xFFFFC180;
	s16 =	sor.u32 $0x80, s15  }
0x6c: {  	[spmem:s2] =	stream.indirect.scatter.add.f32 [tilespmem:s23], [sflag:$0x3], $0x80, s16, s0, $0xb8;
	[tilespmem:$0x1C400] =	vst v63  }
0x6d: {  	s16 =	simm.s32 @!p1 $0x4  }
0x6e: {  	_ =	swait.ge @!p1 [sflag:s16], $0x3E80  }
0x6f: {  	[sflag:s16] =	ssyncset.done @!p1 $0x0  }
0x70: {  	[sflag:s16] =	ssyncadd.s32 @!p1 $0xFFFFC180  }
0x71: {  	_ =	swait.ge [sflag:s31], $0x80  }
0x72: {  	p1 =	seq.s32 s11, $0x2900;
	[sflag:s31] =	ssyncset.done $0x0  }
.Ltmp3:
0x73: {  	[sflag:s31] =	ssyncadd.s32 $0xFFFFFF80;
	(pc) =	sbr.rel @p1 .LBB2_8-.Ltmp3, $4  }
0x74: {  	_ =	swait.ge [sflag:s31], $0x80  }
0x75: {  	[sflag:s31] =	ssyncset.done $0x0  }
0x76: {  	s19 =	sadd.s32 $0x100, s15;
	[sflag:s31] =	ssyncadd.s32 $0xFFFFFF80  }
0x77: {  	[tilespmem:s26], [sflag:$0x2] =	stream.indirect.gather [hbm4b:s1+s0], $0x80, s19, s0, $0xb8;
	[tilespmem:$0x1C400] =	vst v63  }
0x78: {  	s16 =	sadd.s32 $0xFFFFFF80, s11  }
0x79: {  	s17 =	sand.u32 $0x7C00, s16  }
0x7a: {  	s16 =	sand.u32 $0x380, s16;
	s18 =	sadd.s32 s6, s17  }
0x7b: {  	s17 =	sadd.s32 s8, s17;
	s18 =	sor.u32 s16, s18  }
0x7c: {  	s19 =	sadd.s32 $0x300, s12;
	s16 =	sor.u32 s16, s17;
	s18 =	sshrl.u32 s18, $0x3  }
0x7d: {  	s19 =	sand.u32 $0x300, s19;
	s16 =	sshrl.u32 s16, $0x3;
	s18 =	sadd.s32 s5, s18  }
0x7e: {  	[tilespmem:s19], [sflag:$0x1] =	stream.linear.gather [hbm4b:s18+s4], $0x80, $0x38;
	[tilespmem:$0x1C400] =	vst v63  }
0x7f: {  	s16 =	sadd.s32 s5, s16;
	s19 =	sor.u32 $0x80, s19  }
0x80: {  	[tilespmem:s19], [sflag:$0x1] =	stream.linear.gather [hbm4b:s16+s4], $0x80, $0x38;
	[tilespmem:$0x1C400] =	vst v63  }
0x81: {  	_ =	swait.ge [sflag:s3], $0x3E80  }
0x82: {  	[sflag:s3] =	ssyncset.done $0x0  }
0x83: {  	s15 =	sadd.s32 $0x180, s15;
	[sflag:s3] =	ssyncadd.s32 $0xFFFFC180  }
0x84: {  	[spmem:s2] =	stream.indirect.scatter.add.f32 [tilespmem:s26], [sflag:$0x4], $0x80, s15, s0, $0xb8;
	[tilespmem:$0x1C400] =	vst v63  }
0x85: {  	_ =	swait.ge [sflag:s28], $0x3E80  }
0x86: {  	[sflag:s28] =	ssyncset.done $0x0  }
0x87: {  	[sflag:s28] =	ssyncadd.s32 $0xFFFFC180  }
0x88: {  	_ =	swait.ge [sflag:s31], $0x80  }
0x89: {  	[sflag:s31] =	ssyncset.done $0x0  }
0x8a: {  	[sflag:s31] =	ssyncadd.s32 $0xFFFFFF80  }
0x8b: {  	_ =	swait.ge [sflag:s31], $0x80  }
0x8c: {  	s14 =	sxor.u32 $0x800, s14;
	[sflag:s31] =	ssyncset.done $0x0  }
0x8d: {  	p1 =	sgt.u32 s13, $0x25;
	s14 =	sshrl.u32 s14, $0x2;
	[sflag:s31] =	ssyncadd.s32 $0xFFFFFF80  }
0x8e: {  	[tilespmem:s23], [sflag:$0x2] =	stream.indirect.gather [hbm4b:s1+s0], $0x80, s14, s0, $0xb8;
	[tilespmem:$0x1C400] =	vst v63  }
0x8f: {  	s14 =	sand.u32 @!p1 $0x7C00, s11  }
0x90: {  	s16 =	sand.u32 @!p1 $0x300, s11;
	s15 =	sadd.s32 @!p1 s6, s14  }
0x91: {  	s14 =	sadd.s32 @!p1 s8, s14;
	s15 =	sor.u32 @!p1 s16, s15  }
0x92: {  	s17 =	sand.u32 @!p1 $0x200, s12;
	s14 =	sor.u32 @!p1 s16, s14;
	s15 =	sshrl.u32 @!p1 s15, $0x3  }
0x93: {  	s18 =	simm.s32 @!p1 $0x0;
	s14 =	sshrl.u32 @!p1 s14, $0x3;
	s15 =	sadd.s32 @!p1 s5, s15  }
0x94: {  	[tilespmem:s17], [sflag:$0x1] =	stream.linear.gather @!p1 [hbm4b:s15+s18], $0x80, $0x38;
	[tilespmem:$0x1C400] =	vst v63  }
0x95: {  	s11 =	sadd.s32 $0x100, s11;
	s14 =	sadd.s32 @!p1 s5, s14;
	s15 =	sor.u32 @!p1 $0x80, s17  }
0x96: {  	[tilespmem:s15], [sflag:$0x1] =	stream.linear.gather @!p1 [hbm4b:s14+s18], $0x80, $0x38;
	[tilespmem:$0x1C400] =	vst v63  }
0x97: {  	p1 =	sne.s32 s11, $0x2A00  }
.Ltmp4:
0x98: {  	_ = 	snop;
	(pc) =	sbr.rel @p1 .LBB2_4-.Ltmp4, $4  }
.Ltmp5:
0x99: {  	_ = 	snop;
	(pc) =	sbr.rel @!p1 .LBB2_6-.Ltmp5, $4  }
0x9a: {  	_ = 	snop  }
0x9b: {  	_ = 	snop  }
0x9c: {  	s13 =	sadd.s32 $0x1, s13;
	s10 =	sadd.s32 $0x800, s10;
	s12 =	sadd.s32 $0x200, s12  }
0x9d: {  	_ = 	snop  }
.LBB2_7:
0x9e: {  	_ =	sfence.sel $0x180000  }
0x9f: {  	[bflag:$0x0] =	sbarrier.arrive $0xFFFF  }
0xa0: {  	_ =	strace $0x9000004D  }
0xa1: {  	s0 =	stileid.u32;
	[bflag:$0x2] =	sbarrier.arrive $0xFFFF  }
0xa2: {  	p0 =	sne.s32 s0, $0x0;
	s0 =	rddreg [dreg:$0x3]  }
0xa3: {  	s0 =	sadd.s32 @!p0 $0x100000, s0  }
0xa4: {  	[sflag:s0] =	ssyncadd.tile.s32 @!p0 $0x1;
	_ =	shalt  }
.Lfunc_end2:
_tile_overlayer_lowered:
.L_overlay_start_2:
0xa5: {  	(tag) =	ssettag $0x2  }
0xa6: {  	s0 =	rddreg [dreg:$0x0];
	s2 =	stileid.u32  }
0xa7: {  	s1 =	rddreg [dreg:$0x1];
	p0 =	sne.s32 s2, $0x0  }
0xa8: {  	s3 =	rddreg [dreg:$0x2];
	[bflag:$0x3] =	sbarrier.arrive $0xFFFF;
	s2 =	simm.s32 @!p0 $0x1C05  }
0xa9: {  	[timem:s3], [sflag:s2] =	dma.local @!p0 [hbm:s0], s1  }
0xaa: {  	s0 =	simm.s32 @!p0 $0x5  }
0xab: {  	_ =	swait.ge @!p0 [sflag:s0], s1  }
0xac: {  	s1 =	ssub.s32 @!p0 $0x0, s1;
	[sflag:s0] =	ssyncset.done @!p0 $0x0  }
0xad: {  	[sflag:s0] =	ssyncadd.s32 @!p0 s1  }
0xae: {  	[bflag:$0x3] =	sbarrier.arrive $0xFFFF  }
0xaf: {  	_ =	shalt  }

// kernel: kernel.8.cloned.1.call-start
scs
__scs_entry_jumppad:
0x0: {  	(pc) =	sbr.rel $0x88, $3  }
0x1: {  	(tag) =	ssettag $0x0;
	lr =	simm.s32 $0x1  }
0x2: {  	[smem:$0x3F9A] =	sst lr;
	_ =	strace $0xD0000000  }
0x3: {  	_ = 	snop  }
0x4: {  	_ = 	snop  }
0x5: {  	_ = 	snop  }
0x6: {  	_ = 	snop  }
0x7: {  	_ = 	snop  }
__scs_overlays_trampoline_lowered:
0x8: {  	[smem:$0x3FA9] =	sst s0  }
0x9: {  	[smem:$0x3FAA] =	sst s1  }
0xa: {  	[smem:$0x3FAB] =	sst s2  }
0xb: {  	[smem:$0x3FAC] =	sst s3  }
0xc: {  	[smem:$0x3FAD] =	sst s4  }
0xd: {  	[smem:$0x3FAE] =	sst s5  }
0xe: {  	[smem:$0x3FAF] =	sst s6  }
0xf: {  	[smem:$0x3FB0] =	sst s7  }
0x10: {  	[smem:$0x3FB1] =	sst s8  }
0x11: {  	[smem:$0x3FB2] =	sst s9;
	s0 =	simm.s32 @!p0 $0x0  }
0x12: {  	s1 =	sld [smem:$0x3F98];
	s0 =	simm.s32 @p0 $0x1  }
0x13: {  	[smem:$0x3FB3] =	sst s0;
	s0 =	simm.s32 @!p1 $0x0  }
0x14: {  	s2 =	sld [smem:$0x3F97];
	s0 =	simm.s32 @p1 $0x1  }
0x15: {  	[smem:$0x3FB4] =	sst s0;
	s0 =	simm.s32 @!p2 $0x0  }
0x16: {  	s3 =	sld [smem:$0x3FDB];
	s0 =	simm.s32 @p2 $0x1  }
0x17: {  	s4 =	simm.s32 $0x1BF5;
	[smem:$0x3FB6] =	sst s0  }
0x18: {  	s0 =	sld [smem:$0x3F99];
	_ =	swait.ge [sflag:s4], $0x0  }
0x19: {  	s7 =	sld [smem:$0x3F9A]  }
0x1a: {  	s8 =	sadd.s32 $0xFFFFE003, lr  }
0x1b: {  	s9 =	sadd.s32 $0xFFFFFEF7, lr;
	s5 =	simm.s32 $0xFFFFFFFF;
	p2 =	slt.u32 s8, $0xFFFFF086  }
0x1c: {  	p1 =	slt.u32 s9, $0xF7A;
	s5 =	simm.s32 @!p2 $0x0  }
0x1d: {  	s5 =	simm.s32 @p1 $0x1;
	p0 =	seq.s32 s7, s2  }
0x1e: {  	s7 =	smul.u32 @!p0 $0xF7A, s2;
	p2 =	seq.s32 @!p0 s5, $0x0  }
0x1f: {  	s9 =	smul.u32 $0xF7A, s1;
	s8 =	simm.s32 @!p0 $0x1BF5;
	p2 =	por !p2, p0  }
0x20: {  	[sflag:s8] =	ssyncset.s32 @!p0 $0xFFFFF086;
	s6 =	sadd.s32 @!p0 s3, s7;
	s7 =	simm.s32 @!p0 $0x108  }
0x21: {  	s3 =	sadd.s32 s3, s9;
	s6 =	sadd.s32 @!p0 $0x88, s6;
	s7 =	simm.s32 @p2 $0x1082  }
0x22: {  	[simem:s7], [sflag:s8] =	dma.local @!p0 [hbm:s6], $0xF7A  }
0x23: {  	s9 =	sor.u32 $0xD0000000, s2;
	s6 =	simm.s32 $0x108;
	_ =	swait.ge @!p0 [sflag:s8], $0x0  }
0x24: {  	s3 =	sadd.s32 $0x88, s3;
	s6 =	simm.s32 @!p1 $0x1082;
	[sflag:s4] =	ssyncset.s32 $0xFFFFF086  }
0x25: {  	[simem:s6], [sflag:s4] =	dma.local [hbm:s3], $0xF7A  }
0x26: {  	[smem:$0x3F9A] =	sst s1;
	(tag) =	ssettag s2;
	_ =	strace s9  }
0x27: {  	s1 =	sld [smem:$0x3FAA]  }
0x28: {  	s2 =	sld [smem:$0x3FAB]  }
0x29: {  	s4 =	sld [smem:$0x3FAD]  }
0x2a: {  	p0 =	seq.s32 s5, $0x0;
	s5 =	sld [smem:$0x3FAE]  }
0x2b: {  	s6 =	sld [smem:$0x3FAF]  }
0x2c: {  	s7 =	sld [smem:$0x3FB0]  }
0x2d: {  	s3 =	simm.s32 $0x108;
	s8 =	sld [smem:$0x3FB1]  }
0x2e: {  	s3 =	simm.s32 @!p0 $0x1082;
	s9 =	sld [smem:$0x3FB2]  }
0x2f: {  	lr =	sadd.s32 s0, s3;
	s0 =	sld [smem:$0x3FA9]  }
0x30: {  	s3 =	sld [smem:$0x3FAC]  }
0x31: {  	[smem:$0x3FB5] =	sst s10  }
0x32: {  	s10 =	sld [smem:$0x3FB3];
	_ =	sdelay $0x3  }
0x33: {  	p0 =	seq.s32 s10, $0x1;
	s10 =	sld [smem:$0x3FB5];
	_ =	sdelay $0x3  }
0x34: {  	[smem:$0x3FB5] =	sst s10  }
0x35: {  	s10 =	sld [smem:$0x3FB4];
	_ =	sdelay $0x3  }
0x36: {  	p1 =	seq.s32 s10, $0x1;
	s10 =	sld [smem:$0x3FB5];
	_ =	sdelay $0x3  }
0x37: {  	[smem:$0x3FB5] =	sst s10  }
0x38: {  	s10 =	sld [smem:$0x3FB6]  }
0x39: {  	_ = 	snop;
	(pc) =	sbr.ind lr, $3  }
0x3a: {  	_ = 	snop  }
0x3b: {  	_ = 	snop  }
0x3c: {  	p2 =	seq.s32 s10, $0x1;
	s10 =	sld [smem:$0x3FB5]  }
0x3d: {  	_ =	shalt  }
0x3e: {  	_ =	shalt  }
0x3f: {  	_ =	shalt  }
0x40: {  	_ =	shalt  }
0x41: {  	_ =	shalt  }
0x42: {  	_ =	shalt  }
0x43: {  	_ =	shalt  }
0x44: {  	_ =	shalt  }
0x45: {  	_ =	shalt  }
0x46: {  	_ =	shalt  }
0x47: {  	_ =	shalt  }
0x48: {  	_ =	shalt  }
0x49: {  	_ =	shalt  }
0x4a: {  	_ =	shalt  }
0x4b: {  	_ =	shalt  }
0x4c: {  	_ =	shalt  }
0x4d: {  	_ =	shalt  }
0x4e: {  	_ =	shalt  }
0x4f: {  	_ =	shalt  }
0x50: {  	_ =	shalt  }
0x51: {  	_ =	shalt  }
0x52: {  	_ =	shalt  }
0x53: {  	_ =	shalt  }
0x54: {  	_ =	shalt  }
0x55: {  	_ =	shalt  }
0x56: {  	_ =	shalt  }
0x57: {  	_ =	shalt  }
0x58: {  	_ =	shalt  }
0x59: {  	_ =	shalt  }
0x5a: {  	_ =	shalt  }
0x5b: {  	_ =	shalt  }
0x5c: {  	_ =	shalt  }
0x5d: {  	_ =	shalt  }
0x5e: {  	_ =	shalt  }
0x5f: {  	_ =	shalt  }
0x60: {  	_ =	shalt  }
0x61: {  	_ =	shalt  }
0x62: {  	_ =	shalt  }
0x63: {  	_ =	shalt  }
0x64: {  	_ =	shalt  }
0x65: {  	_ =	shalt  }
0x66: {  	_ =	shalt  }
0x67: {  	_ =	shalt  }
0x68: {  	_ =	shalt  }
0x69: {  	_ =	shalt  }
0x6a: {  	_ =	shalt  }
0x6b: {  	_ =	shalt  }
0x6c: {  	_ =	shalt  }
0x6d: {  	_ =	shalt  }
0x6e: {  	_ =	shalt  }
0x6f: {  	_ =	shalt  }
0x70: {  	_ =	shalt  }
0x71: {  	_ =	shalt  }
0x72: {  	_ =	shalt  }
0x73: {  	_ =	shalt  }
0x74: {  	_ =	shalt  }
0x75: {  	_ =	shalt  }
0x76: {  	_ =	shalt  }
0x77: {  	_ =	shalt  }
0x78: {  	_ =	shalt  }
0x79: {  	_ =	shalt  }
0x7a: {  	_ =	shalt  }
0x7b: {  	_ =	shalt  }
0x7c: {  	_ =	shalt  }
0x7d: {  	_ =	shalt  }
0x7e: {  	_ =	shalt  }
0x7f: {  	_ =	shalt  }
0x80: {  	_ =	shalt  }
0x81: {  	_ =	shalt  }
0x82: {  	_ =	shalt  }
0x83: {  	_ =	shalt  }
0x84: {  	_ =	shalt  }
0x85: {  	_ =	shalt  }
0x86: {  	_ =	shalt  }
0x87: {  	_ =	shalt  }
.Lfunc_end0:
.L_simem_size_0:
called_computation_lowered:
.L_overlay_start_0:
0x88: {  	s2 =	sld [smem:$0x3FD9]  }
0x89: {  	s3 =	sld [smem:$0x3FFE];
	_ =	sdelay $0x1  }
0x8a: {  	s1 =	srdreg.scid  }
0x8b: {  	s0 =	sand.u32 $0x1, s1  }
0x8c: {  	s17 =	sshll.u32 s0, $0xA;
	s2 =	sadd.s32 s3, s2  }
0x8d: {  	s2 =	sadd.s32 s2, s17  }
0x8e: {  	[smem:$0x3FC1] =	sst s2  }
0x8f: {  	_ = 	snop  }
0x90: {  	s2 =	sld [smem:$0x3FD0];
	(tm) =	ssettm $0x1  }
0x91: {  	s18 =	sld [smem:$0x3FFB];
	_ =	sdelay $0x3  }
0x92: {  	_ =	strace s18  }
0x93: {  	s3 =	sld [smem:$0x3FFC];
	_ =	sdelay $0x3  }
0x94: {  	_ =	strace s3  }
0x95: {  	s3 =	sld [smem:$0x3FFD];
	_ =	sdelay $0x3  }
0x96: {  	_ =	strace s3  }
0x97: {  	_ =	strace $0x8FFFFFFF  }
0x98: {  	s19 =	sld [smem:$0x3FDB];
	_ =	sdelay $0x1  }
0x99: {  	s4 =	simm.s32 $_scs_section_size  }
0x9a: {  	s5 =	simm.s32 $_size__tile_overlayer_lowered;
	s6 =	simm.s32 $_tile_overlayer_lowered  }
0x9b: {  	s22 =	simm.s32 $0x1BFF;
	s21 =	sshll.u32 s6, $0x1;
	s3 =	sadd.s32 s4, s19  }
0x9c: {  	s7 =	simm.s32 $0x0;
	s20 =	sshll.u32 s5, $0x1;
	s5 =	sadd.s32 s21, s3  }
0x9d: {  	[timem:s7], [sflag:s22] =	dma.local [hbm:s5], s20  }
0x9e: {  	_ =	swait.ge [sflag:s22], s20  }
0x9f: {  	s4 =	ssub.s32 $0x0, s20;
	[sflag:s22] =	ssyncset.done $0x0  }
0xa0: {  	[sflag:s22] =	ssyncadd.s32 s4;
	_ =	sdelay $0x1  }
0xa1: {  	s23 =	simm.s32 $0x1B8B  }
0xa2: {  	_ =	swait.ge [sflag:s23], $0x1  }
0xa3: {  	[sflag:s23] =	ssyncset.done $0x0  }
0xa4: {  	s25 =	simm.s32 $0x1B8E;
	s24 =	sld [smem:$0x3FFE];
	[sflag:s23] =	ssyncadd.s32 $0xFFFFFFFF  }
0xa5: {  	s26 =	simm.s32 $execute0_lowered;
	[smem:$0x3FD2] =	sst s25  }
0xa6: {  	s5 =	sshll.u32 s26, $0x1;
	_ =	strace $0x80000046;
	[dreg:$0x1] =	wrdreg $0xFFFFFFFF  }
0xa7: {  	s28 =	simm.s32 $_size_execute0_lowered;
	s3 =	sadd.s32 s3, s5;
	[dreg:$0x0] =	wrdreg $0x0  }
0xa8: {  	s5 =	sshll.u32 s28, $0x1;
	[dreg:$0x2] =	wrdreg s3  }
0xa9: {  	[dreg:$0x3] =	wrdreg s5  }
0xaa: {  	[dreg:$0x4] =	wrdreg $0xC0  }
0xab: {  	_ =	task [dreg:s7], $0x5FFFF  }
0xac: {  	[dreg:$0x1] =	wrdreg $0xFFFFFFFF  }
0xad: {  	[dreg:$0x0] =	wrdreg $0x60  }
0xae: {  	[dreg:$0x2] =	wrdreg s24  }
0xaf: {  	[dreg:$0x3] =	wrdreg s2  }
0xb0: {  	[dreg:$0x4] =	wrdreg $0x2B000  }
0xb1: {  	[dreg:$0x5] =	wrdreg $0x9  }
0xb2: {  	_ =	task.clear_ibuf [dreg:s7], $0x6FFFF;
	_ =	strace $0x90000046  }
0xb3: {  	s29 =	simm.s32 $0x9;
	_ =	strace $0x80000048  }
0xb4: {  	_ =	swait.ge [sflag:s29], $0x1  }
0xb5: {  	[sflag:s29] =	ssyncadd.s32 $0xFFFFFFFF  }
0xb6: {  	_ =	strace $0x90000048  }
0xb7: {  	_ =	sfence  }
0xb8: {  	s30 =	sld [smem:$0x0];
	_ =	sdelay $0x2  }
0xb9: {  	s31 =	sshll.u32 s1, $0xD;
	s1 =	sshrl.u32 s1, $0x2  }
0xba: {  	s3 =	sand.u32 $0x4000, s31;
	s1 =	sadd.s32 s1, s30  }
0xbb: {  	s0 =	sor.u32 s3, s0;
	s1 =	sshll.u32 s1, $0x11  }
0xbc: {  	s0 =	sor.u32 s1, s0  }
0xbd: {  	s0 =	sadd.s32 $0x8F2B, s0  }
0xbe: {  	[sflag:s0] =	ssyncadd.remote.s32 $0x1  }
0xbf: {  	_ =	sfence.sel $0xFFFF  }
0xc0: {  	[dreg:$0x0] =	wrdreg $0xFFFFFFFF;
	(pc) =	sbr.abs _section_cstart, $3  }
0xc1: {  	[dreg:$0x1] =	wrdreg $0xFFFFFFFF  }
0xc2: {  	_ =	task.clear_ibuf [dreg:s7], $0x2FFFF;
	_ =	strace $0x9FFFFFFF  }
0xc3: {  	(tm) =	ssettm $0x7FFFFFFF  }
tec
execute0_lowered:
.L_overlay_start_1:
0x0: {  	(tag) =	ssettag $0x1  }
0x1: {  	s4 =	rddreg [dreg:$0x0]  }
0x2: {  	s0 =	srdreg.scid;
	s6 =	rddreg [dreg:$0x1]  }
0x3: {  	s2 =	rddreg [dreg:$0x2];
	s1 =	stileid.u32;
	s3 =	simm.s32 $0x0  }
0x4: {  	s12 =	simm.s32 $0x1;
	s15 =	simm.s32 $0x20;
	s16 =	simm.s32 $0x10  }
0x5: {  	s5 =	sand.u32 $0x1, s0;
	s0 =	rddreg [dreg:$0x3];
	s9 =	smul.u32 $0x500, s1  }
0x6: {  	s17 =	simm.s32 $0x0;
	[smem:$0x7FF] =	sst s3;
	s11 =	smul.u32 $0xA00, s1  }
0x7: {  	s13 =	sshll.u32 s1, $0x6;
	s7 =	sshll.u32 s5, $0x4;
	_ =	strace $0x80000047  }
0x8: {  	s8 =	ssub.s32 $0x2, s5;
	s5 =	sshll.u32 s5, $0x7;
	s7 =	sor.u32 s1, s7  }
0x9: {  	s13 =	sor.u32 $0x1C02, s13;
	s10 =	sshrl.u32 s8, $0x1;
	s7 =	smul.u32 $0x2800, s7  }
0xa: {  	s5 =	sor.u32 s5, s9;
	s30 =	sshrl.u32 s11, $0x2;
	s9 =	simm.s32 $0x2  }
0xb: {  	s11 =	simm.s32 $0x2800;
	s8 =	ssub.s32 s8, s10;
	s7 =	sshrl.u32 s7, $0x3  }
0xc: {  	s31 =	sshrl.u32 s5, $0x3;
	s10 =	simm.s32 $0x7D;
	s7 =	sadd.s32 s4, s7  }
0xd: {  	s6 =	sadd.s32 s6, s31;
	s4 =	sadd.s32 s30, s2;
	s5 =	sadd.s32 $0xD000, s7  }
0xe: {  	v0 =	vimm.f32 $1.000000000e+00;
	v1 =	vimm.f32 $0.0e+00;
	s7 =	smax.u32 s8, $0x1;
	s8 =	simm.s32 $0x2880;
	s14 =	sshrl.u32 s4, $0x3  }
.LBB2_1:
0xf: {  	[tilespmem:$0x2800] =	vst v0  }
0x10: {  	[tilespmem:$0x2810] =	vst v0  }
0x11: {  	[tilespmem:$0x2820] =	vst v0  }
0x12: {  	[tilespmem:$0x2830] =	vst v0  }
0x13: {  	[tilespmem:$0x2840] =	vst v0  }
0x14: {  	[tilespmem:$0x2850] =	vst v0  }
0x15: {  	[tilespmem:$0x2860] =	vst v0  }
0x16: {  	[tilespmem:$0x2870] =	vst v0  }
0x17: {  	[tilespmem:$0x2880] =	vst v1  }
0x18: {  	[tilespmem:$0x2890] =	vst v1  }
0x19: {  	[tilespmem:$0x28A0] =	vst v1  }
0x1a: {  	[tilespmem:$0x28B0] =	vst v1  }
0x1b: {  	[tilespmem:$0x28C0] =	vst v1  }
0x1c: {  	[tilespmem:$0x28D0] =	vst v1  }
0x1d: {  	[tilespmem:$0x28E0] =	vst v1  }
0x1e: {  	[tilespmem:$0x28F0] =	vst v1  }
0x1f: {  	[tilespmem:$0x2900] =	vst v1  }
0x20: {  	[tilespmem:$0x2910] =	vst v1  }
0x21: {  	[tilespmem:$0x2920] =	vst v1  }
0x22: {  	[tilespmem:$0x2930] =	vst v1  }
0x23: {  	[tilespmem:$0x2940] =	vst v1  }
0x24: {  	[tilespmem:$0x2950] =	vst v1  }
0x25: {  	[tilespmem:$0x2960] =	vst v1  }
0x26: {  	[tilespmem:$0x2970] =	vst v1  }
0x27: {  	[tilespmem:$0x2980] =	vst v1  }
0x28: {  	[tilespmem:$0x2990] =	vst v1  }
0x29: {  	[tilespmem:$0x29A0] =	vst v1  }
0x2a: {  	[tilespmem:$0x29B0] =	vst v1  }
0x2b: {  	[tilespmem:$0x29C0] =	vst v1  }
0x2c: {  	[tilespmem:$0x29D0] =	vst v1  }
0x2d: {  	[tilespmem:$0x29E0] =	vst v1  }
0x2e: {  	[tilespmem:$0x29F0] =	vst v1  }
0x2f: {  	[tilespmem:$0x2A00] =	vst v1  }
0x30: {  	[tilespmem:$0x2A10] =	vst v1  }
0x31: {  	[tilespmem:$0x2A20] =	vst v1  }
0x32: {  	[tilespmem:$0x2A30] =	vst v1  }
0x33: {  	[tilespmem:$0x2A40] =	vst v1  }
0x34: {  	[tilespmem:$0x2A50] =	vst v1  }
0x35: {  	[tilespmem:$0x2A60] =	vst v1  }
0x36: {  	[tilespmem:$0x2A70] =	vst v1  }
0x37: {  	[tilespmem:$0x2A80] =	vst v1  }
0x38: {  	[tilespmem:$0x2A90] =	vst v1  }
0x39: {  	[tilespmem:$0x2AA0] =	vst v1  }
0x3a: {  	[tilespmem:$0x2AB0] =	vst v1  }
0x3b: {  	[tilespmem:$0x2AC0] =	vst v1  }
0x3c: {  	[tilespmem:$0x2AD0] =	vst v1  }
0x3d: {  	[tilespmem:$0x2AE0] =	vst v1  }
0x3e: {  	[tilespmem:$0x2AF0] =	vst v1  }
0x3f: {  	[spmem:s4] =	stream.linear.scatter [tilespmem:s8], [sflag:$0x2], $0x280, $0x38;
	[tilespmem:$0x2D80] =	vst v63  }
0x40: {  	_ =	swait.ge [sflag:s9], $0x280  }
0x41: {  	[sflag:s9] =	ssyncset.done $0x0  }
0x42: {  	[sflag:s9] =	ssyncadd.s32 $0xFFFFFD80  }
0x43: {  	[tilespmem:s3], [sflag:$0x2] =	stream.linear.gather [hbm4b:s5+s3], $0x2800, $0x38;
	[tilespmem:$0x2D80] =	vst v63  }
0x44: {  	_ =	swait.ge [sflag:s9], $0x2800  }
0x45: {  	[sflag:s9] =	ssyncset.done $0x0  }
0x46: {  	[sflag:s9] =	ssyncadd.s32 $0xFFFFD800  }
0x47: {  	s18 =	simm.s32 $0x0;
	[bflag:$0x0] =	sbarrier.arrive $0xFFFF  }
0x48: {  	[spmem:s2] =	stream.indirect.scatter.add.f32 [tilespmem:s11], [sflag:$0x1], $0x1, s18, s10, $0xb8;
	[tilespmem:$0x2D80] =	vst v63  }
0x49: {  	_ =	swait.ge [sflag:s12], $0x7D  }
0x4a: {  	s18 =	simm.s32 $0x200;
	[sflag:s12] =	ssyncset.done $0x0  }
.LBB2_2:
0x4b: {  	s19 =	sshra.s32 s18, $0x2;
	[sflag:s12] =	ssyncadd.s32 $0xFFFFFF83;
	p0 =	sne.s32 s18, $0x9E00  }
0x4c: {  	[spmem:s2] =	stream.indirect.scatter.add.f32 [tilespmem:s11], [sflag:$0x1], $0x1, s19, s10, $0xb8;
	[tilespmem:$0x2D80] =	vst v63  }
.Ltmp0:
0x4d: {  	_ = 	snop;
	(pc) =	sbr.rel @p0 .LBB2_2-.Ltmp0, $4  }
0x4e: {  	_ = 	snop  }
0x4f: {  	s18 =	sadd.s32 $0x200, s18  }
0x50: {  	_ =	swait.ge [sflag:s12], $0x7D  }
0x51: {  	[sflag:s12] =	ssyncset.done $0x0  }
0x52: {  	s17 =	sadd.s32 $0x1, s17  }
0x53: {  	[sflag:s12] =	ssyncadd.s32 $0xFFFFFF83;
	p0 =	sne.s32 s17, s7  }
.Ltmp1:
0x54: {  	[bflag:$0x0] =	sbarrier.arrive $0xFFFF;
	(pc) =	sbr.rel @p0 .LBB2_1-.Ltmp1, $4  }
0x55: {  	[hbm:s6@s15], [sflag:s13] =	dma.strided [spmem:s14@s16], $0x50, s12, $0x10   }
0x56: {  	_ =	swait.ge [sflag:s9], $0x50  }
0x57: {  	[sflag:s9] =	ssyncset.done $0x0  }
0x58: {  	[sflag:s9] =	ssyncadd.s32 $0xFFFFFFB0  }
0x59: {  	_ =	sfence.sel $0x180000  }
0x5a: {  	[bflag:$0x0] =	sbarrier.arrive $0xFFFF  }
0x5b: {  	p0 =	sne.s32 s1, $0x0;
	_ =	strace $0x90000047  }
0x5c: {  	s0 =	sadd.s32 @!p0 $0x100000, s0;
	[bflag:$0x2] =	sbarrier.arrive $0xFFFF  }
0x5d: {  	[sflag:s0] =	ssyncadd.tile.s32 @!p0 $0x1;
	_ =	shalt  }
.Lfunc_end2:
_tile_overlayer_lowered:
.L_overlay_start_2:
0x5e: {  	(tag) =	ssettag $0x2  }
0x5f: {  	s0 =	rddreg [dreg:$0x0];
	s2 =	stileid.u32  }
0x60: {  	s1 =	rddreg [dreg:$0x1];
	p0 =	sne.s32 s2, $0x0  }
0x61: {  	s3 =	rddreg [dreg:$0x2];
	[bflag:$0x3] =	sbarrier.arrive $0xFFFF;
	s2 =	simm.s32 @!p0 $0x1C02  }
0x62: {  	[timem:s3], [sflag:s2] =	dma.local @!p0 [hbm:s0], s1  }
0x63: {  	s0 =	simm.s32 @!p0 $0x2  }
0x64: {  	_ =	swait.ge @!p0 [sflag:s0], s1  }
0x65: {  	s1 =	ssub.s32 @!p0 $0x0, s1;
	[sflag:s0] =	ssyncset.done @!p0 $0x0  }
0x66: {  	[sflag:s0] =	ssyncadd.s32 @!p0 s1  }
0x67: {  	[bflag:$0x3] =	sbarrier.arrive $0xFFFF  }
0x68: {  	_ =	shalt  }

</sc_bundles>
